<compile_context>
chip_gen: v7x
topology: tpu7x:2x2x1
jax: 0.10.2.dev20260603
libtpu: 0.0.44.dev20260713+nightly
codegen_flags: <defaults>
</compile_context>

<pallas_src>
import jax
import jax.numpy as jnp
from jax import lax
from jax.experimental import pallas as pl
from jax.experimental.pallas import tpu as pltpu
from jax.experimental.pallas import tpu_sc as plsc

V = 1000000
D = 100
DP = 128
B = 16384
L = 200

NC = 2
NS = 16
NW = NC * NS

N = B * L
PER_W = N // NW
CHUNK = 128
SUB = 128
NBUF = 4
STEPS = PER_W // CHUNK
UNROLL = 16
IDX_T = N // (8 * SUB)

ADD_BLOCK = 8192
ADD_GRID = -(-V // ADD_BLOCK)


def _add_body(aT_ref, bT_ref, o_ref):
    s = aT_ref[...] + bT_ref[...]
    o_ref[:, :D] = jnp.swapaxes(s, 0, 1)


def _combine(glove_table, weight):
    return pl.pallas_call(
        _add_body,
        out_shape=jax.ShapeDtypeStruct((V, DP), jnp.float32),
        grid=(ADD_GRID,),
        in_specs=[
            pl.BlockSpec((D, ADD_BLOCK), lambda i: (0, i)),
            pl.BlockSpec((D, ADD_BLOCK), lambda i: (0, i)),
        ],
        out_specs=pl.BlockSpec((ADD_BLOCK, DP), lambda i: (i, 0)),
    )(glove_table.T, weight.T)


def _gather_body(idx_hbm, tbl_hbm, out_hbm, idx_v, rows_v,
                 sg0, sg1, sg2, sg3, so0, so1, so2, so3):
    wid = lax.axis_index("s") * NC + lax.axis_index("c")
    tiles_per_w = PER_W // (8 * SUB)
    sg = (sg0, sg1, sg2, sg3)
    so = (so0, so1, so2, so3)

    def fire_gather(c_dyn, itb, row, b):
        pltpu.async_copy(
            tbl_hbm.at[idx_v.at[itb, row]], rows_v.at[b], sg[b]
        )

    def fire_out(c_dyn, b):
        out_row = wid * PER_W + c_dyn * CHUNK
        pltpu.async_copy(rows_v.at[b], out_hbm.at[pl.ds(out_row, CHUNK)], so[b])

    def wait_gather(itb, row, b):
        pltpu.make_async_copy(
            tbl_hbm.at[idx_v.at[itb, row]], rows_v.at[b], sg[b]
        ).wait()

    def wait_out(b):
        pltpu.make_async_copy(
            rows_v.at[b], out_hbm.at[pl.ds(0, CHUNK)], so[b]
        ).wait()

    pltpu.sync_copy(idx_hbm.at[wid * tiles_per_w], idx_v.at[0])
    fire_gather(0, 0, 0, 0)

    def body(k, carry):
        c0 = k * UNROLL
        for j in range(UNROLL):
            c = c0 + j
            b = j % NBUF
            itb = (j // 8) % 2
            if j % 8 == 0:
                pltpu.sync_copy(
                    idx_hbm.at[wid * tiles_per_w + c // 8], idx_v.at[itb]
                )
            @pl.when(c >= NBUF)
            def _(b=b):
                wait_out(b)

            if j == 0:
                @pl.when(k > 0)
                def _(itb=itb, b=b):
                    fire_gather(c, itb, j % 8, b)
            else:
                fire_gather(c, itb, j % 8, b)

            jp = (j - 1) % UNROLL
            bp = jp % NBUF

            @pl.when(c > 0)
            def _(c=c, bp=bp, jp=jp):
                wait_gather((jp // 8) % 2, jp % 8, bp)
                fire_out(c - 1, bp)

        return carry

    lax.fori_loop(0, STEPS // UNROLL, body, 0)
    last_b = (STEPS - 1) % NBUF
    wait_gather(((UNROLL - 1) // 8) % 2, (UNROLL - 1) % 8, last_b)
    fire_out(STEPS - 1, last_b)
    for b in range(NBUF):
        wait_out(b)


def kernel(indices, glove_table, weight):
    combined = _combine(glove_table, weight)
    idx3d = indices.reshape(IDX_T, 8, SUB).astype(jnp.int32)
    out = pl.kernel(
        _gather_body,
        out_type=jax.ShapeDtypeStruct((N, DP), jnp.float32),
        mesh=plsc.VectorSubcoreMesh(core_axis_name="c", subcore_axis_name="s"),
        compiler_params=pltpu.CompilerParams(use_tc_tiling_on_sc=True),
        scratch_types=[
            pltpu.VMEM((2, 8, SUB), jnp.int32),
            pltpu.VMEM((NBUF, CHUNK, DP), jnp.float32),
        ] + [pltpu.SemaphoreType.DMA] * 8,
    )(idx3d, combined)
    return out[:, :D].reshape(B, L, D)

# --- scband reference (transcript-rebuilt; emitter-appended) ---
"""Pipeline reference for scband-embedder-22849226014766 (READ-ONLY COPY).

The authoritative reference and input builder live on the scoring server;
editing this copy changes nothing except your own understanding.
"""

import jax, jax.numpy as jnp
import numpy as np

V = 1000000
D = 100
B = 16384
L = 200

def setup_inputs(seed: int = 0) -> dict:
    key = jax.random.key(seed)
    k1, k2, k3 = jax.random.split(key, 3)
    indices = jax.random.randint(k1, (B, L), 0, V)
    # Pretrained GloVe-style table (the dict self.embeddings, densified to a table)
    glove_table = jax.random.normal(k2, (V, D), dtype=jnp.float32)
    # Learned nn.Embedding weight (self.layer)
    weight = jax.random.normal(k3, (V, D), dtype=jnp.float32) * 0.02
    return {"indices": indices, "glove_table": glove_table, "weight": weight}

def reference(indices, glove_table, weight):
    # word_embed: vect = glove_embeddings[word_idx]; vect += self.layer(word_idx)
    vect = jnp.take(glove_table, indices, axis=0)
    vect = vect + jnp.take(weight, indices, axis=0)
    return vect

if __name__ == "__main__":
    import jax
    _d = setup_inputs()
    print(jax.jit(kernel)(*tuple(_d.values())))

</pallas_src>

<mosaic_0001>
#map = affine_map<(d0, d1) -> (0, 0, 0)>
#map1 = affine_map<(d0, d1) -> (0, 0)>
module attributes {stable_mosaic.version = 14 : i64} {
  func.func @_gather_body(%arg0: i32, %arg1: i32, %arg2: memref<3200x8x128xi32, #tpu.memory_space<hbm>>, %arg3: memref<1000000x128xf32, #tpu.memory_space<hbm>>, %arg4: memref<3276800x128xf32, #tpu.memory_space<hbm>>, %arg5: memref<2x8x128xi32, #tpu.memory_space<vmem>>, %arg6: memref<4x128x128xf32, #tpu.memory_space<vmem>>, %arg7: memref<!tpu.dma_semaphore, #tpu.memory_space<semaphore_mem>>, %arg8: memref<!tpu.dma_semaphore, #tpu.memory_space<semaphore_mem>>, %arg9: memref<!tpu.dma_semaphore, #tpu.memory_space<semaphore_mem>>, %arg10: memref<!tpu.dma_semaphore, #tpu.memory_space<semaphore_mem>>, %arg11: memref<!tpu.dma_semaphore, #tpu.memory_space<semaphore_mem>>, %arg12: memref<!tpu.dma_semaphore, #tpu.memory_space<semaphore_mem>>, %arg13: memref<!tpu.dma_semaphore, #tpu.memory_space<semaphore_mem>>, %arg14: memref<!tpu.dma_semaphore, #tpu.memory_space<semaphore_mem>>) attributes {dimension_semantics = [#tpu.dimension_semantics<core_parallel>, #tpu.dimension_semantics<subcore_parallel>], iteration_bounds = array<i64: 2, 16>, scalar_prefetch = 0 : i64, scratch_operands = 10 : i64, tpu.core_type = #tpu.core_type<sc_vector_subcore>, window_params = [{transform_indices = #map}, {transform_indices = #map1}, {transform_indices = #map1}]} {
    %mul3A = arith.constant 2 : i32
    %mul3A_0 = arith.muli %arg1, %mul3A : i32
    %add3A = arith.addi %mul3A_0, %arg0 : i32
    %mul3A_1 = arith.constant 100 : i32
    %mul3A_2 = arith.muli %add3A, %mul3A_1 : i32
    %run_scoped3A = arith.constant 0 : i32
    "tpu.region"() ({
      %run_scoped3A_109 = tpu.sem_alloc : memref<!tpu.dma_semaphore, #tpu.memory_space<semaphore_mem>>
      %dma_start3A_110 = arith.constant 0 : i32
      %dma_start3A_111 = arith.constant 0 : i32
      %dma_start3A_112 = tpu.memref_slice %arg5[%run_scoped3A, %dma_start3A_110, %dma_start3A_111] : memref<2x8x128xi32, #tpu.memory_space<vmem>> -> memref<1x8x128xi32, #tpu.memory_space<vmem>>
      %dma_start3A_113 = tpu.memref_squeeze %dma_start3A_112 : memref<1x8x128xi32, #tpu.memory_space<vmem>> -> memref<8x128xi32, #tpu.memory_space<vmem>>
      %dma_start3A_114 = arith.constant 0 : i32
      %dma_start3A_115 = arith.constant 0 : i32
      %dma_start3A_116 = tpu.memref_slice %arg2[%mul3A_2, %dma_start3A_114, %dma_start3A_115] : memref<3200x8x128xi32, #tpu.memory_space<hbm>> -> memref<1x8x128xi32, #tpu.memory_space<hbm>>
      %dma_start3A_117 = tpu.memref_squeeze %dma_start3A_116 : memref<1x8x128xi32, #tpu.memory_space<hbm>> -> memref<8x128xi32, #tpu.memory_space<hbm>>
      %dma_start3A_118 = arith.constant 0 : i32
      %dma_start3A_119 = arith.constant 0 : i32
      %dma_start3A_120 = tpu.memref_slice %arg5[%run_scoped3A, %dma_start3A_118, %dma_start3A_119] : memref<2x8x128xi32, #tpu.memory_space<vmem>> -> memref<1x8x128xi32, #tpu.memory_space<vmem>>
      %dma_start3A_121 = tpu.memref_squeeze %dma_start3A_120 : memref<1x8x128xi32, #tpu.memory_space<vmem>> -> memref<8x128xi32, #tpu.memory_space<vmem>>
      %dma_start3A_122 = arith.constant 0 : i32
      %dma_start3A_123 = arith.constant 0 : i32
      %dma_start3A_124 = tpu.memref_slice %arg2[%mul3A_2, %dma_start3A_122, %dma_start3A_123] : memref<3200x8x128xi32, #tpu.memory_space<hbm>> -> memref<1x8x128xi32, #tpu.memory_space<hbm>>
      %dma_start3A_125 = tpu.memref_squeeze %dma_start3A_124 : memref<1x8x128xi32, #tpu.memory_space<hbm>> -> memref<8x128xi32, #tpu.memory_space<hbm>>
      tpu.enqueue_dma source(%dma_start3A_125 : memref<8x128xi32, #tpu.memory_space<hbm>>) target(%dma_start3A_121 : memref<8x128xi32, #tpu.memory_space<vmem>>) target_semaphore(%run_scoped3A_109 : memref<!tpu.dma_semaphore, #tpu.memory_space<semaphore_mem>>)
      %dma_wait3A_126 = arith.constant 0 : i32
      %dma_wait3A_127 = arith.constant 0 : i32
      %dma_wait3A_128 = tpu.memref_slice %arg5[%run_scoped3A, %dma_wait3A_126, %dma_wait3A_127] : memref<2x8x128xi32, #tpu.memory_space<vmem>> -> memref<1x8x128xi32, #tpu.memory_space<vmem>>
      %dma_wait3A_129 = tpu.memref_squeeze %dma_wait3A_128 : memref<1x8x128xi32, #tpu.memory_space<vmem>> -> memref<8x128xi32, #tpu.memory_space<vmem>>
      %dma_wait3A_130 = arith.constant 0 : i32
      %dma_wait3A_131 = arith.constant 0 : i32
      %dma_wait3A_132 = tpu.memref_slice %arg2[%mul3A_2, %dma_wait3A_130, %dma_wait3A_131] : memref<3200x8x128xi32, #tpu.memory_space<hbm>> -> memref<1x8x128xi32, #tpu.memory_space<hbm>>
      %dma_wait3A_133 = tpu.memref_squeeze %dma_wait3A_132 : memref<1x8x128xi32, #tpu.memory_space<hbm>> -> memref<8x128xi32, #tpu.memory_space<hbm>>
      %dma_wait3A_134 = arith.constant 0 : i32
      %dma_wait3A_135 = arith.constant 0 : i32
      %dma_wait3A_136 = tpu.memref_slice %arg5[%run_scoped3A, %dma_wait3A_134, %dma_wait3A_135] : memref<2x8x128xi32, #tpu.memory_space<vmem>> -> memref<1x8x128xi32, #tpu.memory_space<vmem>>
      %dma_wait3A_137 = tpu.memref_squeeze %dma_wait3A_136 : memref<1x8x128xi32, #tpu.memory_space<vmem>> -> memref<8x128xi32, #tpu.memory_space<vmem>>
      %dma_wait3A_138 = arith.constant 0 : i32
      %dma_wait3A_139 = arith.constant 0 : i32
      %dma_wait3A_140 = tpu.memref_slice %arg2[%mul3A_2, %dma_wait3A_138, %dma_wait3A_139] : memref<3200x8x128xi32, #tpu.memory_space<hbm>> -> memref<1x8x128xi32, #tpu.memory_space<hbm>>
      %dma_wait3A_141 = tpu.memref_squeeze %dma_wait3A_140 : memref<1x8x128xi32, #tpu.memory_space<hbm>> -> memref<8x128xi32, #tpu.memory_space<hbm>>
      tpu.wait_dma2 semaphore(%run_scoped3A_109 : memref<!tpu.dma_semaphore, #tpu.memory_space<semaphore_mem>>) src(%dma_wait3A_141 : memref<8x128xi32, #tpu.memory_space<hbm>>) dst(%dma_wait3A_137 : memref<8x128xi32, #tpu.memory_space<vmem>>)
      tpu.yield
    }) : () -> ()
    %dma_start3A = arith.constant 0 : i32
    %dma_start3A_3 = arith.constant 0 : i32
    %dma_start3A_4 = arith.constant 0 : i32
    %dma_start3A_5 = arith.constant 0 : i32
    %dma_start3A_6 = arith.constant 0 : i32
    %dma_start3A_7 = tpu.memref_slice %arg6[%dma_start3A_4, %dma_start3A_5, %dma_start3A_6] : memref<4x128x128xf32, #tpu.memory_space<vmem>> -> memref<1x128x128xf32, #tpu.memory_space<vmem>>
    %dma_start3A_8 = tpu.memref_squeeze %dma_start3A_7 : memref<1x128x128xf32, #tpu.memory_space<vmem>> -> memref<128x128xf32, #tpu.memory_space<vmem>>
    %dma_start3A_9 = arith.constant 0 : i32
    %dma_start3A_10 = tpu.memref_slice %arg5[%dma_start3A, %dma_start3A_3, %dma_start3A_9] : memref<2x8x128xi32, #tpu.memory_space<vmem>> -> memref<1x1x128xi32, #tpu.memory_space<vmem>>
    %dma_start3A_11 = tpu.memref_squeeze %dma_start3A_10 : memref<1x1x128xi32, #tpu.memory_space<vmem>> -> memref<128xi32, #tpu.memory_space<vmem>>
    %dma_start3A_12 = arith.constant 0 : i32
    %dma_start3A_13 = arith.constant 0 : i32
    %dma_start3A_14 = tpu.memref_slice %arg3[%dma_start3A_12, %dma_start3A_13] : memref<1000000x128xf32, #tpu.memory_space<hbm>> -> memref<1000000x128xf32, #tpu.memory_space<hbm>>
    tpu.enqueue_indirect_dma source(%dma_start3A_14 : memref<1000000x128xf32, #tpu.memory_space<hbm>>) target(%dma_start3A_8 : memref<128x128xf32, #tpu.memory_space<vmem>>) offsets(%dma_start3A_11 : memref<128xi32, #tpu.memory_space<vmem>>) semaphore(%arg7 : memref<!tpu.dma_semaphore, #tpu.memory_space<semaphore_mem>>)
    %scan3A = arith.constant 0 : i32
    %scan3A_15 = arith.constant 0 : i32
    %scan3A_16 = arith.constant 50 : i32
    %scan3A_17 = arith.addi %scan3A_15, %scan3A_16 : i32
    %scan3A_18 = arith.constant 1 : i32
    scf.for %scan3A_109 = %scan3A_15 to %scan3A_17 step %scan3A_18  : i32 {
      %mul3A_110 = arith.constant 16 : i32
      %mul3A_111 = arith.muli %scan3A_109, %mul3A_110 : i32
      %add3A_112 = arith.constant 0 : i32
      %add3A_113 = arith.addi %mul3A_111, %add3A_112 : i32
      %mul3A_114 = arith.constant 100 : i32
      %mul3A_115 = arith.muli %add3A, %mul3A_114 : i32
      %jit3A = arith.constant 8 : i32
      %div3A = arith.divsi %add3A_113, %jit3A : i32
      %sign3A = arith.constant 0 : i32
      %sign3A_116 = arith.cmpi sgt, %add3A_113, %sign3A : i32
      %sign3A_117 = arith.extui %sign3A_116 : i1 to i32
      %sign3A_118 = arith.constant 0 : i32
      %sign3A_119 = arith.cmpi slt, %add3A_113, %sign3A_118 : i32
      %sign3A_120 = arith.extui %sign3A_119 : i1 to i32
      %sign3A_121 = arith.subi %sign3A_117, %sign3A_120 : i32
      %sign3A_122 = arith.constant 0 : i32
      %sign3A_123 = arith.cmpi sgt, %jit3A, %sign3A_122 : i32
      %sign3A_124 = arith.extui %sign3A_123 : i1 to i32
      %sign3A_125 = arith.constant 0 : i32
      %sign3A_126 = arith.cmpi slt, %jit3A, %sign3A_125 : i32
      %sign3A_127 = arith.extui %sign3A_126 : i1 to i32
      %sign3A_128 = arith.subi %sign3A_124, %sign3A_127 : i32
      %ne3A = arith.cmpi ne, %sign3A_121, %sign3A_128 : i32
      %rem3A = arith.remsi %add3A_113, %jit3A : i32
      %ne3A_129 = arith.constant 0 : i32
      %ne3A_130 = arith.cmpi ne, %rem3A, %ne3A_129 : i32
      %and3A = arith.andi %ne3A, %ne3A_130 : i1
      %sub3A = arith.constant 1 : i32
      %sub3A_131 = arith.subi %div3A, %sub3A : i32
      %select_n3A = arith.select %and3A, %sub3A_131, %div3A : i32
      %add3A_132 = arith.addi %mul3A_115, %select_n3A : i32
      %run_scoped3A_133 = arith.constant 0 : i32
      "tpu.region"() ({
        %run_scoped3A_548 = tpu.sem_alloc : memref<!tpu.dma_semaphore, #tpu.memory_space<semaphore_mem>>
        %dma_start3A_549 = arith.constant 0 : i32
        %dma_start3A_550 = arith.constant 0 : i32
        %dma_start3A_551 = tpu.memref_slice %arg5[%run_scoped3A_133, %dma_start3A_549, %dma_start3A_550] : memref<2x8x128xi32, #tpu.memory_space<vmem>> -> memref<1x8x128xi32, #tpu.memory_space<vmem>>
        %dma_start3A_552 = tpu.memref_squeeze %dma_start3A_551 : memref<1x8x128xi32, #tpu.memory_space<vmem>> -> memref<8x128xi32, #tpu.memory_space<vmem>>
        %dma_start3A_553 = arith.constant 0 : i32
        %dma_start3A_554 = arith.constant 0 : i32
        %dma_start3A_555 = tpu.memref_slice %arg2[%add3A_132, %dma_start3A_553, %dma_start3A_554] : memref<3200x8x128xi32, #tpu.memory_space<hbm>> -> memref<1x8x128xi32, #tpu.memory_space<hbm>>
        %dma_start3A_556 = tpu.memref_squeeze %dma_start3A_555 : memref<1x8x128xi32, #tpu.memory_space<hbm>> -> memref<8x128xi32, #tpu.memory_space<hbm>>
        %dma_start3A_557 = arith.constant 0 : i32
        %dma_start3A_558 = arith.constant 0 : i32
        %dma_start3A_559 = tpu.memref_slice %arg5[%run_scoped3A_133, %dma_start3A_557, %dma_start3A_558] : memref<2x8x128xi32, #tpu.memory_space<vmem>> -> memref<1x8x128xi32, #tpu.memory_space<vmem>>
        %dma_start3A_560 = tpu.memref_squeeze %dma_start3A_559 : memref<1x8x128xi32, #tpu.memory_space<vmem>> -> memref<8x128xi32, #tpu.memory_space<vmem>>
        %dma_start3A_561 = arith.constant 0 : i32
        %dma_start3A_562 = arith.constant 0 : i32
        %dma_start3A_563 = tpu.memref_slice %arg2[%add3A_132, %dma_start3A_561, %dma_start3A_562] : memref<3200x8x128xi32, #tpu.memory_space<hbm>> -> memref<1x8x128xi32, #tpu.memory_space<hbm>>
        %dma_start3A_564 = tpu.memref_squeeze %dma_start3A_563 : memref<1x8x128xi32, #tpu.memory_space<hbm>> -> memref<8x128xi32, #tpu.memory_space<hbm>>
        tpu.enqueue_dma source(%dma_start3A_564 : memref<8x128xi32, #tpu.memory_space<hbm>>) target(%dma_start3A_560 : memref<8x128xi32, #tpu.memory_space<vmem>>) target_semaphore(%run_scoped3A_548 : memref<!tpu.dma_semaphore, #tpu.memory_space<semaphore_mem>>)
        %dma_wait3A_565 = arith.constant 0 : i32
        %dma_wait3A_566 = arith.constant 0 : i32
        %dma_wait3A_567 = tpu.memref_slice %arg5[%run_scoped3A_133, %dma_wait3A_565, %dma_wait3A_566] : memref<2x8x128xi32, #tpu.memory_space<vmem>> -> memref<1x8x128xi32, #tpu.memory_space<vmem>>
        %dma_wait3A_568 = tpu.memref_squeeze %dma_wait3A_567 : memref<1x8x128xi32, #tpu.memory_space<vmem>> -> memref<8x128xi32, #tpu.memory_space<vmem>>
        %dma_wait3A_569 = arith.constant 0 : i32
        %dma_wait3A_570 = arith.constant 0 : i32
        %dma_wait3A_571 = tpu.memref_slice %arg2[%add3A_132, %dma_wait3A_569, %dma_wait3A_570] : memref<3200x8x128xi32, #tpu.memory_space<hbm>> -> memref<1x8x128xi32, #tpu.memory_space<hbm>>
        %dma_wait3A_572 = tpu.memref_squeeze %dma_wait3A_571 : memref<1x8x128xi32, #tpu.memory_space<hbm>> -> memref<8x128xi32, #tpu.memory_space<hbm>>
        %dma_wait3A_573 = arith.constant 0 : i32
        %dma_wait3A_574 = arith.constant 0 : i32
        %dma_wait3A_575 = tpu.memref_slice %arg5[%run_scoped3A_133, %dma_wait3A_573, %dma_wait3A_574] : memref<2x8x128xi32, #tpu.memory_space<vmem>> -> memref<1x8x128xi32, #tpu.memory_space<vmem>>
        %dma_wait3A_576 = tpu.memref_squeeze %dma_wait3A_575 : memref<1x8x128xi32, #tpu.memory_space<vmem>> -> memref<8x128xi32, #tpu.memory_space<vmem>>
        %dma_wait3A_577 = arith.constant 0 : i32
        %dma_wait3A_578 = arith.constant 0 : i32
        %dma_wait3A_579 = tpu.memref_slice %arg2[%add3A_132, %dma_wait3A_577, %dma_wait3A_578] : memref<3200x8x128xi32, #tpu.memory_space<hbm>> -> memref<1x8x128xi32, #tpu.memory_space<hbm>>
        %dma_wait3A_580 = tpu.memref_squeeze %dma_wait3A_579 : memref<1x8x128xi32, #tpu.memory_space<hbm>> -> memref<8x128xi32, #tpu.memory_space<hbm>>
        tpu.wait_dma2 semaphore(%run_scoped3A_548 : memref<!tpu.dma_semaphore, #tpu.memory_space<semaphore_mem>>) src(%dma_wait3A_580 : memref<8x128xi32, #tpu.memory_space<hbm>>) dst(%dma_wait3A_576 : memref<8x128xi32, #tpu.memory_space<vmem>>)
        tpu.yield
      }) : () -> ()
      %ge3A = arith.constant 4 : i32
      %ge3A_134 = arith.cmpi sge, %add3A_113, %ge3A : i32
      %convert_element_type3A = arith.extui %ge3A_134 : i1 to i32
      %cond3A = arith.constant 0 : i32
      %cond3A_135 = arith.cmpi ne, %convert_element_type3A, %cond3A : i32
      scf.if %cond3A_135 {
        %dma_wait3A_548 = arith.constant 0 : i32
        %dma_wait3A_549 = arith.constant 0 : i32
        %dma_wait3A_550 = arith.constant 0 : i32
        %dma_wait3A_551 = tpu.memref_slice %arg6[%dma_wait3A_548, %dma_wait3A_549, %dma_wait3A_550] : memref<4x128x128xf32, #tpu.memory_space<vmem>> -> memref<1x128x128xf32, #tpu.memory_space<vmem>>
        %dma_wait3A_552 = tpu.memref_squeeze %dma_wait3A_551 : memref<1x128x128xf32, #tpu.memory_space<vmem>> -> memref<128x128xf32, #tpu.memory_space<vmem>>
        %dma_wait3A_553 = arith.constant 0 : i32
        %dma_wait3A_554 = arith.constant 0 : i32
        %dma_wait3A_555 = tpu.memref_slice %arg4[%dma_wait3A_553, %dma_wait3A_554] : memref<3276800x128xf32, #tpu.memory_space<hbm>> -> memref<128x128xf32, #tpu.memory_space<hbm>>
        %dma_wait3A_556 = arith.constant 0 : i32
        %dma_wait3A_557 = arith.constant 0 : i32
        %dma_wait3A_558 = tpu.memref_slice %arg4[%dma_wait3A_556, %dma_wait3A_557] : memref<3276800x128xf32, #tpu.memory_space<hbm>> -> memref<128x128xf32, #tpu.memory_space<hbm>>
        %dma_wait3A_559 = arith.constant 0 : i32
        %dma_wait3A_560 = arith.constant 0 : i32
        %dma_wait3A_561 = tpu.memref_slice %arg6[%dma_wait3A_548, %dma_wait3A_559, %dma_wait3A_560] : memref<4x128x128xf32, #tpu.memory_space<vmem>> -> memref<1x128x128xf32, #tpu.memory_space<vmem>>
        %dma_wait3A_562 = tpu.memref_squeeze %dma_wait3A_561 : memref<1x128x128xf32, #tpu.memory_space<vmem>> -> memref<128x128xf32, #tpu.memory_space<vmem>>
        tpu.wait_dma2 semaphore(%arg11 : memref<!tpu.dma_semaphore, #tpu.memory_space<semaphore_mem>>) src(%dma_wait3A_562 : memref<128x128xf32, #tpu.memory_space<vmem>>) dst(%dma_wait3A_558 : memref<128x128xf32, #tpu.memory_space<hbm>>)
      } else {
      }
      %gt3A = arith.constant 0 : i32
      %gt3A_136 = arith.cmpi sgt, %scan3A_109, %gt3A : i32
      %convert_element_type3A_137 = arith.extui %gt3A_136 : i1 to i32
      %cond3A_138 = arith.constant 0 : i32
      %cond3A_139 = arith.cmpi ne, %convert_element_type3A_137, %cond3A_138 : i32
      scf.if %cond3A_139 {
        %dma_start3A_548 = arith.constant 0 : i32
        %dma_start3A_549 = arith.constant 0 : i32
        %dma_start3A_550 = arith.constant 0 : i32
        %dma_start3A_551 = arith.constant 0 : i32
        %dma_start3A_552 = arith.constant 0 : i32
        %dma_start3A_553 = tpu.memref_slice %arg6[%dma_start3A_550, %dma_start3A_551, %dma_start3A_552] : memref<4x128x128xf32, #tpu.memory_space<vmem>> -> memref<1x128x128xf32, #tpu.memory_space<vmem>>
        %dma_start3A_554 = tpu.memref_squeeze %dma_start3A_553 : memref<1x128x128xf32, #tpu.memory_space<vmem>> -> memref<128x128xf32, #tpu.memory_space<vmem>>
        %dma_start3A_555 = arith.constant 0 : i32
        %dma_start3A_556 = tpu.memref_slice %arg5[%dma_start3A_548, %dma_start3A_549, %dma_start3A_555] : memref<2x8x128xi32, #tpu.memory_space<vmem>> -> memref<1x1x128xi32, #tpu.memory_space<vmem>>
        %dma_start3A_557 = tpu.memref_squeeze %dma_start3A_556 : memref<1x1x128xi32, #tpu.memory_space<vmem>> -> memref<128xi32, #tpu.memory_space<vmem>>
        %dma_start3A_558 = arith.constant 0 : i32
        %dma_start3A_559 = arith.constant 0 : i32
        %dma_start3A_560 = tpu.memref_slice %arg3[%dma_start3A_558, %dma_start3A_559] : memref<1000000x128xf32, #tpu.memory_space<hbm>> -> memref<1000000x128xf32, #tpu.memory_space<hbm>>
        tpu.enqueue_indirect_dma source(%dma_start3A_560 : memref<1000000x128xf32, #tpu.memory_space<hbm>>) target(%dma_start3A_554 : memref<128x128xf32, #tpu.memory_space<vmem>>) offsets(%dma_start3A_557 : memref<128xi32, #tpu.memory_space<vmem>>) semaphore(%arg7 : memref<!tpu.dma_semaphore, #tpu.memory_space<semaphore_mem>>)
      } else {
      }
      %gt3A_140 = arith.constant 0 : i32
      %gt3A_141 = arith.cmpi sgt, %add3A_113, %gt3A_140 : i32
      %convert_element_type3A_142 = arith.extui %gt3A_141 : i1 to i32
      %cond3A_143 = arith.constant 0 : i32
      %cond3A_144 = arith.cmpi ne, %convert_element_type3A_142, %cond3A_143 : i32
      scf.if %cond3A_144 {
        %dma_wait3A_548 = arith.constant 1 : i32
        %dma_wait3A_549 = arith.constant 7 : i32
        %dma_wait3A_550 = arith.constant 3 : i32
        %dma_wait3A_551 = arith.constant 0 : i32
        %dma_wait3A_552 = arith.constant 0 : i32
        %dma_wait3A_553 = tpu.memref_slice %arg6[%dma_wait3A_550, %dma_wait3A_551, %dma_wait3A_552] : memref<4x128x128xf32, #tpu.memory_space<vmem>> -> memref<1x128x128xf32, #tpu.memory_space<vmem>>
        %dma_wait3A_554 = tpu.memref_squeeze %dma_wait3A_553 : memref<1x128x128xf32, #tpu.memory_space<vmem>> -> memref<128x128xf32, #tpu.memory_space<vmem>>
        %dma_wait3A_555 = arith.constant 0 : i32
        %dma_wait3A_556 = tpu.memref_slice %arg5[%dma_wait3A_548, %dma_wait3A_549, %dma_wait3A_555] : memref<2x8x128xi32, #tpu.memory_space<vmem>> -> memref<1x1x128xi32, #tpu.memory_space<vmem>>
        %dma_wait3A_557 = tpu.memref_squeeze %dma_wait3A_556 : memref<1x1x128xi32, #tpu.memory_space<vmem>> -> memref<128xi32, #tpu.memory_space<vmem>>
        %dma_wait3A_558 = arith.constant 0 : i32
        %dma_wait3A_559 = arith.constant 0 : i32
        %dma_wait3A_560 = tpu.memref_slice %arg3[%dma_wait3A_558, %dma_wait3A_559] : memref<1000000x128xf32, #tpu.memory_space<hbm>> -> memref<1000000x128xf32, #tpu.memory_space<hbm>>
        tpu.wait_indirect_dma semaphore(%arg10 : memref<!tpu.dma_semaphore, #tpu.memory_space<semaphore_mem>>) src(%dma_wait3A_560 : memref<1000000x128xf32, #tpu.memory_space<hbm>>) dst(%dma_wait3A_554 : memref<128x128xf32, #tpu.memory_space<vmem>>)
        %sub3A_561 = arith.constant 1 : i32
        %sub3A_562 = arith.subi %add3A_113, %sub3A_561 : i32
        %mul3A_563 = arith.constant 102400 : i32
        %mul3A_564 = arith.muli %add3A, %mul3A_563 : i32
        %mul3A_565 = arith.constant 128 : i32
        %mul3A_566 = arith.muli %sub3A_562, %mul3A_565 : i32
        %add3A_567 = arith.addi %mul3A_564, %mul3A_566 : i32
        %dma_start3A_568 = arith.constant 3 : i32
        %dma_start3A_569 = arith.constant 0 : i32
        %dma_start3A_570 = arith.constant 0 : i32
        %dma_start3A_571 = tpu.memref_slice %arg6[%dma_start3A_568, %dma_start3A_569, %dma_start3A_570] : memref<4x128x128xf32, #tpu.memory_space<vmem>> -> memref<1x128x128xf32, #tpu.memory_space<vmem>>
        %dma_start3A_572 = tpu.memref_squeeze %dma_start3A_571 : memref<1x128x128xf32, #tpu.memory_space<vmem>> -> memref<128x128xf32, #tpu.memory_space<vmem>>
        %dma_start3A_573 = arith.constant 0 : i32
        %dma_start3A_574 = tpu.memref_slice %arg4[%add3A_567, %dma_start3A_573] : memref<3276800x128xf32, #tpu.memory_space<hbm>> -> memref<128x128xf32, #tpu.memory_space<hbm>>
        %dma_start3A_575 = arith.constant 0 : i32
        %dma_start3A_576 = tpu.memref_slice %arg4[%add3A_567, %dma_start3A_575] : memref<3276800x128xf32, #tpu.memory_space<hbm>> -> memref<128x128xf32, #tpu.memory_space<hbm>>
        %dma_start3A_577 = arith.constant 0 : i32
        %dma_start3A_578 = arith.constant 0 : i32
        %dma_start3A_579 = tpu.memref_slice %arg6[%dma_start3A_568, %dma_start3A_577, %dma_start3A_578] : memref<4x128x128xf32, #tpu.memory_space<vmem>> -> memref<1x128x128xf32, #tpu.memory_space<vmem>>
        %dma_start3A_580 = tpu.memref_squeeze %dma_start3A_579 : memref<1x128x128xf32, #tpu.memory_space<vmem>> -> memref<128x128xf32, #tpu.memory_space<vmem>>
        tpu.enqueue_dma source(%dma_start3A_580 : memref<128x128xf32, #tpu.memory_space<vmem>>) target(%dma_start3A_576 : memref<128x128xf32, #tpu.memory_space<hbm>>) target_semaphore(%arg14 : memref<!tpu.dma_semaphore, #tpu.memory_space<semaphore_mem>>)
      } else {
      }
      %add3A_145 = arith.constant 1 : i32
      %add3A_146 = arith.addi %mul3A_111, %add3A_145 : i32
      %ge3A_147 = arith.constant 4 : i32
      %ge3A_148 = arith.cmpi sge, %add3A_146, %ge3A_147 : i32
      %convert_element_type3A_149 = arith.extui %ge3A_148 : i1 to i32
      %cond3A_150 = arith.constant 0 : i32
      %cond3A_151 = arith.cmpi ne, %convert_element_type3A_149, %cond3A_150 : i32
      scf.if %cond3A_151 {
        %dma_wait3A_548 = arith.constant 1 : i32
        %dma_wait3A_549 = arith.constant 0 : i32
        %dma_wait3A_550 = arith.constant 0 : i32
        %dma_wait3A_551 = tpu.memref_slice %arg6[%dma_wait3A_548, %dma_wait3A_549, %dma_wait3A_550] : memref<4x128x128xf32, #tpu.memory_space<vmem>> -> memref<1x128x128xf32, #tpu.memory_space<vmem>>
        %dma_wait3A_552 = tpu.memref_squeeze %dma_wait3A_551 : memref<1x128x128xf32, #tpu.memory_space<vmem>> -> memref<128x128xf32, #tpu.memory_space<vmem>>
        %dma_wait3A_553 = arith.constant 0 : i32
        %dma_wait3A_554 = arith.constant 0 : i32
        %dma_wait3A_555 = tpu.memref_slice %arg4[%dma_wait3A_553, %dma_wait3A_554] : memref<3276800x128xf32, #tpu.memory_space<hbm>> -> memref<128x128xf32, #tpu.memory_space<hbm>>
        %dma_wait3A_556 = arith.constant 0 : i32
        %dma_wait3A_557 = arith.constant 0 : i32
        %dma_wait3A_558 = tpu.memref_slice %arg4[%dma_wait3A_556, %dma_wait3A_557] : memref<3276800x128xf32, #tpu.memory_space<hbm>> -> memref<128x128xf32, #tpu.memory_space<hbm>>
        %dma_wait3A_559 = arith.constant 0 : i32
        %dma_wait3A_560 = arith.constant 0 : i32
        %dma_wait3A_561 = tpu.memref_slice %arg6[%dma_wait3A_548, %dma_wait3A_559, %dma_wait3A_560] : memref<4x128x128xf32, #tpu.memory_space<vmem>> -> memref<1x128x128xf32, #tpu.memory_space<vmem>>
        %dma_wait3A_562 = tpu.memref_squeeze %dma_wait3A_561 : memref<1x128x128xf32, #tpu.memory_space<vmem>> -> memref<128x128xf32, #tpu.memory_space<vmem>>
        tpu.wait_dma2 semaphore(%arg12 : memref<!tpu.dma_semaphore, #tpu.memory_space<semaphore_mem>>) src(%dma_wait3A_562 : memref<128x128xf32, #tpu.memory_space<vmem>>) dst(%dma_wait3A_558 : memref<128x128xf32, #tpu.memory_space<hbm>>)
      } else {
      }
      %dma_start3A_152 = arith.constant 0 : i32
      %dma_start3A_153 = arith.constant 1 : i32
      %dma_start3A_154 = arith.constant 1 : i32
      %dma_start3A_155 = arith.constant 0 : i32
      %dma_start3A_156 = arith.constant 0 : i32
      %dma_start3A_157 = tpu.memref_slice %arg6[%dma_start3A_154, %dma_start3A_155, %dma_start3A_156] : memref<4x128x128xf32, #tpu.memory_space<vmem>> -> memref<1x128x128xf32, #tpu.memory_space<vmem>>
      %dma_start3A_158 = tpu.memref_squeeze %dma_start3A_157 : memref<1x128x128xf32, #tpu.memory_space<vmem>> -> memref<128x128xf32, #tpu.memory_space<vmem>>
      %dma_start3A_159 = arith.constant 0 : i32
      %dma_start3A_160 = tpu.memref_slice %arg5[%dma_start3A_152, %dma_start3A_153, %dma_start3A_159] : memref<2x8x128xi32, #tpu.memory_space<vmem>> -> memref<1x1x128xi32, #tpu.memory_space<vmem>>
      %dma_start3A_161 = tpu.memref_squeeze %dma_start3A_160 : memref<1x1x128xi32, #tpu.memory_space<vmem>> -> memref<128xi32, #tpu.memory_space<vmem>>
      %dma_start3A_162 = arith.constant 0 : i32
      %dma_start3A_163 = arith.constant 0 : i32
      %dma_start3A_164 = tpu.memref_slice %arg3[%dma_start3A_162, %dma_start3A_163] : memref<1000000x128xf32, #tpu.memory_space<hbm>> -> memref<1000000x128xf32, #tpu.memory_space<hbm>>
      tpu.enqueue_indirect_dma source(%dma_start3A_164 : memref<1000000x128xf32, #tpu.memory_space<hbm>>) target(%dma_start3A_158 : memref<128x128xf32, #tpu.memory_space<vmem>>) offsets(%dma_start3A_161 : memref<128xi32, #tpu.memory_space<vmem>>) semaphore(%arg8 : memref<!tpu.dma_semaphore, #tpu.memory_space<semaphore_mem>>)
      %gt3A_165 = arith.constant 0 : i32
      %gt3A_166 = arith.cmpi sgt, %add3A_146, %gt3A_165 : i32
      %convert_element_type3A_167 = arith.extui %gt3A_166 : i1 to i32
      %cond3A_168 = arith.constant 0 : i32
      %cond3A_169 = arith.cmpi ne, %convert_element_type3A_167, %cond3A_168 : i32
      scf.if %cond3A_169 {
        %dma_wait3A_548 = arith.constant 0 : i32
        %dma_wait3A_549 = arith.constant 0 : i32
        %dma_wait3A_550 = arith.constant 0 : i32
        %dma_wait3A_551 = arith.constant 0 : i32
        %dma_wait3A_552 = arith.constant 0 : i32
        %dma_wait3A_553 = tpu.memref_slice %arg6[%dma_wait3A_550, %dma_wait3A_551, %dma_wait3A_552] : memref<4x128x128xf32, #tpu.memory_space<vmem>> -> memref<1x128x128xf32, #tpu.memory_space<vmem>>
        %dma_wait3A_554 = tpu.memref_squeeze %dma_wait3A_553 : memref<1x128x128xf32, #tpu.memory_space<vmem>> -> memref<128x128xf32, #tpu.memory_space<vmem>>
        %dma_wait3A_555 = arith.constant 0 : i32
        %dma_wait3A_556 = tpu.memref_slice %arg5[%dma_wait3A_548, %dma_wait3A_549, %dma_wait3A_555] : memref<2x8x128xi32, #tpu.memory_space<vmem>> -> memref<1x1x128xi32, #tpu.memory_space<vmem>>
        %dma_wait3A_557 = tpu.memref_squeeze %dma_wait3A_556 : memref<1x1x128xi32, #tpu.memory_space<vmem>> -> memref<128xi32, #tpu.memory_space<vmem>>
        %dma_wait3A_558 = arith.constant 0 : i32
        %dma_wait3A_559 = arith.constant 0 : i32
        %dma_wait3A_560 = tpu.memref_slice %arg3[%dma_wait3A_558, %dma_wait3A_559] : memref<1000000x128xf32, #tpu.memory_space<hbm>> -> memref<1000000x128xf32, #tpu.memory_space<hbm>>
        tpu.wait_indirect_dma semaphore(%arg7 : memref<!tpu.dma_semaphore, #tpu.memory_space<semaphore_mem>>) src(%dma_wait3A_560 : memref<1000000x128xf32, #tpu.memory_space<hbm>>) dst(%dma_wait3A_554 : memref<128x128xf32, #tpu.memory_space<vmem>>)
        %sub3A_561 = arith.constant 1 : i32
        %sub3A_562 = arith.subi %add3A_146, %sub3A_561 : i32
        %mul3A_563 = arith.constant 102400 : i32
        %mul3A_564 = arith.muli %add3A, %mul3A_563 : i32
        %mul3A_565 = arith.constant 128 : i32
        %mul3A_566 = arith.muli %sub3A_562, %mul3A_565 : i32
        %add3A_567 = arith.addi %mul3A_564, %mul3A_566 : i32
        %dma_start3A_568 = arith.constant 0 : i32
        %dma_start3A_569 = arith.constant 0 : i32
        %dma_start3A_570 = arith.constant 0 : i32
        %dma_start3A_571 = tpu.memref_slice %arg6[%dma_start3A_568, %dma_start3A_569, %dma_start3A_570] : memref<4x128x128xf32, #tpu.memory_space<vmem>> -> memref<1x128x128xf32, #tpu.memory_space<vmem>>
        %dma_start3A_572 = tpu.memref_squeeze %dma_start3A_571 : memref<1x128x128xf32, #tpu.memory_space<vmem>> -> memref<128x128xf32, #tpu.memory_space<vmem>>
        %dma_start3A_573 = arith.constant 0 : i32
        %dma_start3A_574 = tpu.memref_slice %arg4[%add3A_567, %dma_start3A_573] : memref<3276800x128xf32, #tpu.memory_space<hbm>> -> memref<128x128xf32, #tpu.memory_space<hbm>>
        %dma_start3A_575 = arith.constant 0 : i32
        %dma_start3A_576 = tpu.memref_slice %arg4[%add3A_567, %dma_start3A_575] : memref<3276800x128xf32, #tpu.memory_space<hbm>> -> memref<128x128xf32, #tpu.memory_space<hbm>>
        %dma_start3A_577 = arith.constant 0 : i32
        %dma_start3A_578 = arith.constant 0 : i32
        %dma_start3A_579 = tpu.memref_slice %arg6[%dma_start3A_568, %dma_start3A_577, %dma_start3A_578] : memref<4x128x128xf32, #tpu.memory_space<vmem>> -> memref<1x128x128xf32, #tpu.memory_space<vmem>>
        %dma_start3A_580 = tpu.memref_squeeze %dma_start3A_579 : memref<1x128x128xf32, #tpu.memory_space<vmem>> -> memref<128x128xf32, #tpu.memory_space<vmem>>
        tpu.enqueue_dma source(%dma_start3A_580 : memref<128x128xf32, #tpu.memory_space<vmem>>) target(%dma_start3A_576 : memref<128x128xf32, #tpu.memory_space<hbm>>) target_semaphore(%arg11 : memref<!tpu.dma_semaphore, #tpu.memory_space<semaphore_mem>>)
      } else {
      }
      %add3A_170 = arith.constant 2 : i32
      %add3A_171 = arith.addi %mul3A_111, %add3A_170 : i32
      %ge3A_172 = arith.constant 4 : i32
      %ge3A_173 = arith.cmpi sge, %add3A_171, %ge3A_172 : i32
      %convert_element_type3A_174 = arith.extui %ge3A_173 : i1 to i32
      %cond3A_175 = arith.constant 0 : i32
      %cond3A_176 = arith.cmpi ne, %convert_element_type3A_174, %cond3A_175 : i32
      scf.if %cond3A_176 {
        %dma_wait3A_548 = arith.constant 2 : i32
        %dma_wait3A_549 = arith.constant 0 : i32
        %dma_wait3A_550 = arith.constant 0 : i32
        %dma_wait3A_551 = tpu.memref_slice %arg6[%dma_wait3A_548, %dma_wait3A_549, %dma_wait3A_550] : memref<4x128x128xf32, #tpu.memory_space<vmem>> -> memref<1x128x128xf32, #tpu.memory_space<vmem>>
        %dma_wait3A_552 = tpu.memref_squeeze %dma_wait3A_551 : memref<1x128x128xf32, #tpu.memory_space<vmem>> -> memref<128x128xf32, #tpu.memory_space<vmem>>
        %dma_wait3A_553 = arith.constant 0 : i32
        %dma_wait3A_554 = arith.constant 0 : i32
        %dma_wait3A_555 = tpu.memref_slice %arg4[%dma_wait3A_553, %dma_wait3A_554] : memref<3276800x128xf32, #tpu.memory_space<hbm>> -> memref<128x128xf32, #tpu.memory_space<hbm>>
        %dma_wait3A_556 = arith.constant 0 : i32
        %dma_wait3A_557 = arith.constant 0 : i32
        %dma_wait3A_558 = tpu.memref_slice %arg4[%dma_wait3A_556, %dma_wait3A_557] : memref<3276800x128xf32, #tpu.memory_space<hbm>> -> memref<128x128xf32, #tpu.memory_space<hbm>>
        %dma_wait3A_559 = arith.constant 0 : i32
        %dma_wait3A_560 = arith.constant 0 : i32
        %dma_wait3A_561 = tpu.memref_slice %arg6[%dma_wait3A_548, %dma_wait3A_559, %dma_wait3A_560] : memref<4x128x128xf32, #tpu.memory_space<vmem>> -> memref<1x128x128xf32, #tpu.memory_space<vmem>>
        %dma_wait3A_562 = tpu.memref_squeeze %dma_wait3A_561 : memref<1x128x128xf32, #tpu.memory_space<vmem>> -> memref<128x128xf32, #tpu.memory_space<vmem>>
        tpu.wait_dma2 semaphore(%arg13 : memref<!tpu.dma_semaphore, #tpu.memory_space<semaphore_mem>>) src(%dma_wait3A_562 : memref<128x128xf32, #tpu.memory_space<vmem>>) dst(%dma_wait3A_558 : memref<128x128xf32, #tpu.memory_space<hbm>>)
      } else {
      }
      %dma_start3A_177 = arith.constant 0 : i32
      %dma_start3A_178 = arith.constant 2 : i32
      %dma_start3A_179 = arith.constant 2 : i32
      %dma_start3A_180 = arith.constant 0 : i32
      %dma_start3A_181 = arith.constant 0 : i32
      %dma_start3A_182 = tpu.memref_slice %arg6[%dma_start3A_179, %dma_start3A_180, %dma_start3A_181] : memref<4x128x128xf32, #tpu.memory_space<vmem>> -> memref<1x128x128xf32, #tpu.memory_space<vmem>>
      %dma_start3A_183 = tpu.memref_squeeze %dma_start3A_182 : memref<1x128x128xf32, #tpu.memory_space<vmem>> -> memref<128x128xf32, #tpu.memory_space<vmem>>
      %dma_start3A_184 = arith.constant 0 : i32
      %dma_start3A_185 = tpu.memref_slice %arg5[%dma_start3A_177, %dma_start3A_178, %dma_start3A_184] : memref<2x8x128xi32, #tpu.memory_space<vmem>> -> memref<1x1x128xi32, #tpu.memory_space<vmem>>
      %dma_start3A_186 = tpu.memref_squeeze %dma_start3A_185 : memref<1x1x128xi32, #tpu.memory_space<vmem>> -> memref<128xi32, #tpu.memory_space<vmem>>
      %dma_start3A_187 = arith.constant 0 : i32
      %dma_start3A_188 = arith.constant 0 : i32
      %dma_start3A_189 = tpu.memref_slice %arg3[%dma_start3A_187, %dma_start3A_188] : memref<1000000x128xf32, #tpu.memory_space<hbm>> -> memref<1000000x128xf32, #tpu.memory_space<hbm>>
      tpu.enqueue_indirect_dma source(%dma_start3A_189 : memref<1000000x128xf32, #tpu.memory_space<hbm>>) target(%dma_start3A_183 : memref<128x128xf32, #tpu.memory_space<vmem>>) offsets(%dma_start3A_186 : memref<128xi32, #tpu.memory_space<vmem>>) semaphore(%arg9 : memref<!tpu.dma_semaphore, #tpu.memory_space<semaphore_mem>>)
      %gt3A_190 = arith.constant 0 : i32
      %gt3A_191 = arith.cmpi sgt, %add3A_171, %gt3A_190 : i32
      %convert_element_type3A_192 = arith.extui %gt3A_191 : i1 to i32
      %cond3A_193 = arith.constant 0 : i32
      %cond3A_194 = arith.cmpi ne, %convert_element_type3A_192, %cond3A_193 : i32
      scf.if %cond3A_194 {
        %dma_wait3A_548 = arith.constant 0 : i32
        %dma_wait3A_549 = arith.constant 1 : i32
        %dma_wait3A_550 = arith.constant 1 : i32
        %dma_wait3A_551 = arith.constant 0 : i32
        %dma_wait3A_552 = arith.constant 0 : i32
        %dma_wait3A_553 = tpu.memref_slice %arg6[%dma_wait3A_550, %dma_wait3A_551, %dma_wait3A_552] : memref<4x128x128xf32, #tpu.memory_space<vmem>> -> memref<1x128x128xf32, #tpu.memory_space<vmem>>
        %dma_wait3A_554 = tpu.memref_squeeze %dma_wait3A_553 : memref<1x128x128xf32, #tpu.memory_space<vmem>> -> memref<128x128xf32, #tpu.memory_space<vmem>>
        %dma_wait3A_555 = arith.constant 0 : i32
        %dma_wait3A_556 = tpu.memref_slice %arg5[%dma_wait3A_548, %dma_wait3A_549, %dma_wait3A_555] : memref<2x8x128xi32, #tpu.memory_space<vmem>> -> memref<1x1x128xi32, #tpu.memory_space<vmem>>
        %dma_wait3A_557 = tpu.memref_squeeze %dma_wait3A_556 : memref<1x1x128xi32, #tpu.memory_space<vmem>> -> memref<128xi32, #tpu.memory_space<vmem>>
        %dma_wait3A_558 = arith.constant 0 : i32
        %dma_wait3A_559 = arith.constant 0 : i32
        %dma_wait3A_560 = tpu.memref_slice %arg3[%dma_wait3A_558, %dma_wait3A_559] : memref<1000000x128xf32, #tpu.memory_space<hbm>> -> memref<1000000x128xf32, #tpu.memory_space<hbm>>
        tpu.wait_indirect_dma semaphore(%arg8 : memref<!tpu.dma_semaphore, #tpu.memory_space<semaphore_mem>>) src(%dma_wait3A_560 : memref<1000000x128xf32, #tpu.memory_space<hbm>>) dst(%dma_wait3A_554 : memref<128x128xf32, #tpu.memory_space<vmem>>)
        %sub3A_561 = arith.constant 1 : i32
        %sub3A_562 = arith.subi %add3A_171, %sub3A_561 : i32
        %mul3A_563 = arith.constant 102400 : i32
        %mul3A_564 = arith.muli %add3A, %mul3A_563 : i32
        %mul3A_565 = arith.constant 128 : i32
        %mul3A_566 = arith.muli %sub3A_562, %mul3A_565 : i32
        %add3A_567 = arith.addi %mul3A_564, %mul3A_566 : i32
        %dma_start3A_568 = arith.constant 1 : i32
        %dma_start3A_569 = arith.constant 0 : i32
        %dma_start3A_570 = arith.constant 0 : i32
        %dma_start3A_571 = tpu.memref_slice %arg6[%dma_start3A_568, %dma_start3A_569, %dma_start3A_570] : memref<4x128x128xf32, #tpu.memory_space<vmem>> -> memref<1x128x128xf32, #tpu.memory_space<vmem>>
        %dma_start3A_572 = tpu.memref_squeeze %dma_start3A_571 : memref<1x128x128xf32, #tpu.memory_space<vmem>> -> memref<128x128xf32, #tpu.memory_space<vmem>>
        %dma_start3A_573 = arith.constant 0 : i32
        %dma_start3A_574 = tpu.memref_slice %arg4[%add3A_567, %dma_start3A_573] : memref<3276800x128xf32, #tpu.memory_space<hbm>> -> memref<128x128xf32, #tpu.memory_space<hbm>>
        %dma_start3A_575 = arith.constant 0 : i32
        %dma_start3A_576 = tpu.memref_slice %arg4[%add3A_567, %dma_start3A_575] : memref<3276800x128xf32, #tpu.memory_space<hbm>> -> memref<128x128xf32, #tpu.memory_space<hbm>>
        %dma_start3A_577 = arith.constant 0 : i32
        %dma_start3A_578 = arith.constant 0 : i32
        %dma_start3A_579 = tpu.memref_slice %arg6[%dma_start3A_568, %dma_start3A_577, %dma_start3A_578] : memref<4x128x128xf32, #tpu.memory_space<vmem>> -> memref<1x128x128xf32, #tpu.memory_space<vmem>>
        %dma_start3A_580 = tpu.memref_squeeze %dma_start3A_579 : memref<1x128x128xf32, #tpu.memory_space<vmem>> -> memref<128x128xf32, #tpu.memory_space<vmem>>
        tpu.enqueue_dma source(%dma_start3A_580 : memref<128x128xf32, #tpu.memory_space<vmem>>) target(%dma_start3A_576 : memref<128x128xf32, #tpu.memory_space<hbm>>) target_semaphore(%arg12 : memref<!tpu.dma_semaphore, #tpu.memory_space<semaphore_mem>>)
      } else {
      }
      %add3A_195 = arith.constant 3 : i32
      %add3A_196 = arith.addi %mul3A_111, %add3A_195 : i32
      %ge3A_197 = arith.constant 4 : i32
      %ge3A_198 = arith.cmpi sge, %add3A_196, %ge3A_197 : i32
      %convert_element_type3A_199 = arith.extui %ge3A_198 : i1 to i32
      %cond3A_200 = arith.constant 0 : i32
      %cond3A_201 = arith.cmpi ne, %convert_element_type3A_199, %cond3A_200 : i32
      scf.if %cond3A_201 {
        %dma_wait3A_548 = arith.constant 3 : i32
        %dma_wait3A_549 = arith.constant 0 : i32
        %dma_wait3A_550 = arith.constant 0 : i32
        %dma_wait3A_551 = tpu.memref_slice %arg6[%dma_wait3A_548, %dma_wait3A_549, %dma_wait3A_550] : memref<4x128x128xf32, #tpu.memory_space<vmem>> -> memref<1x128x128xf32, #tpu.memory_space<vmem>>
        %dma_wait3A_552 = tpu.memref_squeeze %dma_wait3A_551 : memref<1x128x128xf32, #tpu.memory_space<vmem>> -> memref<128x128xf32, #tpu.memory_space<vmem>>
        %dma_wait3A_553 = arith.constant 0 : i32
        %dma_wait3A_554 = arith.constant 0 : i32
        %dma_wait3A_555 = tpu.memref_slice %arg4[%dma_wait3A_553, %dma_wait3A_554] : memref<3276800x128xf32, #tpu.memory_space<hbm>> -> memref<128x128xf32, #tpu.memory_space<hbm>>
        %dma_wait3A_556 = arith.constant 0 : i32
        %dma_wait3A_557 = arith.constant 0 : i32
        %dma_wait3A_558 = tpu.memref_slice %arg4[%dma_wait3A_556, %dma_wait3A_557] : memref<3276800x128xf32, #tpu.memory_space<hbm>> -> memref<128x128xf32, #tpu.memory_space<hbm>>
        %dma_wait3A_559 = arith.constant 0 : i32
        %dma_wait3A_560 = arith.constant 0 : i32
        %dma_wait3A_561 = tpu.memref_slice %arg6[%dma_wait3A_548, %dma_wait3A_559, %dma_wait3A_560] : memref<4x128x128xf32, #tpu.memory_space<vmem>> -> memref<1x128x128xf32, #tpu.memory_space<vmem>>
        %dma_wait3A_562 = tpu.memref_squeeze %dma_wait3A_561 : memref<1x128x128xf32, #tpu.memory_space<vmem>> -> memref<128x128xf32, #tpu.memory_space<vmem>>
        tpu.wait_dma2 semaphore(%arg14 : memref<!tpu.dma_semaphore, #tpu.memory_space<semaphore_mem>>) src(%dma_wait3A_562 : memref<128x128xf32, #tpu.memory_space<vmem>>) dst(%dma_wait3A_558 : memref<128x128xf32, #tpu.memory_space<hbm>>)
      } else {
      }
      %dma_start3A_202 = arith.constant 0 : i32
      %dma_start3A_203 = arith.constant 3 : i32
      %dma_start3A_204 = arith.constant 3 : i32
      %dma_start3A_205 = arith.constant 0 : i32
      %dma_start3A_206 = arith.constant 0 : i32
      %dma_start3A_207 = tpu.memref_slice %arg6[%dma_start3A_204, %dma_start3A_205, %dma_start3A_206] : memref<4x128x128xf32, #tpu.memory_space<vmem>> -> memref<1x128x128xf32, #tpu.memory_space<vmem>>
      %dma_start3A_208 = tpu.memref_squeeze %dma_start3A_207 : memref<1x128x128xf32, #tpu.memory_space<vmem>> -> memref<128x128xf32, #tpu.memory_space<vmem>>
      %dma_start3A_209 = arith.constant 0 : i32
      %dma_start3A_210 = tpu.memref_slice %arg5[%dma_start3A_202, %dma_start3A_203, %dma_start3A_209] : memref<2x8x128xi32, #tpu.memory_space<vmem>> -> memref<1x1x128xi32, #tpu.memory_space<vmem>>
      %dma_start3A_211 = tpu.memref_squeeze %dma_start3A_210 : memref<1x1x128xi32, #tpu.memory_space<vmem>> -> memref<128xi32, #tpu.memory_space<vmem>>
      %dma_start3A_212 = arith.constant 0 : i32
      %dma_start3A_213 = arith.constant 0 : i32
      %dma_start3A_214 = tpu.memref_slice %arg3[%dma_start3A_212, %dma_start3A_213] : memref<1000000x128xf32, #tpu.memory_space<hbm>> -> memref<1000000x128xf32, #tpu.memory_space<hbm>>
      tpu.enqueue_indirect_dma source(%dma_start3A_214 : memref<1000000x128xf32, #tpu.memory_space<hbm>>) target(%dma_start3A_208 : memref<128x128xf32, #tpu.memory_space<vmem>>) offsets(%dma_start3A_211 : memref<128xi32, #tpu.memory_space<vmem>>) semaphore(%arg10 : memref<!tpu.dma_semaphore, #tpu.memory_space<semaphore_mem>>)
      %gt3A_215 = arith.constant 0 : i32
      %gt3A_216 = arith.cmpi sgt, %add3A_196, %gt3A_215 : i32
      %convert_element_type3A_217 = arith.extui %gt3A_216 : i1 to i32
      %cond3A_218 = arith.constant 0 : i32
      %cond3A_219 = arith.cmpi ne, %convert_element_type3A_217, %cond3A_218 : i32
      scf.if %cond3A_219 {
        %dma_wait3A_548 = arith.constant 0 : i32
        %dma_wait3A_549 = arith.constant 2 : i32
        %dma_wait3A_550 = arith.constant 2 : i32
        %dma_wait3A_551 = arith.constant 0 : i32
        %dma_wait3A_552 = arith.constant 0 : i32
        %dma_wait3A_553 = tpu.memref_slice %arg6[%dma_wait3A_550, %dma_wait3A_551, %dma_wait3A_552] : memref<4x128x128xf32, #tpu.memory_space<vmem>> -> memref<1x128x128xf32, #tpu.memory_space<vmem>>
        %dma_wait3A_554 = tpu.memref_squeeze %dma_wait3A_553 : memref<1x128x128xf32, #tpu.memory_space<vmem>> -> memref<128x128xf32, #tpu.memory_space<vmem>>
        %dma_wait3A_555 = arith.constant 0 : i32
        %dma_wait3A_556 = tpu.memref_slice %arg5[%dma_wait3A_548, %dma_wait3A_549, %dma_wait3A_555] : memref<2x8x128xi32, #tpu.memory_space<vmem>> -> memref<1x1x128xi32, #tpu.memory_space<vmem>>
        %dma_wait3A_557 = tpu.memref_squeeze %dma_wait3A_556 : memref<1x1x128xi32, #tpu.memory_space<vmem>> -> memref<128xi32, #tpu.memory_space<vmem>>
        %dma_wait3A_558 = arith.constant 0 : i32
        %dma_wait3A_559 = arith.constant 0 : i32
        %dma_wait3A_560 = tpu.memref_slice %arg3[%dma_wait3A_558, %dma_wait3A_559] : memref<1000000x128xf32, #tpu.memory_space<hbm>> -> memref<1000000x128xf32, #tpu.memory_space<hbm>>
        tpu.wait_indirect_dma semaphore(%arg9 : memref<!tpu.dma_semaphore, #tpu.memory_space<semaphore_mem>>) src(%dma_wait3A_560 : memref<1000000x128xf32, #tpu.memory_space<hbm>>) dst(%dma_wait3A_554 : memref<128x128xf32, #tpu.memory_space<vmem>>)
        %sub3A_561 = arith.constant 1 : i32
        %sub3A_562 = arith.subi %add3A_196, %sub3A_561 : i32
        %mul3A_563 = arith.constant 102400 : i32
        %mul3A_564 = arith.muli %add3A, %mul3A_563 : i32
        %mul3A_565 = arith.constant 128 : i32
        %mul3A_566 = arith.muli %sub3A_562, %mul3A_565 : i32
        %add3A_567 = arith.addi %mul3A_564, %mul3A_566 : i32
        %dma_start3A_568 = arith.constant 2 : i32
        %dma_start3A_569 = arith.constant 0 : i32
        %dma_start3A_570 = arith.constant 0 : i32
        %dma_start3A_571 = tpu.memref_slice %arg6[%dma_start3A_568, %dma_start3A_569, %dma_start3A_570] : memref<4x128x128xf32, #tpu.memory_space<vmem>> -> memref<1x128x128xf32, #tpu.memory_space<vmem>>
        %dma_start3A_572 = tpu.memref_squeeze %dma_start3A_571 : memref<1x128x128xf32, #tpu.memory_space<vmem>> -> memref<128x128xf32, #tpu.memory_space<vmem>>
        %dma_start3A_573 = arith.constant 0 : i32
        %dma_start3A_574 = tpu.memref_slice %arg4[%add3A_567, %dma_start3A_573] : memref<3276800x128xf32, #tpu.memory_space<hbm>> -> memref<128x128xf32, #tpu.memory_space<hbm>>
        %dma_start3A_575 = arith.constant 0 : i32
        %dma_start3A_576 = tpu.memref_slice %arg4[%add3A_567, %dma_start3A_575] : memref<3276800x128xf32, #tpu.memory_space<hbm>> -> memref<128x128xf32, #tpu.memory_space<hbm>>
        %dma_start3A_577 = arith.constant 0 : i32
        %dma_start3A_578 = arith.constant 0 : i32
        %dma_start3A_579 = tpu.memref_slice %arg6[%dma_start3A_568, %dma_start3A_577, %dma_start3A_578] : memref<4x128x128xf32, #tpu.memory_space<vmem>> -> memref<1x128x128xf32, #tpu.memory_space<vmem>>
        %dma_start3A_580 = tpu.memref_squeeze %dma_start3A_579 : memref<1x128x128xf32, #tpu.memory_space<vmem>> -> memref<128x128xf32, #tpu.memory_space<vmem>>
        tpu.enqueue_dma source(%dma_start3A_580 : memref<128x128xf32, #tpu.memory_space<vmem>>) target(%dma_start3A_576 : memref<128x128xf32, #tpu.memory_space<hbm>>) target_semaphore(%arg13 : memref<!tpu.dma_semaphore, #tpu.memory_space<semaphore_mem>>)
      } else {
      }
      %add3A_220 = arith.constant 4 : i32
      %add3A_221 = arith.addi %mul3A_111, %add3A_220 : i32
      %ge3A_222 = arith.constant 4 : i32
      %ge3A_223 = arith.cmpi sge, %add3A_221, %ge3A_222 : i32
      %convert_element_type3A_224 = arith.extui %ge3A_223 : i1 to i32
      %cond3A_225 = arith.constant 0 : i32
      %cond3A_226 = arith.cmpi ne, %convert_element_type3A_224, %cond3A_225 : i32
      scf.if %cond3A_226 {
        %dma_wait3A_548 = arith.constant 0 : i32
        %dma_wait3A_549 = arith.constant 0 : i32
        %dma_wait3A_550 = arith.constant 0 : i32
        %dma_wait3A_551 = tpu.memref_slice %arg6[%dma_wait3A_548, %dma_wait3A_549, %dma_wait3A_550] : memref<4x128x128xf32, #tpu.memory_space<vmem>> -> memref<1x128x128xf32, #tpu.memory_space<vmem>>
        %dma_wait3A_552 = tpu.memref_squeeze %dma_wait3A_551 : memref<1x128x128xf32, #tpu.memory_space<vmem>> -> memref<128x128xf32, #tpu.memory_space<vmem>>
        %dma_wait3A_553 = arith.constant 0 : i32
        %dma_wait3A_554 = arith.constant 0 : i32
        %dma_wait3A_555 = tpu.memref_slice %arg4[%dma_wait3A_553, %dma_wait3A_554] : memref<3276800x128xf32, #tpu.memory_space<hbm>> -> memref<128x128xf32, #tpu.memory_space<hbm>>
        %dma_wait3A_556 = arith.constant 0 : i32
        %dma_wait3A_557 = arith.constant 0 : i32
        %dma_wait3A_558 = tpu.memref_slice %arg4[%dma_wait3A_556, %dma_wait3A_557] : memref<3276800x128xf32, #tpu.memory_space<hbm>> -> memref<128x128xf32, #tpu.memory_space<hbm>>
        %dma_wait3A_559 = arith.constant 0 : i32
        %dma_wait3A_560 = arith.constant 0 : i32
        %dma_wait3A_561 = tpu.memref_slice %arg6[%dma_wait3A_548, %dma_wait3A_559, %dma_wait3A_560] : memref<4x128x128xf32, #tpu.memory_space<vmem>> -> memref<1x128x128xf32, #tpu.memory_space<vmem>>
        %dma_wait3A_562 = tpu.memref_squeeze %dma_wait3A_561 : memref<1x128x128xf32, #tpu.memory_space<vmem>> -> memref<128x128xf32, #tpu.memory_space<vmem>>
        tpu.wait_dma2 semaphore(%arg11 : memref<!tpu.dma_semaphore, #tpu.memory_space<semaphore_mem>>) src(%dma_wait3A_562 : memref<128x128xf32, #tpu.memory_space<vmem>>) dst(%dma_wait3A_558 : memref<128x128xf32, #tpu.memory_space<hbm>>)
      } else {
      }
      %dma_start3A_227 = arith.constant 0 : i32
      %dma_start3A_228 = arith.constant 4 : i32
      %dma_start3A_229 = arith.constant 0 : i32
      %dma_start3A_230 = arith.constant 0 : i32
      %dma_start3A_231 = arith.constant 0 : i32
      %dma_start3A_232 = tpu.memref_slice %arg6[%dma_start3A_229, %dma_start3A_230, %dma_start3A_231] : memref<4x128x128xf32, #tpu.memory_space<vmem>> -> memref<1x128x128xf32, #tpu.memory_space<vmem>>
      %dma_start3A_233 = tpu.memref_squeeze %dma_start3A_232 : memref<1x128x128xf32, #tpu.memory_space<vmem>> -> memref<128x128xf32, #tpu.memory_space<vmem>>
      %dma_start3A_234 = arith.constant 0 : i32
      %dma_start3A_235 = tpu.memref_slice %arg5[%dma_start3A_227, %dma_start3A_228, %dma_start3A_234] : memref<2x8x128xi32, #tpu.memory_space<vmem>> -> memref<1x1x128xi32, #tpu.memory_space<vmem>>
      %dma_start3A_236 = tpu.memref_squeeze %dma_start3A_235 : memref<1x1x128xi32, #tpu.memory_space<vmem>> -> memref<128xi32, #tpu.memory_space<vmem>>
      %dma_start3A_237 = arith.constant 0 : i32
      %dma_start3A_238 = arith.constant 0 : i32
      %dma_start3A_239 = tpu.memref_slice %arg3[%dma_start3A_237, %dma_start3A_238] : memref<1000000x128xf32, #tpu.memory_space<hbm>> -> memref<1000000x128xf32, #tpu.memory_space<hbm>>
      tpu.enqueue_indirect_dma source(%dma_start3A_239 : memref<1000000x128xf32, #tpu.memory_space<hbm>>) target(%dma_start3A_233 : memref<128x128xf32, #tpu.memory_space<vmem>>) offsets(%dma_start3A_236 : memref<128xi32, #tpu.memory_space<vmem>>) semaphore(%arg7 : memref<!tpu.dma_semaphore, #tpu.memory_space<semaphore_mem>>)
      %gt3A_240 = arith.constant 0 : i32
      %gt3A_241 = arith.cmpi sgt, %add3A_221, %gt3A_240 : i32
      %convert_element_type3A_242 = arith.extui %gt3A_241 : i1 to i32
      %cond3A_243 = arith.constant 0 : i32
      %cond3A_244 = arith.cmpi ne, %convert_element_type3A_242, %cond3A_243 : i32
      scf.if %cond3A_244 {
        %dma_wait3A_548 = arith.constant 0 : i32
        %dma_wait3A_549 = arith.constant 3 : i32
        %dma_wait3A_550 = arith.constant 3 : i32
        %dma_wait3A_551 = arith.constant 0 : i32
        %dma_wait3A_552 = arith.constant 0 : i32
        %dma_wait3A_553 = tpu.memref_slice %arg6[%dma_wait3A_550, %dma_wait3A_551, %dma_wait3A_552] : memref<4x128x128xf32, #tpu.memory_space<vmem>> -> memref<1x128x128xf32, #tpu.memory_space<vmem>>
        %dma_wait3A_554 = tpu.memref_squeeze %dma_wait3A_553 : memref<1x128x128xf32, #tpu.memory_space<vmem>> -> memref<128x128xf32, #tpu.memory_space<vmem>>
        %dma_wait3A_555 = arith.constant 0 : i32
        %dma_wait3A_556 = tpu.memref_slice %arg5[%dma_wait3A_548, %dma_wait3A_549, %dma_wait3A_555] : memref<2x8x128xi32, #tpu.memory_space<vmem>> -> memref<1x1x128xi32, #tpu.memory_space<vmem>>
        %dma_wait3A_557 = tpu.memref_squeeze %dma_wait3A_556 : memref<1x1x128xi32, #tpu.memory_space<vmem>> -> memref<128xi32, #tpu.memory_space<vmem>>
        %dma_wait3A_558 = arith.constant 0 : i32
        %dma_wait3A_559 = arith.constant 0 : i32
        %dma_wait3A_560 = tpu.memref_slice %arg3[%dma_wait3A_558, %dma_wait3A_559] : memref<1000000x128xf32, #tpu.memory_space<hbm>> -> memref<1000000x128xf32, #tpu.memory_space<hbm>>
        tpu.wait_indirect_dma semaphore(%arg10 : memref<!tpu.dma_semaphore, #tpu.memory_space<semaphore_mem>>) src(%dma_wait3A_560 : memref<1000000x128xf32, #tpu.memory_space<hbm>>) dst(%dma_wait3A_554 : memref<128x128xf32, #tpu.memory_space<vmem>>)
        %sub3A_561 = arith.constant 1 : i32
        %sub3A_562 = arith.subi %add3A_221, %sub3A_561 : i32
        %mul3A_563 = arith.constant 102400 : i32
        %mul3A_564 = arith.muli %add3A, %mul3A_563 : i32
        %mul3A_565 = arith.constant 128 : i32
        %mul3A_566 = arith.muli %sub3A_562, %mul3A_565 : i32
        %add3A_567 = arith.addi %mul3A_564, %mul3A_566 : i32
        %dma_start3A_568 = arith.constant 3 : i32
        %dma_start3A_569 = arith.constant 0 : i32
        %dma_start3A_570 = arith.constant 0 : i32
        %dma_start3A_571 = tpu.memref_slice %arg6[%dma_start3A_568, %dma_start3A_569, %dma_start3A_570] : memref<4x128x128xf32, #tpu.memory_space<vmem>> -> memref<1x128x128xf32, #tpu.memory_space<vmem>>
        %dma_start3A_572 = tpu.memref_squeeze %dma_start3A_571 : memref<1x128x128xf32, #tpu.memory_space<vmem>> -> memref<128x128xf32, #tpu.memory_space<vmem>>
        %dma_start3A_573 = arith.constant 0 : i32
        %dma_start3A_574 = tpu.memref_slice %arg4[%add3A_567, %dma_start3A_573] : memref<3276800x128xf32, #tpu.memory_space<hbm>> -> memref<128x128xf32, #tpu.memory_space<hbm>>
        %dma_start3A_575 = arith.constant 0 : i32
        %dma_start3A_576 = tpu.memref_slice %arg4[%add3A_567, %dma_start3A_575] : memref<3276800x128xf32, #tpu.memory_space<hbm>> -> memref<128x128xf32, #tpu.memory_space<hbm>>
        %dma_start3A_577 = arith.constant 0 : i32
        %dma_start3A_578 = arith.constant 0 : i32
        %dma_start3A_579 = tpu.memref_slice %arg6[%dma_start3A_568, %dma_start3A_577, %dma_start3A_578] : memref<4x128x128xf32, #tpu.memory_space<vmem>> -> memref<1x128x128xf32, #tpu.memory_space<vmem>>
        %dma_start3A_580 = tpu.memref_squeeze %dma_start3A_579 : memref<1x128x128xf32, #tpu.memory_space<vmem>> -> memref<128x128xf32, #tpu.memory_space<vmem>>
        tpu.enqueue_dma source(%dma_start3A_580 : memref<128x128xf32, #tpu.memory_space<vmem>>) target(%dma_start3A_576 : memref<128x128xf32, #tpu.memory_space<hbm>>) target_semaphore(%arg14 : memref<!tpu.dma_semaphore, #tpu.memory_space<semaphore_mem>>)
      } else {
      }
      %add3A_245 = arith.constant 5 : i32
      %add3A_246 = arith.addi %mul3A_111, %add3A_245 : i32
      %ge3A_247 = arith.constant 4 : i32
      %ge3A_248 = arith.cmpi sge, %add3A_246, %ge3A_247 : i32
      %convert_element_type3A_249 = arith.extui %ge3A_248 : i1 to i32
      %cond3A_250 = arith.constant 0 : i32
      %cond3A_251 = arith.cmpi ne, %convert_element_type3A_249, %cond3A_250 : i32
      scf.if %cond3A_251 {
        %dma_wait3A_548 = arith.constant 1 : i32
        %dma_wait3A_549 = arith.constant 0 : i32
        %dma_wait3A_550 = arith.constant 0 : i32
        %dma_wait3A_551 = tpu.memref_slice %arg6[%dma_wait3A_548, %dma_wait3A_549, %dma_wait3A_550] : memref<4x128x128xf32, #tpu.memory_space<vmem>> -> memref<1x128x128xf32, #tpu.memory_space<vmem>>
        %dma_wait3A_552 = tpu.memref_squeeze %dma_wait3A_551 : memref<1x128x128xf32, #tpu.memory_space<vmem>> -> memref<128x128xf32, #tpu.memory_space<vmem>>
        %dma_wait3A_553 = arith.constant 0 : i32
        %dma_wait3A_554 = arith.constant 0 : i32
        %dma_wait3A_555 = tpu.memref_slice %arg4[%dma_wait3A_553, %dma_wait3A_554] : memref<3276800x128xf32, #tpu.memory_space<hbm>> -> memref<128x128xf32, #tpu.memory_space<hbm>>
        %dma_wait3A_556 = arith.constant 0 : i32
        %dma_wait3A_557 = arith.constant 0 : i32
        %dma_wait3A_558 = tpu.memref_slice %arg4[%dma_wait3A_556, %dma_wait3A_557] : memref<3276800x128xf32, #tpu.memory_space<hbm>> -> memref<128x128xf32, #tpu.memory_space<hbm>>
        %dma_wait3A_559 = arith.constant 0 : i32
        %dma_wait3A_560 = arith.constant 0 : i32
        %dma_wait3A_561 = tpu.memref_slice %arg6[%dma_wait3A_548, %dma_wait3A_559, %dma_wait3A_560] : memref<4x128x128xf32, #tpu.memory_space<vmem>> -> memref<1x128x128xf32, #tpu.memory_space<vmem>>
        %dma_wait3A_562 = tpu.memref_squeeze %dma_wait3A_561 : memref<1x128x128xf32, #tpu.memory_space<vmem>> -> memref<128x128xf32, #tpu.memory_space<vmem>>
        tpu.wait_dma2 semaphore(%arg12 : memref<!tpu.dma_semaphore, #tpu.memory_space<semaphore_mem>>) src(%dma_wait3A_562 : memref<128x128xf32, #tpu.memory_space<vmem>>) dst(%dma_wait3A_558 : memref<128x128xf32, #tpu.memory_space<hbm>>)
      } else {
      }
      %dma_start3A_252 = arith.constant 0 : i32
      %dma_start3A_253 = arith.constant 5 : i32
      %dma_start3A_254 = arith.constant 1 : i32
      %dma_start3A_255 = arith.constant 0 : i32
      %dma_start3A_256 = arith.constant 0 : i32
      %dma_start3A_257 = tpu.memref_slice %arg6[%dma_start3A_254, %dma_start3A_255, %dma_start3A_256] : memref<4x128x128xf32, #tpu.memory_space<vmem>> -> memref<1x128x128xf32, #tpu.memory_space<vmem>>
      %dma_start3A_258 = tpu.memref_squeeze %dma_start3A_257 : memref<1x128x128xf32, #tpu.memory_space<vmem>> -> memref<128x128xf32, #tpu.memory_space<vmem>>
      %dma_start3A_259 = arith.constant 0 : i32
      %dma_start3A_260 = tpu.memref_slice %arg5[%dma_start3A_252, %dma_start3A_253, %dma_start3A_259] : memref<2x8x128xi32, #tpu.memory_space<vmem>> -> memref<1x1x128xi32, #tpu.memory_space<vmem>>
      %dma_start3A_261 = tpu.memref_squeeze %dma_start3A_260 : memref<1x1x128xi32, #tpu.memory_space<vmem>> -> memref<128xi32, #tpu.memory_space<vmem>>
      %dma_start3A_262 = arith.constant 0 : i32
      %dma_start3A_263 = arith.constant 0 : i32
      %dma_start3A_264 = tpu.memref_slice %arg3[%dma_start3A_262, %dma_start3A_263] : memref<1000000x128xf32, #tpu.memory_space<hbm>> -> memref<1000000x128xf32, #tpu.memory_space<hbm>>
      tpu.enqueue_indirect_dma source(%dma_start3A_264 : memref<1000000x128xf32, #tpu.memory_space<hbm>>) target(%dma_start3A_258 : memref<128x128xf32, #tpu.memory_space<vmem>>) offsets(%dma_start3A_261 : memref<128xi32, #tpu.memory_space<vmem>>) semaphore(%arg8 : memref<!tpu.dma_semaphore, #tpu.memory_space<semaphore_mem>>)
      %gt3A_265 = arith.constant 0 : i32
      %gt3A_266 = arith.cmpi sgt, %add3A_246, %gt3A_265 : i32
      %convert_element_type3A_267 = arith.extui %gt3A_266 : i1 to i32
      %cond3A_268 = arith.constant 0 : i32
      %cond3A_269 = arith.cmpi ne, %convert_element_type3A_267, %cond3A_268 : i32
      scf.if %cond3A_269 {
        %dma_wait3A_548 = arith.constant 0 : i32
        %dma_wait3A_549 = arith.constant 4 : i32
        %dma_wait3A_550 = arith.constant 0 : i32
        %dma_wait3A_551 = arith.constant 0 : i32
        %dma_wait3A_552 = arith.constant 0 : i32
        %dma_wait3A_553 = tpu.memref_slice %arg6[%dma_wait3A_550, %dma_wait3A_551, %dma_wait3A_552] : memref<4x128x128xf32, #tpu.memory_space<vmem>> -> memref<1x128x128xf32, #tpu.memory_space<vmem>>
        %dma_wait3A_554 = tpu.memref_squeeze %dma_wait3A_553 : memref<1x128x128xf32, #tpu.memory_space<vmem>> -> memref<128x128xf32, #tpu.memory_space<vmem>>
        %dma_wait3A_555 = arith.constant 0 : i32
        %dma_wait3A_556 = tpu.memref_slice %arg5[%dma_wait3A_548, %dma_wait3A_549, %dma_wait3A_555] : memref<2x8x128xi32, #tpu.memory_space<vmem>> -> memref<1x1x128xi32, #tpu.memory_space<vmem>>
        %dma_wait3A_557 = tpu.memref_squeeze %dma_wait3A_556 : memref<1x1x128xi32, #tpu.memory_space<vmem>> -> memref<128xi32, #tpu.memory_space<vmem>>
        %dma_wait3A_558 = arith.constant 0 : i32
        %dma_wait3A_559 = arith.constant 0 : i32
        %dma_wait3A_560 = tpu.memref_slice %arg3[%dma_wait3A_558, %dma_wait3A_559] : memref<1000000x128xf32, #tpu.memory_space<hbm>> -> memref<1000000x128xf32, #tpu.memory_space<hbm>>
        tpu.wait_indirect_dma semaphore(%arg7 : memref<!tpu.dma_semaphore, #tpu.memory_space<semaphore_mem>>) src(%dma_wait3A_560 : memref<1000000x128xf32, #tpu.memory_space<hbm>>) dst(%dma_wait3A_554 : memref<128x128xf32, #tpu.memory_space<vmem>>)
        %sub3A_561 = arith.constant 1 : i32
        %sub3A_562 = arith.subi %add3A_246, %sub3A_561 : i32
        %mul3A_563 = arith.constant 102400 : i32
        %mul3A_564 = arith.muli %add3A, %mul3A_563 : i32
        %mul3A_565 = arith.constant 128 : i32
        %mul3A_566 = arith.muli %sub3A_562, %mul3A_565 : i32
        %add3A_567 = arith.addi %mul3A_564, %mul3A_566 : i32
        %dma_start3A_568 = arith.constant 0 : i32
        %dma_start3A_569 = arith.constant 0 : i32
        %dma_start3A_570 = arith.constant 0 : i32
        %dma_start3A_571 = tpu.memref_slice %arg6[%dma_start3A_568, %dma_start3A_569, %dma_start3A_570] : memref<4x128x128xf32, #tpu.memory_space<vmem>> -> memref<1x128x128xf32, #tpu.memory_space<vmem>>
        %dma_start3A_572 = tpu.memref_squeeze %dma_start3A_571 : memref<1x128x128xf32, #tpu.memory_space<vmem>> -> memref<128x128xf32, #tpu.memory_space<vmem>>
        %dma_start3A_573 = arith.constant 0 : i32
        %dma_start3A_574 = tpu.memref_slice %arg4[%add3A_567, %dma_start3A_573] : memref<3276800x128xf32, #tpu.memory_space<hbm>> -> memref<128x128xf32, #tpu.memory_space<hbm>>
        %dma_start3A_575 = arith.constant 0 : i32
        %dma_start3A_576 = tpu.memref_slice %arg4[%add3A_567, %dma_start3A_575] : memref<3276800x128xf32, #tpu.memory_space<hbm>> -> memref<128x128xf32, #tpu.memory_space<hbm>>
        %dma_start3A_577 = arith.constant 0 : i32
        %dma_start3A_578 = arith.constant 0 : i32
        %dma_start3A_579 = tpu.memref_slice %arg6[%dma_start3A_568, %dma_start3A_577, %dma_start3A_578] : memref<4x128x128xf32, #tpu.memory_space<vmem>> -> memref<1x128x128xf32, #tpu.memory_space<vmem>>
        %dma_start3A_580 = tpu.memref_squeeze %dma_start3A_579 : memref<1x128x128xf32, #tpu.memory_space<vmem>> -> memref<128x128xf32, #tpu.memory_space<vmem>>
        tpu.enqueue_dma source(%dma_start3A_580 : memref<128x128xf32, #tpu.memory_space<vmem>>) target(%dma_start3A_576 : memref<128x128xf32, #tpu.memory_space<hbm>>) target_semaphore(%arg11 : memref<!tpu.dma_semaphore, #tpu.memory_space<semaphore_mem>>)
      } else {
      }
      %add3A_270 = arith.constant 6 : i32
      %add3A_271 = arith.addi %mul3A_111, %add3A_270 : i32
      %ge3A_272 = arith.constant 4 : i32
      %ge3A_273 = arith.cmpi sge, %add3A_271, %ge3A_272 : i32
      %convert_element_type3A_274 = arith.extui %ge3A_273 : i1 to i32
      %cond3A_275 = arith.constant 0 : i32
      %cond3A_276 = arith.cmpi ne, %convert_element_type3A_274, %cond3A_275 : i32
      scf.if %cond3A_276 {
        %dma_wait3A_548 = arith.constant 2 : i32
        %dma_wait3A_549 = arith.constant 0 : i32
        %dma_wait3A_550 = arith.constant 0 : i32
        %dma_wait3A_551 = tpu.memref_slice %arg6[%dma_wait3A_548, %dma_wait3A_549, %dma_wait3A_550] : memref<4x128x128xf32, #tpu.memory_space<vmem>> -> memref<1x128x128xf32, #tpu.memory_space<vmem>>
        %dma_wait3A_552 = tpu.memref_squeeze %dma_wait3A_551 : memref<1x128x128xf32, #tpu.memory_space<vmem>> -> memref<128x128xf32, #tpu.memory_space<vmem>>
        %dma_wait3A_553 = arith.constant 0 : i32
        %dma_wait3A_554 = arith.constant 0 : i32
        %dma_wait3A_555 = tpu.memref_slice %arg4[%dma_wait3A_553, %dma_wait3A_554] : memref<3276800x128xf32, #tpu.memory_space<hbm>> -> memref<128x128xf32, #tpu.memory_space<hbm>>
        %dma_wait3A_556 = arith.constant 0 : i32
        %dma_wait3A_557 = arith.constant 0 : i32
        %dma_wait3A_558 = tpu.memref_slice %arg4[%dma_wait3A_556, %dma_wait3A_557] : memref<3276800x128xf32, #tpu.memory_space<hbm>> -> memref<128x128xf32, #tpu.memory_space<hbm>>
        %dma_wait3A_559 = arith.constant 0 : i32
        %dma_wait3A_560 = arith.constant 0 : i32
        %dma_wait3A_561 = tpu.memref_slice %arg6[%dma_wait3A_548, %dma_wait3A_559, %dma_wait3A_560] : memref<4x128x128xf32, #tpu.memory_space<vmem>> -> memref<1x128x128xf32, #tpu.memory_space<vmem>>
        %dma_wait3A_562 = tpu.memref_squeeze %dma_wait3A_561 : memref<1x128x128xf32, #tpu.memory_space<vmem>> -> memref<128x128xf32, #tpu.memory_space<vmem>>
        tpu.wait_dma2 semaphore(%arg13 : memref<!tpu.dma_semaphore, #tpu.memory_space<semaphore_mem>>) src(%dma_wait3A_562 : memref<128x128xf32, #tpu.memory_space<vmem>>) dst(%dma_wait3A_558 : memref<128x128xf32, #tpu.memory_space<hbm>>)
      } else {
      }
      %dma_start3A_277 = arith.constant 0 : i32
      %dma_start3A_278 = arith.constant 6 : i32
      %dma_start3A_279 = arith.constant 2 : i32
      %dma_start3A_280 = arith.constant 0 : i32
      %dma_start3A_281 = arith.constant 0 : i32
      %dma_start3A_282 = tpu.memref_slice %arg6[%dma_start3A_279, %dma_start3A_280, %dma_start3A_281] : memref<4x128x128xf32, #tpu.memory_space<vmem>> -> memref<1x128x128xf32, #tpu.memory_space<vmem>>
      %dma_start3A_283 = tpu.memref_squeeze %dma_start3A_282 : memref<1x128x128xf32, #tpu.memory_space<vmem>> -> memref<128x128xf32, #tpu.memory_space<vmem>>
      %dma_start3A_284 = arith.constant 0 : i32
      %dma_start3A_285 = tpu.memref_slice %arg5[%dma_start3A_277, %dma_start3A_278, %dma_start3A_284] : memref<2x8x128xi32, #tpu.memory_space<vmem>> -> memref<1x1x128xi32, #tpu.memory_space<vmem>>
      %dma_start3A_286 = tpu.memref_squeeze %dma_start3A_285 : memref<1x1x128xi32, #tpu.memory_space<vmem>> -> memref<128xi32, #tpu.memory_space<vmem>>
      %dma_start3A_287 = arith.constant 0 : i32
      %dma_start3A_288 = arith.constant 0 : i32
      %dma_start3A_289 = tpu.memref_slice %arg3[%dma_start3A_287, %dma_start3A_288] : memref<1000000x128xf32, #tpu.memory_space<hbm>> -> memref<1000000x128xf32, #tpu.memory_space<hbm>>
      tpu.enqueue_indirect_dma source(%dma_start3A_289 : memref<1000000x128xf32, #tpu.memory_space<hbm>>) target(%dma_start3A_283 : memref<128x128xf32, #tpu.memory_space<vmem>>) offsets(%dma_start3A_286 : memref<128xi32, #tpu.memory_space<vmem>>) semaphore(%arg9 : memref<!tpu.dma_semaphore, #tpu.memory_space<semaphore_mem>>)
      %gt3A_290 = arith.constant 0 : i32
      %gt3A_291 = arith.cmpi sgt, %add3A_271, %gt3A_290 : i32
      %convert_element_type3A_292 = arith.extui %gt3A_291 : i1 to i32
      %cond3A_293 = arith.constant 0 : i32
      %cond3A_294 = arith.cmpi ne, %convert_element_type3A_292, %cond3A_293 : i32
      scf.if %cond3A_294 {
        %dma_wait3A_548 = arith.constant 0 : i32
        %dma_wait3A_549 = arith.constant 5 : i32
        %dma_wait3A_550 = arith.constant 1 : i32
        %dma_wait3A_551 = arith.constant 0 : i32
        %dma_wait3A_552 = arith.constant 0 : i32
        %dma_wait3A_553 = tpu.memref_slice %arg6[%dma_wait3A_550, %dma_wait3A_551, %dma_wait3A_552] : memref<4x128x128xf32, #tpu.memory_space<vmem>> -> memref<1x128x128xf32, #tpu.memory_space<vmem>>
        %dma_wait3A_554 = tpu.memref_squeeze %dma_wait3A_553 : memref<1x128x128xf32, #tpu.memory_space<vmem>> -> memref<128x128xf32, #tpu.memory_space<vmem>>
        %dma_wait3A_555 = arith.constant 0 : i32
        %dma_wait3A_556 = tpu.memref_slice %arg5[%dma_wait3A_548, %dma_wait3A_549, %dma_wait3A_555] : memref<2x8x128xi32, #tpu.memory_space<vmem>> -> memref<1x1x128xi32, #tpu.memory_space<vmem>>
        %dma_wait3A_557 = tpu.memref_squeeze %dma_wait3A_556 : memref<1x1x128xi32, #tpu.memory_space<vmem>> -> memref<128xi32, #tpu.memory_space<vmem>>
        %dma_wait3A_558 = arith.constant 0 : i32
        %dma_wait3A_559 = arith.constant 0 : i32
        %dma_wait3A_560 = tpu.memref_slice %arg3[%dma_wait3A_558, %dma_wait3A_559] : memref<1000000x128xf32, #tpu.memory_space<hbm>> -> memref<1000000x128xf32, #tpu.memory_space<hbm>>
        tpu.wait_indirect_dma semaphore(%arg8 : memref<!tpu.dma_semaphore, #tpu.memory_space<semaphore_mem>>) src(%dma_wait3A_560 : memref<1000000x128xf32, #tpu.memory_space<hbm>>) dst(%dma_wait3A_554 : memref<128x128xf32, #tpu.memory_space<vmem>>)
        %sub3A_561 = arith.constant 1 : i32
        %sub3A_562 = arith.subi %add3A_271, %sub3A_561 : i32
        %mul3A_563 = arith.constant 102400 : i32
        %mul3A_564 = arith.muli %add3A, %mul3A_563 : i32
        %mul3A_565 = arith.constant 128 : i32
        %mul3A_566 = arith.muli %sub3A_562, %mul3A_565 : i32
        %add3A_567 = arith.addi %mul3A_564, %mul3A_566 : i32
        %dma_start3A_568 = arith.constant 1 : i32
        %dma_start3A_569 = arith.constant 0 : i32
        %dma_start3A_570 = arith.constant 0 : i32
        %dma_start3A_571 = tpu.memref_slice %arg6[%dma_start3A_568, %dma_start3A_569, %dma_start3A_570] : memref<4x128x128xf32, #tpu.memory_space<vmem>> -> memref<1x128x128xf32, #tpu.memory_space<vmem>>
        %dma_start3A_572 = tpu.memref_squeeze %dma_start3A_571 : memref<1x128x128xf32, #tpu.memory_space<vmem>> -> memref<128x128xf32, #tpu.memory_space<vmem>>
        %dma_start3A_573 = arith.constant 0 : i32
        %dma_start3A_574 = tpu.memref_slice %arg4[%add3A_567, %dma_start3A_573] : memref<3276800x128xf32, #tpu.memory_space<hbm>> -> memref<128x128xf32, #tpu.memory_space<hbm>>
        %dma_start3A_575 = arith.constant 0 : i32
        %dma_start3A_576 = tpu.memref_slice %arg4[%add3A_567, %dma_start3A_575] : memref<3276800x128xf32, #tpu.memory_space<hbm>> -> memref<128x128xf32, #tpu.memory_space<hbm>>
        %dma_start3A_577 = arith.constant 0 : i32
        %dma_start3A_578 = arith.constant 0 : i32
        %dma_start3A_579 = tpu.memref_slice %arg6[%dma_start3A_568, %dma_start3A_577, %dma_start3A_578] : memref<4x128x128xf32, #tpu.memory_space<vmem>> -> memref<1x128x128xf32, #tpu.memory_space<vmem>>
        %dma_start3A_580 = tpu.memref_squeeze %dma_start3A_579 : memref<1x128x128xf32, #tpu.memory_space<vmem>> -> memref<128x128xf32, #tpu.memory_space<vmem>>
        tpu.enqueue_dma source(%dma_start3A_580 : memref<128x128xf32, #tpu.memory_space<vmem>>) target(%dma_start3A_576 : memref<128x128xf32, #tpu.memory_space<hbm>>) target_semaphore(%arg12 : memref<!tpu.dma_semaphore, #tpu.memory_space<semaphore_mem>>)
      } else {
      }
      %add3A_295 = arith.constant 7 : i32
      %add3A_296 = arith.addi %mul3A_111, %add3A_295 : i32
      %ge3A_297 = arith.constant 4 : i32
      %ge3A_298 = arith.cmpi sge, %add3A_296, %ge3A_297 : i32
      %convert_element_type3A_299 = arith.extui %ge3A_298 : i1 to i32
      %cond3A_300 = arith.constant 0 : i32
      %cond3A_301 = arith.cmpi ne, %convert_element_type3A_299, %cond3A_300 : i32
      scf.if %cond3A_301 {
        %dma_wait3A_548 = arith.constant 3 : i32
        %dma_wait3A_549 = arith.constant 0 : i32
        %dma_wait3A_550 = arith.constant 0 : i32
        %dma_wait3A_551 = tpu.memref_slice %arg6[%dma_wait3A_548, %dma_wait3A_549, %dma_wait3A_550] : memref<4x128x128xf32, #tpu.memory_space<vmem>> -> memref<1x128x128xf32, #tpu.memory_space<vmem>>
        %dma_wait3A_552 = tpu.memref_squeeze %dma_wait3A_551 : memref<1x128x128xf32, #tpu.memory_space<vmem>> -> memref<128x128xf32, #tpu.memory_space<vmem>>
        %dma_wait3A_553 = arith.constant 0 : i32
        %dma_wait3A_554 = arith.constant 0 : i32
        %dma_wait3A_555 = tpu.memref_slice %arg4[%dma_wait3A_553, %dma_wait3A_554] : memref<3276800x128xf32, #tpu.memory_space<hbm>> -> memref<128x128xf32, #tpu.memory_space<hbm>>
        %dma_wait3A_556 = arith.constant 0 : i32
        %dma_wait3A_557 = arith.constant 0 : i32
        %dma_wait3A_558 = tpu.memref_slice %arg4[%dma_wait3A_556, %dma_wait3A_557] : memref<3276800x128xf32, #tpu.memory_space<hbm>> -> memref<128x128xf32, #tpu.memory_space<hbm>>
        %dma_wait3A_559 = arith.constant 0 : i32
        %dma_wait3A_560 = arith.constant 0 : i32
        %dma_wait3A_561 = tpu.memref_slice %arg6[%dma_wait3A_548, %dma_wait3A_559, %dma_wait3A_560] : memref<4x128x128xf32, #tpu.memory_space<vmem>> -> memref<1x128x128xf32, #tpu.memory_space<vmem>>
        %dma_wait3A_562 = tpu.memref_squeeze %dma_wait3A_561 : memref<1x128x128xf32, #tpu.memory_space<vmem>> -> memref<128x128xf32, #tpu.memory_space<vmem>>
        tpu.wait_dma2 semaphore(%arg14 : memref<!tpu.dma_semaphore, #tpu.memory_space<semaphore_mem>>) src(%dma_wait3A_562 : memref<128x128xf32, #tpu.memory_space<vmem>>) dst(%dma_wait3A_558 : memref<128x128xf32, #tpu.memory_space<hbm>>)
      } else {
      }
      %dma_start3A_302 = arith.constant 0 : i32
      %dma_start3A_303 = arith.constant 7 : i32
      %dma_start3A_304 = arith.constant 3 : i32
      %dma_start3A_305 = arith.constant 0 : i32
      %dma_start3A_306 = arith.constant 0 : i32
      %dma_start3A_307 = tpu.memref_slice %arg6[%dma_start3A_304, %dma_start3A_305, %dma_start3A_306] : memref<4x128x128xf32, #tpu.memory_space<vmem>> -> memref<1x128x128xf32, #tpu.memory_space<vmem>>
      %dma_start3A_308 = tpu.memref_squeeze %dma_start3A_307 : memref<1x128x128xf32, #tpu.memory_space<vmem>> -> memref<128x128xf32, #tpu.memory_space<vmem>>
      %dma_start3A_309 = arith.constant 0 : i32
      %dma_start3A_310 = tpu.memref_slice %arg5[%dma_start3A_302, %dma_start3A_303, %dma_start3A_309] : memref<2x8x128xi32, #tpu.memory_space<vmem>> -> memref<1x1x128xi32, #tpu.memory_space<vmem>>
      %dma_start3A_311 = tpu.memref_squeeze %dma_start3A_310 : memref<1x1x128xi32, #tpu.memory_space<vmem>> -> memref<128xi32, #tpu.memory_space<vmem>>
      %dma_start3A_312 = arith.constant 0 : i32
      %dma_start3A_313 = arith.constant 0 : i32
      %dma_start3A_314 = tpu.memref_slice %arg3[%dma_start3A_312, %dma_start3A_313] : memref<1000000x128xf32, #tpu.memory_space<hbm>> -> memref<1000000x128xf32, #tpu.memory_space<hbm>>
      tpu.enqueue_indirect_dma source(%dma_start3A_314 : memref<1000000x128xf32, #tpu.memory_space<hbm>>) target(%dma_start3A_308 : memref<128x128xf32, #tpu.memory_space<vmem>>) offsets(%dma_start3A_311 : memref<128xi32, #tpu.memory_space<vmem>>) semaphore(%arg10 : memref<!tpu.dma_semaphore, #tpu.memory_space<semaphore_mem>>)
      %gt3A_315 = arith.constant 0 : i32
      %gt3A_316 = arith.cmpi sgt, %add3A_296, %gt3A_315 : i32
      %convert_element_type3A_317 = arith.extui %gt3A_316 : i1 to i32
      %cond3A_318 = arith.constant 0 : i32
      %cond3A_319 = arith.cmpi ne, %convert_element_type3A_317, %cond3A_318 : i32
      scf.if %cond3A_319 {
        %dma_wait3A_548 = arith.constant 0 : i32
        %dma_wait3A_549 = arith.constant 6 : i32
        %dma_wait3A_550 = arith.constant 2 : i32
        %dma_wait3A_551 = arith.constant 0 : i32
        %dma_wait3A_552 = arith.constant 0 : i32
        %dma_wait3A_553 = tpu.memref_slice %arg6[%dma_wait3A_550, %dma_wait3A_551, %dma_wait3A_552] : memref<4x128x128xf32, #tpu.memory_space<vmem>> -> memref<1x128x128xf32, #tpu.memory_space<vmem>>
        %dma_wait3A_554 = tpu.memref_squeeze %dma_wait3A_553 : memref<1x128x128xf32, #tpu.memory_space<vmem>> -> memref<128x128xf32, #tpu.memory_space<vmem>>
        %dma_wait3A_555 = arith.constant 0 : i32
        %dma_wait3A_556 = tpu.memref_slice %arg5[%dma_wait3A_548, %dma_wait3A_549, %dma_wait3A_555] : memref<2x8x128xi32, #tpu.memory_space<vmem>> -> memref<1x1x128xi32, #tpu.memory_space<vmem>>
        %dma_wait3A_557 = tpu.memref_squeeze %dma_wait3A_556 : memref<1x1x128xi32, #tpu.memory_space<vmem>> -> memref<128xi32, #tpu.memory_space<vmem>>
        %dma_wait3A_558 = arith.constant 0 : i32
        %dma_wait3A_559 = arith.constant 0 : i32
        %dma_wait3A_560 = tpu.memref_slice %arg3[%dma_wait3A_558, %dma_wait3A_559] : memref<1000000x128xf32, #tpu.memory_space<hbm>> -> memref<1000000x128xf32, #tpu.memory_space<hbm>>
        tpu.wait_indirect_dma semaphore(%arg9 : memref<!tpu.dma_semaphore, #tpu.memory_space<semaphore_mem>>) src(%dma_wait3A_560 : memref<1000000x128xf32, #tpu.memory_space<hbm>>) dst(%dma_wait3A_554 : memref<128x128xf32, #tpu.memory_space<vmem>>)
        %sub3A_561 = arith.constant 1 : i32
        %sub3A_562 = arith.subi %add3A_296, %sub3A_561 : i32
        %mul3A_563 = arith.constant 102400 : i32
        %mul3A_564 = arith.muli %add3A, %mul3A_563 : i32
        %mul3A_565 = arith.constant 128 : i32
        %mul3A_566 = arith.muli %sub3A_562, %mul3A_565 : i32
        %add3A_567 = arith.addi %mul3A_564, %mul3A_566 : i32
        %dma_start3A_568 = arith.constant 2 : i32
        %dma_start3A_569 = arith.constant 0 : i32
        %dma_start3A_570 = arith.constant 0 : i32
        %dma_start3A_571 = tpu.memref_slice %arg6[%dma_start3A_568, %dma_start3A_569, %dma_start3A_570] : memref<4x128x128xf32, #tpu.memory_space<vmem>> -> memref<1x128x128xf32, #tpu.memory_space<vmem>>
        %dma_start3A_572 = tpu.memref_squeeze %dma_start3A_571 : memref<1x128x128xf32, #tpu.memory_space<vmem>> -> memref<128x128xf32, #tpu.memory_space<vmem>>
        %dma_start3A_573 = arith.constant 0 : i32
        %dma_start3A_574 = tpu.memref_slice %arg4[%add3A_567, %dma_start3A_573] : memref<3276800x128xf32, #tpu.memory_space<hbm>> -> memref<128x128xf32, #tpu.memory_space<hbm>>
        %dma_start3A_575 = arith.constant 0 : i32
        %dma_start3A_576 = tpu.memref_slice %arg4[%add3A_567, %dma_start3A_575] : memref<3276800x128xf32, #tpu.memory_space<hbm>> -> memref<128x128xf32, #tpu.memory_space<hbm>>
        %dma_start3A_577 = arith.constant 0 : i32
        %dma_start3A_578 = arith.constant 0 : i32
        %dma_start3A_579 = tpu.memref_slice %arg6[%dma_start3A_568, %dma_start3A_577, %dma_start3A_578] : memref<4x128x128xf32, #tpu.memory_space<vmem>> -> memref<1x128x128xf32, #tpu.memory_space<vmem>>
        %dma_start3A_580 = tpu.memref_squeeze %dma_start3A_579 : memref<1x128x128xf32, #tpu.memory_space<vmem>> -> memref<128x128xf32, #tpu.memory_space<vmem>>
        tpu.enqueue_dma source(%dma_start3A_580 : memref<128x128xf32, #tpu.memory_space<vmem>>) target(%dma_start3A_576 : memref<128x128xf32, #tpu.memory_space<hbm>>) target_semaphore(%arg13 : memref<!tpu.dma_semaphore, #tpu.memory_space<semaphore_mem>>)
      } else {
      }
      %add3A_320 = arith.constant 8 : i32
      %add3A_321 = arith.addi %mul3A_111, %add3A_320 : i32
      %mul3A_322 = arith.constant 100 : i32
      %mul3A_323 = arith.muli %add3A, %mul3A_322 : i32
      %jit3A_324 = arith.constant 8 : i32
      %div3A_325 = arith.divsi %add3A_321, %jit3A_324 : i32
      %sign3A_326 = arith.constant 0 : i32
      %sign3A_327 = arith.cmpi sgt, %add3A_321, %sign3A_326 : i32
      %sign3A_328 = arith.extui %sign3A_327 : i1 to i32
      %sign3A_329 = arith.constant 0 : i32
      %sign3A_330 = arith.cmpi slt, %add3A_321, %sign3A_329 : i32
      %sign3A_331 = arith.extui %sign3A_330 : i1 to i32
      %sign3A_332 = arith.subi %sign3A_328, %sign3A_331 : i32
      %sign3A_333 = arith.constant 0 : i32
      %sign3A_334 = arith.cmpi sgt, %jit3A_324, %sign3A_333 : i32
      %sign3A_335 = arith.extui %sign3A_334 : i1 to i32
      %sign3A_336 = arith.constant 0 : i32
      %sign3A_337 = arith.cmpi slt, %jit3A_324, %sign3A_336 : i32
      %sign3A_338 = arith.extui %sign3A_337 : i1 to i32
      %sign3A_339 = arith.subi %sign3A_335, %sign3A_338 : i32
      %ne3A_340 = arith.cmpi ne, %sign3A_332, %sign3A_339 : i32
      %rem3A_341 = arith.remsi %add3A_321, %jit3A_324 : i32
      %ne3A_342 = arith.constant 0 : i32
      %ne3A_343 = arith.cmpi ne, %rem3A_341, %ne3A_342 : i32
      %and3A_344 = arith.andi %ne3A_340, %ne3A_343 : i1
      %sub3A_345 = arith.constant 1 : i32
      %sub3A_346 = arith.subi %div3A_325, %sub3A_345 : i32
      %select_n3A_347 = arith.select %and3A_344, %sub3A_346, %div3A_325 : i32
      %add3A_348 = arith.addi %mul3A_323, %select_n3A_347 : i32
      %run_scoped3A_349 = arith.constant 1 : i32
      "tpu.region"() ({
        %run_scoped3A_548 = tpu.sem_alloc : memref<!tpu.dma_semaphore, #tpu.memory_space<semaphore_mem>>
        %dma_start3A_549 = arith.constant 0 : i32
        %dma_start3A_550 = arith.constant 0 : i32
        %dma_start3A_551 = tpu.memref_slice %arg5[%run_scoped3A_349, %dma_start3A_549, %dma_start3A_550] : memref<2x8x128xi32, #tpu.memory_space<vmem>> -> memref<1x8x128xi32, #tpu.memory_space<vmem>>
        %dma_start3A_552 = tpu.memref_squeeze %dma_start3A_551 : memref<1x8x128xi32, #tpu.memory_space<vmem>> -> memref<8x128xi32, #tpu.memory_space<vmem>>
        %dma_start3A_553 = arith.constant 0 : i32
        %dma_start3A_554 = arith.constant 0 : i32
        %dma_start3A_555 = tpu.memref_slice %arg2[%add3A_348, %dma_start3A_553, %dma_start3A_554] : memref<3200x8x128xi32, #tpu.memory_space<hbm>> -> memref<1x8x128xi32, #tpu.memory_space<hbm>>
        %dma_start3A_556 = tpu.memref_squeeze %dma_start3A_555 : memref<1x8x128xi32, #tpu.memory_space<hbm>> -> memref<8x128xi32, #tpu.memory_space<hbm>>
        %dma_start3A_557 = arith.constant 0 : i32
        %dma_start3A_558 = arith.constant 0 : i32
        %dma_start3A_559 = tpu.memref_slice %arg5[%run_scoped3A_349, %dma_start3A_557, %dma_start3A_558] : memref<2x8x128xi32, #tpu.memory_space<vmem>> -> memref<1x8x128xi32, #tpu.memory_space<vmem>>
        %dma_start3A_560 = tpu.memref_squeeze %dma_start3A_559 : memref<1x8x128xi32, #tpu.memory_space<vmem>> -> memref<8x128xi32, #tpu.memory_space<vmem>>
        %dma_start3A_561 = arith.constant 0 : i32
        %dma_start3A_562 = arith.constant 0 : i32
        %dma_start3A_563 = tpu.memref_slice %arg2[%add3A_348, %dma_start3A_561, %dma_start3A_562] : memref<3200x8x128xi32, #tpu.memory_space<hbm>> -> memref<1x8x128xi32, #tpu.memory_space<hbm>>
        %dma_start3A_564 = tpu.memref_squeeze %dma_start3A_563 : memref<1x8x128xi32, #tpu.memory_space<hbm>> -> memref<8x128xi32, #tpu.memory_space<hbm>>
        tpu.enqueue_dma source(%dma_start3A_564 : memref<8x128xi32, #tpu.memory_space<hbm>>) target(%dma_start3A_560 : memref<8x128xi32, #tpu.memory_space<vmem>>) target_semaphore(%run_scoped3A_548 : memref<!tpu.dma_semaphore, #tpu.memory_space<semaphore_mem>>)
        %dma_wait3A_565 = arith.constant 0 : i32
        %dma_wait3A_566 = arith.constant 0 : i32
        %dma_wait3A_567 = tpu.memref_slice %arg5[%run_scoped3A_349, %dma_wait3A_565, %dma_wait3A_566] : memref<2x8x128xi32, #tpu.memory_space<vmem>> -> memref<1x8x128xi32, #tpu.memory_space<vmem>>
        %dma_wait3A_568 = tpu.memref_squeeze %dma_wait3A_567 : memref<1x8x128xi32, #tpu.memory_space<vmem>> -> memref<8x128xi32, #tpu.memory_space<vmem>>
        %dma_wait3A_569 = arith.constant 0 : i32
        %dma_wait3A_570 = arith.constant 0 : i32
        %dma_wait3A_571 = tpu.memref_slice %arg2[%add3A_348, %dma_wait3A_569, %dma_wait3A_570] : memref<3200x8x128xi32, #tpu.memory_space<hbm>> -> memref<1x8x128xi32, #tpu.memory_space<hbm>>
        %dma_wait3A_572 = tpu.memref_squeeze %dma_wait3A_571 : memref<1x8x128xi32, #tpu.memory_space<hbm>> -> memref<8x128xi32, #tpu.memory_space<hbm>>
        %dma_wait3A_573 = arith.constant 0 : i32
        %dma_wait3A_574 = arith.constant 0 : i32
        %dma_wait3A_575 = tpu.memref_slice %arg5[%run_scoped3A_349, %dma_wait3A_573, %dma_wait3A_574] : memref<2x8x128xi32, #tpu.memory_space<vmem>> -> memref<1x8x128xi32, #tpu.memory_space<vmem>>
        %dma_wait3A_576 = tpu.memref_squeeze %dma_wait3A_575 : memref<1x8x128xi32, #tpu.memory_space<vmem>> -> memref<8x128xi32, #tpu.memory_space<vmem>>
        %dma_wait3A_577 = arith.constant 0 : i32
        %dma_wait3A_578 = arith.constant 0 : i32
        %dma_wait3A_579 = tpu.memref_slice %arg2[%add3A_348, %dma_wait3A_577, %dma_wait3A_578] : memref<3200x8x128xi32, #tpu.memory_space<hbm>> -> memref<1x8x128xi32, #tpu.memory_space<hbm>>
        %dma_wait3A_580 = tpu.memref_squeeze %dma_wait3A_579 : memref<1x8x128xi32, #tpu.memory_space<hbm>> -> memref<8x128xi32, #tpu.memory_space<hbm>>
        tpu.wait_dma2 semaphore(%run_scoped3A_548 : memref<!tpu.dma_semaphore, #tpu.memory_space<semaphore_mem>>) src(%dma_wait3A_580 : memref<8x128xi32, #tpu.memory_space<hbm>>) dst(%dma_wait3A_576 : memref<8x128xi32, #tpu.memory_space<vmem>>)
        tpu.yield
      }) : () -> ()
      %ge3A_350 = arith.constant 4 : i32
      %ge3A_351 = arith.cmpi sge, %add3A_321, %ge3A_350 : i32
      %convert_element_type3A_352 = arith.extui %ge3A_351 : i1 to i32
      %cond3A_353 = arith.constant 0 : i32
      %cond3A_354 = arith.cmpi ne, %convert_element_type3A_352, %cond3A_353 : i32
      scf.if %cond3A_354 {
        %dma_wait3A_548 = arith.constant 0 : i32
        %dma_wait3A_549 = arith.constant 0 : i32
        %dma_wait3A_550 = arith.constant 0 : i32
        %dma_wait3A_551 = tpu.memref_slice %arg6[%dma_wait3A_548, %dma_wait3A_549, %dma_wait3A_550] : memref<4x128x128xf32, #tpu.memory_space<vmem>> -> memref<1x128x128xf32, #tpu.memory_space<vmem>>
        %dma_wait3A_552 = tpu.memref_squeeze %dma_wait3A_551 : memref<1x128x128xf32, #tpu.memory_space<vmem>> -> memref<128x128xf32, #tpu.memory_space<vmem>>
        %dma_wait3A_553 = arith.constant 0 : i32
        %dma_wait3A_554 = arith.constant 0 : i32
        %dma_wait3A_555 = tpu.memref_slice %arg4[%dma_wait3A_553, %dma_wait3A_554] : memref<3276800x128xf32, #tpu.memory_space<hbm>> -> memref<128x128xf32, #tpu.memory_space<hbm>>
        %dma_wait3A_556 = arith.constant 0 : i32
        %dma_wait3A_557 = arith.constant 0 : i32
        %dma_wait3A_558 = tpu.memref_slice %arg4[%dma_wait3A_556, %dma_wait3A_557] : memref<3276800x128xf32, #tpu.memory_space<hbm>> -> memref<128x128xf32, #tpu.memory_space<hbm>>
        %dma_wait3A_559 = arith.constant 0 : i32
        %dma_wait3A_560 = arith.constant 0 : i32
        %dma_wait3A_561 = tpu.memref_slice %arg6[%dma_wait3A_548, %dma_wait3A_559, %dma_wait3A_560] : memref<4x128x128xf32, #tpu.memory_space<vmem>> -> memref<1x128x128xf32, #tpu.memory_space<vmem>>
        %dma_wait3A_562 = tpu.memref_squeeze %dma_wait3A_561 : memref<1x128x128xf32, #tpu.memory_space<vmem>> -> memref<128x128xf32, #tpu.memory_space<vmem>>
        tpu.wait_dma2 semaphore(%arg11 : memref<!tpu.dma_semaphore, #tpu.memory_space<semaphore_mem>>) src(%dma_wait3A_562 : memref<128x128xf32, #tpu.memory_space<vmem>>) dst(%dma_wait3A_558 : memref<128x128xf32, #tpu.memory_space<hbm>>)
      } else {
      }
      %dma_start3A_355 = arith.constant 1 : i32
      %dma_start3A_356 = arith.constant 0 : i32
      %dma_start3A_357 = arith.constant 0 : i32
      %dma_start3A_358 = arith.constant 0 : i32
      %dma_start3A_359 = arith.constant 0 : i32
      %dma_start3A_360 = tpu.memref_slice %arg6[%dma_start3A_357, %dma_start3A_358, %dma_start3A_359] : memref<4x128x128xf32, #tpu.memory_space<vmem>> -> memref<1x128x128xf32, #tpu.memory_space<vmem>>
      %dma_start3A_361 = tpu.memref_squeeze %dma_start3A_360 : memref<1x128x128xf32, #tpu.memory_space<vmem>> -> memref<128x128xf32, #tpu.memory_space<vmem>>
      %dma_start3A_362 = arith.constant 0 : i32
      %dma_start3A_363 = tpu.memref_slice %arg5[%dma_start3A_355, %dma_start3A_356, %dma_start3A_362] : memref<2x8x128xi32, #tpu.memory_space<vmem>> -> memref<1x1x128xi32, #tpu.memory_space<vmem>>
      %dma_start3A_364 = tpu.memref_squeeze %dma_start3A_363 : memref<1x1x128xi32, #tpu.memory_space<vmem>> -> memref<128xi32, #tpu.memory_space<vmem>>
      %dma_start3A_365 = arith.constant 0 : i32
      %dma_start3A_366 = arith.constant 0 : i32
      %dma_start3A_367 = tpu.memref_slice %arg3[%dma_start3A_365, %dma_start3A_366] : memref<1000000x128xf32, #tpu.memory_space<hbm>> -> memref<1000000x128xf32, #tpu.memory_space<hbm>>
      tpu.enqueue_indirect_dma source(%dma_start3A_367 : memref<1000000x128xf32, #tpu.memory_space<hbm>>) target(%dma_start3A_361 : memref<128x128xf32, #tpu.memory_space<vmem>>) offsets(%dma_start3A_364 : memref<128xi32, #tpu.memory_space<vmem>>) semaphore(%arg7 : memref<!tpu.dma_semaphore, #tpu.memory_space<semaphore_mem>>)
      %gt3A_368 = arith.constant 0 : i32
      %gt3A_369 = arith.cmpi sgt, %add3A_321, %gt3A_368 : i32
      %convert_element_type3A_370 = arith.extui %gt3A_369 : i1 to i32
      %cond3A_371 = arith.constant 0 : i32
      %cond3A_372 = arith.cmpi ne, %convert_element_type3A_370, %cond3A_371 : i32
      scf.if %cond3A_372 {
        %dma_wait3A_548 = arith.constant 0 : i32
        %dma_wait3A_549 = arith.constant 7 : i32
        %dma_wait3A_550 = arith.constant 3 : i32
        %dma_wait3A_551 = arith.constant 0 : i32
        %dma_wait3A_552 = arith.constant 0 : i32
        %dma_wait3A_553 = tpu.memref_slice %arg6[%dma_wait3A_550, %dma_wait3A_551, %dma_wait3A_552] : memref<4x128x128xf32, #tpu.memory_space<vmem>> -> memref<1x128x128xf32, #tpu.memory_space<vmem>>
        %dma_wait3A_554 = tpu.memref_squeeze %dma_wait3A_553 : memref<1x128x128xf32, #tpu.memory_space<vmem>> -> memref<128x128xf32, #tpu.memory_space<vmem>>
        %dma_wait3A_555 = arith.constant 0 : i32
        %dma_wait3A_556 = tpu.memref_slice %arg5[%dma_wait3A_548, %dma_wait3A_549, %dma_wait3A_555] : memref<2x8x128xi32, #tpu.memory_space<vmem>> -> memref<1x1x128xi32, #tpu.memory_space<vmem>>
        %dma_wait3A_557 = tpu.memref_squeeze %dma_wait3A_556 : memref<1x1x128xi32, #tpu.memory_space<vmem>> -> memref<128xi32, #tpu.memory_space<vmem>>
        %dma_wait3A_558 = arith.constant 0 : i32
        %dma_wait3A_559 = arith.constant 0 : i32
        %dma_wait3A_560 = tpu.memref_slice %arg3[%dma_wait3A_558, %dma_wait3A_559] : memref<1000000x128xf32, #tpu.memory_space<hbm>> -> memref<1000000x128xf32, #tpu.memory_space<hbm>>
        tpu.wait_indirect_dma semaphore(%arg10 : memref<!tpu.dma_semaphore, #tpu.memory_space<semaphore_mem>>) src(%dma_wait3A_560 : memref<1000000x128xf32, #tpu.memory_space<hbm>>) dst(%dma_wait3A_554 : memref<128x128xf32, #tpu.memory_space<vmem>>)
        %sub3A_561 = arith.constant 1 : i32
        %sub3A_562 = arith.subi %add3A_321, %sub3A_561 : i32
        %mul3A_563 = arith.constant 102400 : i32
        %mul3A_564 = arith.muli %add3A, %mul3A_563 : i32
        %mul3A_565 = arith.constant 128 : i32
        %mul3A_566 = arith.muli %sub3A_562, %mul3A_565 : i32
        %add3A_567 = arith.addi %mul3A_564, %mul3A_566 : i32
        %dma_start3A_568 = arith.constant 3 : i32
        %dma_start3A_569 = arith.constant 0 : i32
        %dma_start3A_570 = arith.constant 0 : i32
        %dma_start3A_571 = tpu.memref_slice %arg6[%dma_start3A_568, %dma_start3A_569, %dma_start3A_570] : memref<4x128x128xf32, #tpu.memory_space<vmem>> -> memref<1x128x128xf32, #tpu.memory_space<vmem>>
        %dma_start3A_572 = tpu.memref_squeeze %dma_start3A_571 : memref<1x128x128xf32, #tpu.memory_space<vmem>> -> memref<128x128xf32, #tpu.memory_space<vmem>>
        %dma_start3A_573 = arith.constant 0 : i32
        %dma_start3A_574 = tpu.memref_slice %arg4[%add3A_567, %dma_start3A_573] : memref<3276800x128xf32, #tpu.memory_space<hbm>> -> memref<128x128xf32, #tpu.memory_space<hbm>>
        %dma_start3A_575 = arith.constant 0 : i32
        %dma_start3A_576 = tpu.memref_slice %arg4[%add3A_567, %dma_start3A_575] : memref<3276800x128xf32, #tpu.memory_space<hbm>> -> memref<128x128xf32, #tpu.memory_space<hbm>>
        %dma_start3A_577 = arith.constant 0 : i32
        %dma_start3A_578 = arith.constant 0 : i32
        %dma_start3A_579 = tpu.memref_slice %arg6[%dma_start3A_568, %dma_start3A_577, %dma_start3A_578] : memref<4x128x128xf32, #tpu.memory_space<vmem>> -> memref<1x128x128xf32, #tpu.memory_space<vmem>>
        %dma_start3A_580 = tpu.memref_squeeze %dma_start3A_579 : memref<1x128x128xf32, #tpu.memory_space<vmem>> -> memref<128x128xf32, #tpu.memory_space<vmem>>
        tpu.enqueue_dma source(%dma_start3A_580 : memref<128x128xf32, #tpu.memory_space<vmem>>) target(%dma_start3A_576 : memref<128x128xf32, #tpu.memory_space<hbm>>) target_semaphore(%arg14 : memref<!tpu.dma_semaphore, #tpu.memory_space<semaphore_mem>>)
      } else {
      }
      %add3A_373 = arith.constant 9 : i32
      %add3A_374 = arith.addi %mul3A_111, %add3A_373 : i32
      %ge3A_375 = arith.constant 4 : i32
      %ge3A_376 = arith.cmpi sge, %add3A_374, %ge3A_375 : i32
      %convert_element_type3A_377 = arith.extui %ge3A_376 : i1 to i32
      %cond3A_378 = arith.constant 0 : i32
      %cond3A_379 = arith.cmpi ne, %convert_element_type3A_377, %cond3A_378 : i32
      scf.if %cond3A_379 {
        %dma_wait3A_548 = arith.constant 1 : i32
        %dma_wait3A_549 = arith.constant 0 : i32
        %dma_wait3A_550 = arith.constant 0 : i32
        %dma_wait3A_551 = tpu.memref_slice %arg6[%dma_wait3A_548, %dma_wait3A_549, %dma_wait3A_550] : memref<4x128x128xf32, #tpu.memory_space<vmem>> -> memref<1x128x128xf32, #tpu.memory_space<vmem>>
        %dma_wait3A_552 = tpu.memref_squeeze %dma_wait3A_551 : memref<1x128x128xf32, #tpu.memory_space<vmem>> -> memref<128x128xf32, #tpu.memory_space<vmem>>
        %dma_wait3A_553 = arith.constant 0 : i32
        %dma_wait3A_554 = arith.constant 0 : i32
        %dma_wait3A_555 = tpu.memref_slice %arg4[%dma_wait3A_553, %dma_wait3A_554] : memref<3276800x128xf32, #tpu.memory_space<hbm>> -> memref<128x128xf32, #tpu.memory_space<hbm>>
        %dma_wait3A_556 = arith.constant 0 : i32
        %dma_wait3A_557 = arith.constant 0 : i32
        %dma_wait3A_558 = tpu.memref_slice %arg4[%dma_wait3A_556, %dma_wait3A_557] : memref<3276800x128xf32, #tpu.memory_space<hbm>> -> memref<128x128xf32, #tpu.memory_space<hbm>>
        %dma_wait3A_559 = arith.constant 0 : i32
        %dma_wait3A_560 = arith.constant 0 : i32
        %dma_wait3A_561 = tpu.memref_slice %arg6[%dma_wait3A_548, %dma_wait3A_559, %dma_wait3A_560] : memref<4x128x128xf32, #tpu.memory_space<vmem>> -> memref<1x128x128xf32, #tpu.memory_space<vmem>>
        %dma_wait3A_562 = tpu.memref_squeeze %dma_wait3A_561 : memref<1x128x128xf32, #tpu.memory_space<vmem>> -> memref<128x128xf32, #tpu.memory_space<vmem>>
        tpu.wait_dma2 semaphore(%arg12 : memref<!tpu.dma_semaphore, #tpu.memory_space<semaphore_mem>>) src(%dma_wait3A_562 : memref<128x128xf32, #tpu.memory_space<vmem>>) dst(%dma_wait3A_558 : memref<128x128xf32, #tpu.memory_space<hbm>>)
      } else {
      }
      %dma_start3A_380 = arith.constant 1 : i32
      %dma_start3A_381 = arith.constant 1 : i32
      %dma_start3A_382 = arith.constant 1 : i32
      %dma_start3A_383 = arith.constant 0 : i32
      %dma_start3A_384 = arith.constant 0 : i32
      %dma_start3A_385 = tpu.memref_slice %arg6[%dma_start3A_382, %dma_start3A_383, %dma_start3A_384] : memref<4x128x128xf32, #tpu.memory_space<vmem>> -> memref<1x128x128xf32, #tpu.memory_space<vmem>>
      %dma_start3A_386 = tpu.memref_squeeze %dma_start3A_385 : memref<1x128x128xf32, #tpu.memory_space<vmem>> -> memref<128x128xf32, #tpu.memory_space<vmem>>
      %dma_start3A_387 = arith.constant 0 : i32
      %dma_start3A_388 = tpu.memref_slice %arg5[%dma_start3A_380, %dma_start3A_381, %dma_start3A_387] : memref<2x8x128xi32, #tpu.memory_space<vmem>> -> memref<1x1x128xi32, #tpu.memory_space<vmem>>
      %dma_start3A_389 = tpu.memref_squeeze %dma_start3A_388 : memref<1x1x128xi32, #tpu.memory_space<vmem>> -> memref<128xi32, #tpu.memory_space<vmem>>
      %dma_start3A_390 = arith.constant 0 : i32
      %dma_start3A_391 = arith.constant 0 : i32
      %dma_start3A_392 = tpu.memref_slice %arg3[%dma_start3A_390, %dma_start3A_391] : memref<1000000x128xf32, #tpu.memory_space<hbm>> -> memref<1000000x128xf32, #tpu.memory_space<hbm>>
      tpu.enqueue_indirect_dma source(%dma_start3A_392 : memref<1000000x128xf32, #tpu.memory_space<hbm>>) target(%dma_start3A_386 : memref<128x128xf32, #tpu.memory_space<vmem>>) offsets(%dma_start3A_389 : memref<128xi32, #tpu.memory_space<vmem>>) semaphore(%arg8 : memref<!tpu.dma_semaphore, #tpu.memory_space<semaphore_mem>>)
      %gt3A_393 = arith.constant 0 : i32
      %gt3A_394 = arith.cmpi sgt, %add3A_374, %gt3A_393 : i32
      %convert_element_type3A_395 = arith.extui %gt3A_394 : i1 to i32
      %cond3A_396 = arith.constant 0 : i32
      %cond3A_397 = arith.cmpi ne, %convert_element_type3A_395, %cond3A_396 : i32
      scf.if %cond3A_397 {
        %dma_wait3A_548 = arith.constant 1 : i32
        %dma_wait3A_549 = arith.constant 0 : i32
        %dma_wait3A_550 = arith.constant 0 : i32
        %dma_wait3A_551 = arith.constant 0 : i32
        %dma_wait3A_552 = arith.constant 0 : i32
        %dma_wait3A_553 = tpu.memref_slice %arg6[%dma_wait3A_550, %dma_wait3A_551, %dma_wait3A_552] : memref<4x128x128xf32, #tpu.memory_space<vmem>> -> memref<1x128x128xf32, #tpu.memory_space<vmem>>
        %dma_wait3A_554 = tpu.memref_squeeze %dma_wait3A_553 : memref<1x128x128xf32, #tpu.memory_space<vmem>> -> memref<128x128xf32, #tpu.memory_space<vmem>>
        %dma_wait3A_555 = arith.constant 0 : i32
        %dma_wait3A_556 = tpu.memref_slice %arg5[%dma_wait3A_548, %dma_wait3A_549, %dma_wait3A_555] : memref<2x8x128xi32, #tpu.memory_space<vmem>> -> memref<1x1x128xi32, #tpu.memory_space<vmem>>
        %dma_wait3A_557 = tpu.memref_squeeze %dma_wait3A_556 : memref<1x1x128xi32, #tpu.memory_space<vmem>> -> memref<128xi32, #tpu.memory_space<vmem>>
        %dma_wait3A_558 = arith.constant 0 : i32
        %dma_wait3A_559 = arith.constant 0 : i32
        %dma_wait3A_560 = tpu.memref_slice %arg3[%dma_wait3A_558, %dma_wait3A_559] : memref<1000000x128xf32, #tpu.memory_space<hbm>> -> memref<1000000x128xf32, #tpu.memory_space<hbm>>
        tpu.wait_indirect_dma semaphore(%arg7 : memref<!tpu.dma_semaphore, #tpu.memory_space<semaphore_mem>>) src(%dma_wait3A_560 : memref<1000000x128xf32, #tpu.memory_space<hbm>>) dst(%dma_wait3A_554 : memref<128x128xf32, #tpu.memory_space<vmem>>)
        %sub3A_561 = arith.constant 1 : i32
        %sub3A_562 = arith.subi %add3A_374, %sub3A_561 : i32
        %mul3A_563 = arith.constant 102400 : i32
        %mul3A_564 = arith.muli %add3A, %mul3A_563 : i32
        %mul3A_565 = arith.constant 128 : i32
        %mul3A_566 = arith.muli %sub3A_562, %mul3A_565 : i32
        %add3A_567 = arith.addi %mul3A_564, %mul3A_566 : i32
        %dma_start3A_568 = arith.constant 0 : i32
        %dma_start3A_569 = arith.constant 0 : i32
        %dma_start3A_570 = arith.constant 0 : i32
        %dma_start3A_571 = tpu.memref_slice %arg6[%dma_start3A_568, %dma_start3A_569, %dma_start3A_570] : memref<4x128x128xf32, #tpu.memory_space<vmem>> -> memref<1x128x128xf32, #tpu.memory_space<vmem>>
        %dma_start3A_572 = tpu.memref_squeeze %dma_start3A_571 : memref<1x128x128xf32, #tpu.memory_space<vmem>> -> memref<128x128xf32, #tpu.memory_space<vmem>>
        %dma_start3A_573 = arith.constant 0 : i32
        %dma_start3A_574 = tpu.memref_slice %arg4[%add3A_567, %dma_start3A_573] : memref<3276800x128xf32, #tpu.memory_space<hbm>> -> memref<128x128xf32, #tpu.memory_space<hbm>>
        %dma_start3A_575 = arith.constant 0 : i32
        %dma_start3A_576 = tpu.memref_slice %arg4[%add3A_567, %dma_start3A_575] : memref<3276800x128xf32, #tpu.memory_space<hbm>> -> memref<128x128xf32, #tpu.memory_space<hbm>>
        %dma_start3A_577 = arith.constant 0 : i32
        %dma_start3A_578 = arith.constant 0 : i32
        %dma_start3A_579 = tpu.memref_slice %arg6[%dma_start3A_568, %dma_start3A_577, %dma_start3A_578] : memref<4x128x128xf32, #tpu.memory_space<vmem>> -> memref<1x128x128xf32, #tpu.memory_space<vmem>>
        %dma_start3A_580 = tpu.memref_squeeze %dma_start3A_579 : memref<1x128x128xf32, #tpu.memory_space<vmem>> -> memref<128x128xf32, #tpu.memory_space<vmem>>
        tpu.enqueue_dma source(%dma_start3A_580 : memref<128x128xf32, #tpu.memory_space<vmem>>) target(%dma_start3A_576 : memref<128x128xf32, #tpu.memory_space<hbm>>) target_semaphore(%arg11 : memref<!tpu.dma_semaphore, #tpu.memory_space<semaphore_mem>>)
      } else {
      }
      %add3A_398 = arith.constant 10 : i32
      %add3A_399 = arith.addi %mul3A_111, %add3A_398 : i32
      %ge3A_400 = arith.constant 4 : i32
      %ge3A_401 = arith.cmpi sge, %add3A_399, %ge3A_400 : i32
      %convert_element_type3A_402 = arith.extui %ge3A_401 : i1 to i32
      %cond3A_403 = arith.constant 0 : i32
      %cond3A_404 = arith.cmpi ne, %convert_element_type3A_402, %cond3A_403 : i32
      scf.if %cond3A_404 {
        %dma_wait3A_548 = arith.constant 2 : i32
        %dma_wait3A_549 = arith.constant 0 : i32
        %dma_wait3A_550 = arith.constant 0 : i32
        %dma_wait3A_551 = tpu.memref_slice %arg6[%dma_wait3A_548, %dma_wait3A_549, %dma_wait3A_550] : memref<4x128x128xf32, #tpu.memory_space<vmem>> -> memref<1x128x128xf32, #tpu.memory_space<vmem>>
        %dma_wait3A_552 = tpu.memref_squeeze %dma_wait3A_551 : memref<1x128x128xf32, #tpu.memory_space<vmem>> -> memref<128x128xf32, #tpu.memory_space<vmem>>
        %dma_wait3A_553 = arith.constant 0 : i32
        %dma_wait3A_554 = arith.constant 0 : i32
        %dma_wait3A_555 = tpu.memref_slice %arg4[%dma_wait3A_553, %dma_wait3A_554] : memref<3276800x128xf32, #tpu.memory_space<hbm>> -> memref<128x128xf32, #tpu.memory_space<hbm>>
        %dma_wait3A_556 = arith.constant 0 : i32
        %dma_wait3A_557 = arith.constant 0 : i32
        %dma_wait3A_558 = tpu.memref_slice %arg4[%dma_wait3A_556, %dma_wait3A_557] : memref<3276800x128xf32, #tpu.memory_space<hbm>> -> memref<128x128xf32, #tpu.memory_space<hbm>>
        %dma_wait3A_559 = arith.constant 0 : i32
        %dma_wait3A_560 = arith.constant 0 : i32
        %dma_wait3A_561 = tpu.memref_slice %arg6[%dma_wait3A_548, %dma_wait3A_559, %dma_wait3A_560] : memref<4x128x128xf32, #tpu.memory_space<vmem>> -> memref<1x128x128xf32, #tpu.memory_space<vmem>>
        %dma_wait3A_562 = tpu.memref_squeeze %dma_wait3A_561 : memref<1x128x128xf32, #tpu.memory_space<vmem>> -> memref<128x128xf32, #tpu.memory_space<vmem>>
        tpu.wait_dma2 semaphore(%arg13 : memref<!tpu.dma_semaphore, #tpu.memory_space<semaphore_mem>>) src(%dma_wait3A_562 : memref<128x128xf32, #tpu.memory_space<vmem>>) dst(%dma_wait3A_558 : memref<128x128xf32, #tpu.memory_space<hbm>>)
      } else {
      }
      %dma_start3A_405 = arith.constant 1 : i32
      %dma_start3A_406 = arith.constant 2 : i32
      %dma_start3A_407 = arith.constant 2 : i32
      %dma_start3A_408 = arith.constant 0 : i32
      %dma_start3A_409 = arith.constant 0 : i32
      %dma_start3A_410 = tpu.memref_slice %arg6[%dma_start3A_407, %dma_start3A_408, %dma_start3A_409] : memref<4x128x128xf32, #tpu.memory_space<vmem>> -> memref<1x128x128xf32, #tpu.memory_space<vmem>>
      %dma_start3A_411 = tpu.memref_squeeze %dma_start3A_410 : memref<1x128x128xf32, #tpu.memory_space<vmem>> -> memref<128x128xf32, #tpu.memory_space<vmem>>
      %dma_start3A_412 = arith.constant 0 : i32
      %dma_start3A_413 = tpu.memref_slice %arg5[%dma_start3A_405, %dma_start3A_406, %dma_start3A_412] : memref<2x8x128xi32, #tpu.memory_space<vmem>> -> memref<1x1x128xi32, #tpu.memory_space<vmem>>
      %dma_start3A_414 = tpu.memref_squeeze %dma_start3A_413 : memref<1x1x128xi32, #tpu.memory_space<vmem>> -> memref<128xi32, #tpu.memory_space<vmem>>
      %dma_start3A_415 = arith.constant 0 : i32
      %dma_start3A_416 = arith.constant 0 : i32
      %dma_start3A_417 = tpu.memref_slice %arg3[%dma_start3A_415, %dma_start3A_416] : memref<1000000x128xf32, #tpu.memory_space<hbm>> -> memref<1000000x128xf32, #tpu.memory_space<hbm>>
      tpu.enqueue_indirect_dma source(%dma_start3A_417 : memref<1000000x128xf32, #tpu.memory_space<hbm>>) target(%dma_start3A_411 : memref<128x128xf32, #tpu.memory_space<vmem>>) offsets(%dma_start3A_414 : memref<128xi32, #tpu.memory_space<vmem>>) semaphore(%arg9 : memref<!tpu.dma_semaphore, #tpu.memory_space<semaphore_mem>>)
      %gt3A_418 = arith.constant 0 : i32
      %gt3A_419 = arith.cmpi sgt, %add3A_399, %gt3A_418 : i32
      %convert_element_type3A_420 = arith.extui %gt3A_419 : i1 to i32
      %cond3A_421 = arith.constant 0 : i32
      %cond3A_422 = arith.cmpi ne, %convert_element_type3A_420, %cond3A_421 : i32
      scf.if %cond3A_422 {
        %dma_wait3A_548 = arith.constant 1 : i32
        %dma_wait3A_549 = arith.constant 1 : i32
        %dma_wait3A_550 = arith.constant 1 : i32
        %dma_wait3A_551 = arith.constant 0 : i32
        %dma_wait3A_552 = arith.constant 0 : i32
        %dma_wait3A_553 = tpu.memref_slice %arg6[%dma_wait3A_550, %dma_wait3A_551, %dma_wait3A_552] : memref<4x128x128xf32, #tpu.memory_space<vmem>> -> memref<1x128x128xf32, #tpu.memory_space<vmem>>
        %dma_wait3A_554 = tpu.memref_squeeze %dma_wait3A_553 : memref<1x128x128xf32, #tpu.memory_space<vmem>> -> memref<128x128xf32, #tpu.memory_space<vmem>>
        %dma_wait3A_555 = arith.constant 0 : i32
        %dma_wait3A_556 = tpu.memref_slice %arg5[%dma_wait3A_548, %dma_wait3A_549, %dma_wait3A_555] : memref<2x8x128xi32, #tpu.memory_space<vmem>> -> memref<1x1x128xi32, #tpu.memory_space<vmem>>
        %dma_wait3A_557 = tpu.memref_squeeze %dma_wait3A_556 : memref<1x1x128xi32, #tpu.memory_space<vmem>> -> memref<128xi32, #tpu.memory_space<vmem>>
        %dma_wait3A_558 = arith.constant 0 : i32
        %dma_wait3A_559 = arith.constant 0 : i32
        %dma_wait3A_560 = tpu.memref_slice %arg3[%dma_wait3A_558, %dma_wait3A_559] : memref<1000000x128xf32, #tpu.memory_space<hbm>> -> memref<1000000x128xf32, #tpu.memory_space<hbm>>
        tpu.wait_indirect_dma semaphore(%arg8 : memref<!tpu.dma_semaphore, #tpu.memory_space<semaphore_mem>>) src(%dma_wait3A_560 : memref<1000000x128xf32, #tpu.memory_space<hbm>>) dst(%dma_wait3A_554 : memref<128x128xf32, #tpu.memory_space<vmem>>)
        %sub3A_561 = arith.constant 1 : i32
        %sub3A_562 = arith.subi %add3A_399, %sub3A_561 : i32
        %mul3A_563 = arith.constant 102400 : i32
        %mul3A_564 = arith.muli %add3A, %mul3A_563 : i32
        %mul3A_565 = arith.constant 128 : i32
        %mul3A_566 = arith.muli %sub3A_562, %mul3A_565 : i32
        %add3A_567 = arith.addi %mul3A_564, %mul3A_566 : i32
        %dma_start3A_568 = arith.constant 1 : i32
        %dma_start3A_569 = arith.constant 0 : i32
        %dma_start3A_570 = arith.constant 0 : i32
        %dma_start3A_571 = tpu.memref_slice %arg6[%dma_start3A_568, %dma_start3A_569, %dma_start3A_570] : memref<4x128x128xf32, #tpu.memory_space<vmem>> -> memref<1x128x128xf32, #tpu.memory_space<vmem>>
        %dma_start3A_572 = tpu.memref_squeeze %dma_start3A_571 : memref<1x128x128xf32, #tpu.memory_space<vmem>> -> memref<128x128xf32, #tpu.memory_space<vmem>>
        %dma_start3A_573 = arith.constant 0 : i32
        %dma_start3A_574 = tpu.memref_slice %arg4[%add3A_567, %dma_start3A_573] : memref<3276800x128xf32, #tpu.memory_space<hbm>> -> memref<128x128xf32, #tpu.memory_space<hbm>>
        %dma_start3A_575 = arith.constant 0 : i32
        %dma_start3A_576 = tpu.memref_slice %arg4[%add3A_567, %dma_start3A_575] : memref<3276800x128xf32, #tpu.memory_space<hbm>> -> memref<128x128xf32, #tpu.memory_space<hbm>>
        %dma_start3A_577 = arith.constant 0 : i32
        %dma_start3A_578 = arith.constant 0 : i32
        %dma_start3A_579 = tpu.memref_slice %arg6[%dma_start3A_568, %dma_start3A_577, %dma_start3A_578] : memref<4x128x128xf32, #tpu.memory_space<vmem>> -> memref<1x128x128xf32, #tpu.memory_space<vmem>>
        %dma_start3A_580 = tpu.memref_squeeze %dma_start3A_579 : memref<1x128x128xf32, #tpu.memory_space<vmem>> -> memref<128x128xf32, #tpu.memory_space<vmem>>
        tpu.enqueue_dma source(%dma_start3A_580 : memref<128x128xf32, #tpu.memory_space<vmem>>) target(%dma_start3A_576 : memref<128x128xf32, #tpu.memory_space<hbm>>) target_semaphore(%arg12 : memref<!tpu.dma_semaphore, #tpu.memory_space<semaphore_mem>>)
      } else {
      }
      %add3A_423 = arith.constant 11 : i32
      %add3A_424 = arith.addi %mul3A_111, %add3A_423 : i32
      %ge3A_425 = arith.constant 4 : i32
      %ge3A_426 = arith.cmpi sge, %add3A_424, %ge3A_425 : i32
      %convert_element_type3A_427 = arith.extui %ge3A_426 : i1 to i32
      %cond3A_428 = arith.constant 0 : i32
      %cond3A_429 = arith.cmpi ne, %convert_element_type3A_427, %cond3A_428 : i32
      scf.if %cond3A_429 {
        %dma_wait3A_548 = arith.constant 3 : i32
        %dma_wait3A_549 = arith.constant 0 : i32
        %dma_wait3A_550 = arith.constant 0 : i32
        %dma_wait3A_551 = tpu.memref_slice %arg6[%dma_wait3A_548, %dma_wait3A_549, %dma_wait3A_550] : memref<4x128x128xf32, #tpu.memory_space<vmem>> -> memref<1x128x128xf32, #tpu.memory_space<vmem>>
        %dma_wait3A_552 = tpu.memref_squeeze %dma_wait3A_551 : memref<1x128x128xf32, #tpu.memory_space<vmem>> -> memref<128x128xf32, #tpu.memory_space<vmem>>
        %dma_wait3A_553 = arith.constant 0 : i32
        %dma_wait3A_554 = arith.constant 0 : i32
        %dma_wait3A_555 = tpu.memref_slice %arg4[%dma_wait3A_553, %dma_wait3A_554] : memref<3276800x128xf32, #tpu.memory_space<hbm>> -> memref<128x128xf32, #tpu.memory_space<hbm>>
        %dma_wait3A_556 = arith.constant 0 : i32
        %dma_wait3A_557 = arith.constant 0 : i32
        %dma_wait3A_558 = tpu.memref_slice %arg4[%dma_wait3A_556, %dma_wait3A_557] : memref<3276800x128xf32, #tpu.memory_space<hbm>> -> memref<128x128xf32, #tpu.memory_space<hbm>>
        %dma_wait3A_559 = arith.constant 0 : i32
        %dma_wait3A_560 = arith.constant 0 : i32
        %dma_wait3A_561 = tpu.memref_slice %arg6[%dma_wait3A_548, %dma_wait3A_559, %dma_wait3A_560] : memref<4x128x128xf32, #tpu.memory_space<vmem>> -> memref<1x128x128xf32, #tpu.memory_space<vmem>>
        %dma_wait3A_562 = tpu.memref_squeeze %dma_wait3A_561 : memref<1x128x128xf32, #tpu.memory_space<vmem>> -> memref<128x128xf32, #tpu.memory_space<vmem>>
        tpu.wait_dma2 semaphore(%arg14 : memref<!tpu.dma_semaphore, #tpu.memory_space<semaphore_mem>>) src(%dma_wait3A_562 : memref<128x128xf32, #tpu.memory_space<vmem>>) dst(%dma_wait3A_558 : memref<128x128xf32, #tpu.memory_space<hbm>>)
      } else {
      }
      %dma_start3A_430 = arith.constant 1 : i32
      %dma_start3A_431 = arith.constant 3 : i32
      %dma_start3A_432 = arith.constant 3 : i32
      %dma_start3A_433 = arith.constant 0 : i32
      %dma_start3A_434 = arith.constant 0 : i32
      %dma_start3A_435 = tpu.memref_slice %arg6[%dma_start3A_432, %dma_start3A_433, %dma_start3A_434] : memref<4x128x128xf32, #tpu.memory_space<vmem>> -> memref<1x128x128xf32, #tpu.memory_space<vmem>>
      %dma_start3A_436 = tpu.memref_squeeze %dma_start3A_435 : memref<1x128x128xf32, #tpu.memory_space<vmem>> -> memref<128x128xf32, #tpu.memory_space<vmem>>
      %dma_start3A_437 = arith.constant 0 : i32
      %dma_start3A_438 = tpu.memref_slice %arg5[%dma_start3A_430, %dma_start3A_431, %dma_start3A_437] : memref<2x8x128xi32, #tpu.memory_space<vmem>> -> memref<1x1x128xi32, #tpu.memory_space<vmem>>
      %dma_start3A_439 = tpu.memref_squeeze %dma_start3A_438 : memref<1x1x128xi32, #tpu.memory_space<vmem>> -> memref<128xi32, #tpu.memory_space<vmem>>
      %dma_start3A_440 = arith.constant 0 : i32
      %dma_start3A_441 = arith.constant 0 : i32
      %dma_start3A_442 = tpu.memref_slice %arg3[%dma_start3A_440, %dma_start3A_441] : memref<1000000x128xf32, #tpu.memory_space<hbm>> -> memref<1000000x128xf32, #tpu.memory_space<hbm>>
      tpu.enqueue_indirect_dma source(%dma_start3A_442 : memref<1000000x128xf32, #tpu.memory_space<hbm>>) target(%dma_start3A_436 : memref<128x128xf32, #tpu.memory_space<vmem>>) offsets(%dma_start3A_439 : memref<128xi32, #tpu.memory_space<vmem>>) semaphore(%arg10 : memref<!tpu.dma_semaphore, #tpu.memory_space<semaphore_mem>>)
      %gt3A_443 = arith.constant 0 : i32
      %gt3A_444 = arith.cmpi sgt, %add3A_424, %gt3A_443 : i32
      %convert_element_type3A_445 = arith.extui %gt3A_444 : i1 to i32
      %cond3A_446 = arith.constant 0 : i32
      %cond3A_447 = arith.cmpi ne, %convert_element_type3A_445, %cond3A_446 : i32
      scf.if %cond3A_447 {
        %dma_wait3A_548 = arith.constant 1 : i32
        %dma_wait3A_549 = arith.constant 2 : i32
        %dma_wait3A_550 = arith.constant 2 : i32
        %dma_wait3A_551 = arith.constant 0 : i32
        %dma_wait3A_552 = arith.constant 0 : i32
        %dma_wait3A_553 = tpu.memref_slice %arg6[%dma_wait3A_550, %dma_wait3A_551, %dma_wait3A_552] : memref<4x128x128xf32, #tpu.memory_space<vmem>> -> memref<1x128x128xf32, #tpu.memory_space<vmem>>
        %dma_wait3A_554 = tpu.memref_squeeze %dma_wait3A_553 : memref<1x128x128xf32, #tpu.memory_space<vmem>> -> memref<128x128xf32, #tpu.memory_space<vmem>>
        %dma_wait3A_555 = arith.constant 0 : i32
        %dma_wait3A_556 = tpu.memref_slice %arg5[%dma_wait3A_548, %dma_wait3A_549, %dma_wait3A_555] : memref<2x8x128xi32, #tpu.memory_space<vmem>> -> memref<1x1x128xi32, #tpu.memory_space<vmem>>
        %dma_wait3A_557 = tpu.memref_squeeze %dma_wait3A_556 : memref<1x1x128xi32, #tpu.memory_space<vmem>> -> memref<128xi32, #tpu.memory_space<vmem>>
        %dma_wait3A_558 = arith.constant 0 : i32
        %dma_wait3A_559 = arith.constant 0 : i32
        %dma_wait3A_560 = tpu.memref_slice %arg3[%dma_wait3A_558, %dma_wait3A_559] : memref<1000000x128xf32, #tpu.memory_space<hbm>> -> memref<1000000x128xf32, #tpu.memory_space<hbm>>
        tpu.wait_indirect_dma semaphore(%arg9 : memref<!tpu.dma_semaphore, #tpu.memory_space<semaphore_mem>>) src(%dma_wait3A_560 : memref<1000000x128xf32, #tpu.memory_space<hbm>>) dst(%dma_wait3A_554 : memref<128x128xf32, #tpu.memory_space<vmem>>)
        %sub3A_561 = arith.constant 1 : i32
        %sub3A_562 = arith.subi %add3A_424, %sub3A_561 : i32
        %mul3A_563 = arith.constant 102400 : i32
        %mul3A_564 = arith.muli %add3A, %mul3A_563 : i32
        %mul3A_565 = arith.constant 128 : i32
        %mul3A_566 = arith.muli %sub3A_562, %mul3A_565 : i32
        %add3A_567 = arith.addi %mul3A_564, %mul3A_566 : i32
        %dma_start3A_568 = arith.constant 2 : i32
        %dma_start3A_569 = arith.constant 0 : i32
        %dma_start3A_570 = arith.constant 0 : i32
        %dma_start3A_571 = tpu.memref_slice %arg6[%dma_start3A_568, %dma_start3A_569, %dma_start3A_570] : memref<4x128x128xf32, #tpu.memory_space<vmem>> -> memref<1x128x128xf32, #tpu.memory_space<vmem>>
        %dma_start3A_572 = tpu.memref_squeeze %dma_start3A_571 : memref<1x128x128xf32, #tpu.memory_space<vmem>> -> memref<128x128xf32, #tpu.memory_space<vmem>>
        %dma_start3A_573 = arith.constant 0 : i32
        %dma_start3A_574 = tpu.memref_slice %arg4[%add3A_567, %dma_start3A_573] : memref<3276800x128xf32, #tpu.memory_space<hbm>> -> memref<128x128xf32, #tpu.memory_space<hbm>>
        %dma_start3A_575 = arith.constant 0 : i32
        %dma_start3A_576 = tpu.memref_slice %arg4[%add3A_567, %dma_start3A_575] : memref<3276800x128xf32, #tpu.memory_space<hbm>> -> memref<128x128xf32, #tpu.memory_space<hbm>>
        %dma_start3A_577 = arith.constant 0 : i32
        %dma_start3A_578 = arith.constant 0 : i32
        %dma_start3A_579 = tpu.memref_slice %arg6[%dma_start3A_568, %dma_start3A_577, %dma_start3A_578] : memref<4x128x128xf32, #tpu.memory_space<vmem>> -> memref<1x128x128xf32, #tpu.memory_space<vmem>>
        %dma_start3A_580 = tpu.memref_squeeze %dma_start3A_579 : memref<1x128x128xf32, #tpu.memory_space<vmem>> -> memref<128x128xf32, #tpu.memory_space<vmem>>
        tpu.enqueue_dma source(%dma_start3A_580 : memref<128x128xf32, #tpu.memory_space<vmem>>) target(%dma_start3A_576 : memref<128x128xf32, #tpu.memory_space<hbm>>) target_semaphore(%arg13 : memref<!tpu.dma_semaphore, #tpu.memory_space<semaphore_mem>>)
      } else {
      }
      %add3A_448 = arith.constant 12 : i32
      %add3A_449 = arith.addi %mul3A_111, %add3A_448 : i32
      %ge3A_450 = arith.constant 4 : i32
      %ge3A_451 = arith.cmpi sge, %add3A_449, %ge3A_450 : i32
      %convert_element_type3A_452 = arith.extui %ge3A_451 : i1 to i32
      %cond3A_453 = arith.constant 0 : i32
      %cond3A_454 = arith.cmpi ne, %convert_element_type3A_452, %cond3A_453 : i32
      scf.if %cond3A_454 {
        %dma_wait3A_548 = arith.constant 0 : i32
        %dma_wait3A_549 = arith.constant 0 : i32
        %dma_wait3A_550 = arith.constant 0 : i32
        %dma_wait3A_551 = tpu.memref_slice %arg6[%dma_wait3A_548, %dma_wait3A_549, %dma_wait3A_550] : memref<4x128x128xf32, #tpu.memory_space<vmem>> -> memref<1x128x128xf32, #tpu.memory_space<vmem>>
        %dma_wait3A_552 = tpu.memref_squeeze %dma_wait3A_551 : memref<1x128x128xf32, #tpu.memory_space<vmem>> -> memref<128x128xf32, #tpu.memory_space<vmem>>
        %dma_wait3A_553 = arith.constant 0 : i32
        %dma_wait3A_554 = arith.constant 0 : i32
        %dma_wait3A_555 = tpu.memref_slice %arg4[%dma_wait3A_553, %dma_wait3A_554] : memref<3276800x128xf32, #tpu.memory_space<hbm>> -> memref<128x128xf32, #tpu.memory_space<hbm>>
        %dma_wait3A_556 = arith.constant 0 : i32
        %dma_wait3A_557 = arith.constant 0 : i32
        %dma_wait3A_558 = tpu.memref_slice %arg4[%dma_wait3A_556, %dma_wait3A_557] : memref<3276800x128xf32, #tpu.memory_space<hbm>> -> memref<128x128xf32, #tpu.memory_space<hbm>>
        %dma_wait3A_559 = arith.constant 0 : i32
        %dma_wait3A_560 = arith.constant 0 : i32
        %dma_wait3A_561 = tpu.memref_slice %arg6[%dma_wait3A_548, %dma_wait3A_559, %dma_wait3A_560] : memref<4x128x128xf32, #tpu.memory_space<vmem>> -> memref<1x128x128xf32, #tpu.memory_space<vmem>>
        %dma_wait3A_562 = tpu.memref_squeeze %dma_wait3A_561 : memref<1x128x128xf32, #tpu.memory_space<vmem>> -> memref<128x128xf32, #tpu.memory_space<vmem>>
        tpu.wait_dma2 semaphore(%arg11 : memref<!tpu.dma_semaphore, #tpu.memory_space<semaphore_mem>>) src(%dma_wait3A_562 : memref<128x128xf32, #tpu.memory_space<vmem>>) dst(%dma_wait3A_558 : memref<128x128xf32, #tpu.memory_space<hbm>>)
      } else {
      }
      %dma_start3A_455 = arith.constant 1 : i32
      %dma_start3A_456 = arith.constant 4 : i32
      %dma_start3A_457 = arith.constant 0 : i32
      %dma_start3A_458 = arith.constant 0 : i32
      %dma_start3A_459 = arith.constant 0 : i32
      %dma_start3A_460 = tpu.memref_slice %arg6[%dma_start3A_457, %dma_start3A_458, %dma_start3A_459] : memref<4x128x128xf32, #tpu.memory_space<vmem>> -> memref<1x128x128xf32, #tpu.memory_space<vmem>>
      %dma_start3A_461 = tpu.memref_squeeze %dma_start3A_460 : memref<1x128x128xf32, #tpu.memory_space<vmem>> -> memref<128x128xf32, #tpu.memory_space<vmem>>
      %dma_start3A_462 = arith.constant 0 : i32
      %dma_start3A_463 = tpu.memref_slice %arg5[%dma_start3A_455, %dma_start3A_456, %dma_start3A_462] : memref<2x8x128xi32, #tpu.memory_space<vmem>> -> memref<1x1x128xi32, #tpu.memory_space<vmem>>
      %dma_start3A_464 = tpu.memref_squeeze %dma_start3A_463 : memref<1x1x128xi32, #tpu.memory_space<vmem>> -> memref<128xi32, #tpu.memory_space<vmem>>
      %dma_start3A_465 = arith.constant 0 : i32
      %dma_start3A_466 = arith.constant 0 : i32
      %dma_start3A_467 = tpu.memref_slice %arg3[%dma_start3A_465, %dma_start3A_466] : memref<1000000x128xf32, #tpu.memory_space<hbm>> -> memref<1000000x128xf32, #tpu.memory_space<hbm>>
      tpu.enqueue_indirect_dma source(%dma_start3A_467 : memref<1000000x128xf32, #tpu.memory_space<hbm>>) target(%dma_start3A_461 : memref<128x128xf32, #tpu.memory_space<vmem>>) offsets(%dma_start3A_464 : memref<128xi32, #tpu.memory_space<vmem>>) semaphore(%arg7 : memref<!tpu.dma_semaphore, #tpu.memory_space<semaphore_mem>>)
      %gt3A_468 = arith.constant 0 : i32
      %gt3A_469 = arith.cmpi sgt, %add3A_449, %gt3A_468 : i32
      %convert_element_type3A_470 = arith.extui %gt3A_469 : i1 to i32
      %cond3A_471 = arith.constant 0 : i32
      %cond3A_472 = arith.cmpi ne, %convert_element_type3A_470, %cond3A_471 : i32
      scf.if %cond3A_472 {
        %dma_wait3A_548 = arith.constant 1 : i32
        %dma_wait3A_549 = arith.constant 3 : i32
        %dma_wait3A_550 = arith.constant 3 : i32
        %dma_wait3A_551 = arith.constant 0 : i32
        %dma_wait3A_552 = arith.constant 0 : i32
        %dma_wait3A_553 = tpu.memref_slice %arg6[%dma_wait3A_550, %dma_wait3A_551, %dma_wait3A_552] : memref<4x128x128xf32, #tpu.memory_space<vmem>> -> memref<1x128x128xf32, #tpu.memory_space<vmem>>
        %dma_wait3A_554 = tpu.memref_squeeze %dma_wait3A_553 : memref<1x128x128xf32, #tpu.memory_space<vmem>> -> memref<128x128xf32, #tpu.memory_space<vmem>>
        %dma_wait3A_555 = arith.constant 0 : i32
        %dma_wait3A_556 = tpu.memref_slice %arg5[%dma_wait3A_548, %dma_wait3A_549, %dma_wait3A_555] : memref<2x8x128xi32, #tpu.memory_space<vmem>> -> memref<1x1x128xi32, #tpu.memory_space<vmem>>
        %dma_wait3A_557 = tpu.memref_squeeze %dma_wait3A_556 : memref<1x1x128xi32, #tpu.memory_space<vmem>> -> memref<128xi32, #tpu.memory_space<vmem>>
        %dma_wait3A_558 = arith.constant 0 : i32
        %dma_wait3A_559 = arith.constant 0 : i32
        %dma_wait3A_560 = tpu.memref_slice %arg3[%dma_wait3A_558, %dma_wait3A_559] : memref<1000000x128xf32, #tpu.memory_space<hbm>> -> memref<1000000x128xf32, #tpu.memory_space<hbm>>
        tpu.wait_indirect_dma semaphore(%arg10 : memref<!tpu.dma_semaphore, #tpu.memory_space<semaphore_mem>>) src(%dma_wait3A_560 : memref<1000000x128xf32, #tpu.memory_space<hbm>>) dst(%dma_wait3A_554 : memref<128x128xf32, #tpu.memory_space<vmem>>)
        %sub3A_561 = arith.constant 1 : i32
        %sub3A_562 = arith.subi %add3A_449, %sub3A_561 : i32
        %mul3A_563 = arith.constant 102400 : i32
        %mul3A_564 = arith.muli %add3A, %mul3A_563 : i32
        %mul3A_565 = arith.constant 128 : i32
        %mul3A_566 = arith.muli %sub3A_562, %mul3A_565 : i32
        %add3A_567 = arith.addi %mul3A_564, %mul3A_566 : i32
        %dma_start3A_568 = arith.constant 3 : i32
        %dma_start3A_569 = arith.constant 0 : i32
        %dma_start3A_570 = arith.constant 0 : i32
        %dma_start3A_571 = tpu.memref_slice %arg6[%dma_start3A_568, %dma_start3A_569, %dma_start3A_570] : memref<4x128x128xf32, #tpu.memory_space<vmem>> -> memref<1x128x128xf32, #tpu.memory_space<vmem>>
        %dma_start3A_572 = tpu.memref_squeeze %dma_start3A_571 : memref<1x128x128xf32, #tpu.memory_space<vmem>> -> memref<128x128xf32, #tpu.memory_space<vmem>>
        %dma_start3A_573 = arith.constant 0 : i32
        %dma_start3A_574 = tpu.memref_slice %arg4[%add3A_567, %dma_start3A_573] : memref<3276800x128xf32, #tpu.memory_space<hbm>> -> memref<128x128xf32, #tpu.memory_space<hbm>>
        %dma_start3A_575 = arith.constant 0 : i32
        %dma_start3A_576 = tpu.memref_slice %arg4[%add3A_567, %dma_start3A_575] : memref<3276800x128xf32, #tpu.memory_space<hbm>> -> memref<128x128xf32, #tpu.memory_space<hbm>>
        %dma_start3A_577 = arith.constant 0 : i32
        %dma_start3A_578 = arith.constant 0 : i32
        %dma_start3A_579 = tpu.memref_slice %arg6[%dma_start3A_568, %dma_start3A_577, %dma_start3A_578] : memref<4x128x128xf32, #tpu.memory_space<vmem>> -> memref<1x128x128xf32, #tpu.memory_space<vmem>>
        %dma_start3A_580 = tpu.memref_squeeze %dma_start3A_579 : memref<1x128x128xf32, #tpu.memory_space<vmem>> -> memref<128x128xf32, #tpu.memory_space<vmem>>
        tpu.enqueue_dma source(%dma_start3A_580 : memref<128x128xf32, #tpu.memory_space<vmem>>) target(%dma_start3A_576 : memref<128x128xf32, #tpu.memory_space<hbm>>) target_semaphore(%arg14 : memref<!tpu.dma_semaphore, #tpu.memory_space<semaphore_mem>>)
      } else {
      }
      %add3A_473 = arith.constant 13 : i32
      %add3A_474 = arith.addi %mul3A_111, %add3A_473 : i32
      %ge3A_475 = arith.constant 4 : i32
      %ge3A_476 = arith.cmpi sge, %add3A_474, %ge3A_475 : i32
      %convert_element_type3A_477 = arith.extui %ge3A_476 : i1 to i32
      %cond3A_478 = arith.constant 0 : i32
      %cond3A_479 = arith.cmpi ne, %convert_element_type3A_477, %cond3A_478 : i32
      scf.if %cond3A_479 {
        %dma_wait3A_548 = arith.constant 1 : i32
        %dma_wait3A_549 = arith.constant 0 : i32
        %dma_wait3A_550 = arith.constant 0 : i32
        %dma_wait3A_551 = tpu.memref_slice %arg6[%dma_wait3A_548, %dma_wait3A_549, %dma_wait3A_550] : memref<4x128x128xf32, #tpu.memory_space<vmem>> -> memref<1x128x128xf32, #tpu.memory_space<vmem>>
        %dma_wait3A_552 = tpu.memref_squeeze %dma_wait3A_551 : memref<1x128x128xf32, #tpu.memory_space<vmem>> -> memref<128x128xf32, #tpu.memory_space<vmem>>
        %dma_wait3A_553 = arith.constant 0 : i32
        %dma_wait3A_554 = arith.constant 0 : i32
        %dma_wait3A_555 = tpu.memref_slice %arg4[%dma_wait3A_553, %dma_wait3A_554] : memref<3276800x128xf32, #tpu.memory_space<hbm>> -> memref<128x128xf32, #tpu.memory_space<hbm>>
        %dma_wait3A_556 = arith.constant 0 : i32
        %dma_wait3A_557 = arith.constant 0 : i32
        %dma_wait3A_558 = tpu.memref_slice %arg4[%dma_wait3A_556, %dma_wait3A_557] : memref<3276800x128xf32, #tpu.memory_space<hbm>> -> memref<128x128xf32, #tpu.memory_space<hbm>>
        %dma_wait3A_559 = arith.constant 0 : i32
        %dma_wait3A_560 = arith.constant 0 : i32
        %dma_wait3A_561 = tpu.memref_slice %arg6[%dma_wait3A_548, %dma_wait3A_559, %dma_wait3A_560] : memref<4x128x128xf32, #tpu.memory_space<vmem>> -> memref<1x128x128xf32, #tpu.memory_space<vmem>>
        %dma_wait3A_562 = tpu.memref_squeeze %dma_wait3A_561 : memref<1x128x128xf32, #tpu.memory_space<vmem>> -> memref<128x128xf32, #tpu.memory_space<vmem>>
        tpu.wait_dma2 semaphore(%arg12 : memref<!tpu.dma_semaphore, #tpu.memory_space<semaphore_mem>>) src(%dma_wait3A_562 : memref<128x128xf32, #tpu.memory_space<vmem>>) dst(%dma_wait3A_558 : memref<128x128xf32, #tpu.memory_space<hbm>>)
      } else {
      }
      %dma_start3A_480 = arith.constant 1 : i32
      %dma_start3A_481 = arith.constant 5 : i32
      %dma_start3A_482 = arith.constant 1 : i32
      %dma_start3A_483 = arith.constant 0 : i32
      %dma_start3A_484 = arith.constant 0 : i32
      %dma_start3A_485 = tpu.memref_slice %arg6[%dma_start3A_482, %dma_start3A_483, %dma_start3A_484] : memref<4x128x128xf32, #tpu.memory_space<vmem>> -> memref<1x128x128xf32, #tpu.memory_space<vmem>>
      %dma_start3A_486 = tpu.memref_squeeze %dma_start3A_485 : memref<1x128x128xf32, #tpu.memory_space<vmem>> -> memref<128x128xf32, #tpu.memory_space<vmem>>
      %dma_start3A_487 = arith.constant 0 : i32
      %dma_start3A_488 = tpu.memref_slice %arg5[%dma_start3A_480, %dma_start3A_481, %dma_start3A_487] : memref<2x8x128xi32, #tpu.memory_space<vmem>> -> memref<1x1x128xi32, #tpu.memory_space<vmem>>
      %dma_start3A_489 = tpu.memref_squeeze %dma_start3A_488 : memref<1x1x128xi32, #tpu.memory_space<vmem>> -> memref<128xi32, #tpu.memory_space<vmem>>
      %dma_start3A_490 = arith.constant 0 : i32
      %dma_start3A_491 = arith.constant 0 : i32
      %dma_start3A_492 = tpu.memref_slice %arg3[%dma_start3A_490, %dma_start3A_491] : memref<1000000x128xf32, #tpu.memory_space<hbm>> -> memref<1000000x128xf32, #tpu.memory_space<hbm>>
      tpu.enqueue_indirect_dma source(%dma_start3A_492 : memref<1000000x128xf32, #tpu.memory_space<hbm>>) target(%dma_start3A_486 : memref<128x128xf32, #tpu.memory_space<vmem>>) offsets(%dma_start3A_489 : memref<128xi32, #tpu.memory_space<vmem>>) semaphore(%arg8 : memref<!tpu.dma_semaphore, #tpu.memory_space<semaphore_mem>>)
      %gt3A_493 = arith.constant 0 : i32
      %gt3A_494 = arith.cmpi sgt, %add3A_474, %gt3A_493 : i32
      %convert_element_type3A_495 = arith.extui %gt3A_494 : i1 to i32
      %cond3A_496 = arith.constant 0 : i32
      %cond3A_497 = arith.cmpi ne, %convert_element_type3A_495, %cond3A_496 : i32
      scf.if %cond3A_497 {
        %dma_wait3A_548 = arith.constant 1 : i32
        %dma_wait3A_549 = arith.constant 4 : i32
        %dma_wait3A_550 = arith.constant 0 : i32
        %dma_wait3A_551 = arith.constant 0 : i32
        %dma_wait3A_552 = arith.constant 0 : i32
        %dma_wait3A_553 = tpu.memref_slice %arg6[%dma_wait3A_550, %dma_wait3A_551, %dma_wait3A_552] : memref<4x128x128xf32, #tpu.memory_space<vmem>> -> memref<1x128x128xf32, #tpu.memory_space<vmem>>
        %dma_wait3A_554 = tpu.memref_squeeze %dma_wait3A_553 : memref<1x128x128xf32, #tpu.memory_space<vmem>> -> memref<128x128xf32, #tpu.memory_space<vmem>>
        %dma_wait3A_555 = arith.constant 0 : i32
        %dma_wait3A_556 = tpu.memref_slice %arg5[%dma_wait3A_548, %dma_wait3A_549, %dma_wait3A_555] : memref<2x8x128xi32, #tpu.memory_space<vmem>> -> memref<1x1x128xi32, #tpu.memory_space<vmem>>
        %dma_wait3A_557 = tpu.memref_squeeze %dma_wait3A_556 : memref<1x1x128xi32, #tpu.memory_space<vmem>> -> memref<128xi32, #tpu.memory_space<vmem>>
        %dma_wait3A_558 = arith.constant 0 : i32
        %dma_wait3A_559 = arith.constant 0 : i32
        %dma_wait3A_560 = tpu.memref_slice %arg3[%dma_wait3A_558, %dma_wait3A_559] : memref<1000000x128xf32, #tpu.memory_space<hbm>> -> memref<1000000x128xf32, #tpu.memory_space<hbm>>
        tpu.wait_indirect_dma semaphore(%arg7 : memref<!tpu.dma_semaphore, #tpu.memory_space<semaphore_mem>>) src(%dma_wait3A_560 : memref<1000000x128xf32, #tpu.memory_space<hbm>>) dst(%dma_wait3A_554 : memref<128x128xf32, #tpu.memory_space<vmem>>)
        %sub3A_561 = arith.constant 1 : i32
        %sub3A_562 = arith.subi %add3A_474, %sub3A_561 : i32
        %mul3A_563 = arith.constant 102400 : i32
        %mul3A_564 = arith.muli %add3A, %mul3A_563 : i32
        %mul3A_565 = arith.constant 128 : i32
        %mul3A_566 = arith.muli %sub3A_562, %mul3A_565 : i32
        %add3A_567 = arith.addi %mul3A_564, %mul3A_566 : i32
        %dma_start3A_568 = arith.constant 0 : i32
        %dma_start3A_569 = arith.constant 0 : i32
        %dma_start3A_570 = arith.constant 0 : i32
        %dma_start3A_571 = tpu.memref_slice %arg6[%dma_start3A_568, %dma_start3A_569, %dma_start3A_570] : memref<4x128x128xf32, #tpu.memory_space<vmem>> -> memref<1x128x128xf32, #tpu.memory_space<vmem>>
        %dma_start3A_572 = tpu.memref_squeeze %dma_start3A_571 : memref<1x128x128xf32, #tpu.memory_space<vmem>> -> memref<128x128xf32, #tpu.memory_space<vmem>>
        %dma_start3A_573 = arith.constant 0 : i32
        %dma_start3A_574 = tpu.memref_slice %arg4[%add3A_567, %dma_start3A_573] : memref<3276800x128xf32, #tpu.memory_space<hbm>> -> memref<128x128xf32, #tpu.memory_space<hbm>>
        %dma_start3A_575 = arith.constant 0 : i32
        %dma_start3A_576 = tpu.memref_slice %arg4[%add3A_567, %dma_start3A_575] : memref<3276800x128xf32, #tpu.memory_space<hbm>> -> memref<128x128xf32, #tpu.memory_space<hbm>>
        %dma_start3A_577 = arith.constant 0 : i32
        %dma_start3A_578 = arith.constant 0 : i32
        %dma_start3A_579 = tpu.memref_slice %arg6[%dma_start3A_568, %dma_start3A_577, %dma_start3A_578] : memref<4x128x128xf32, #tpu.memory_space<vmem>> -> memref<1x128x128xf32, #tpu.memory_space<vmem>>
        %dma_start3A_580 = tpu.memref_squeeze %dma_start3A_579 : memref<1x128x128xf32, #tpu.memory_space<vmem>> -> memref<128x128xf32, #tpu.memory_space<vmem>>
        tpu.enqueue_dma source(%dma_start3A_580 : memref<128x128xf32, #tpu.memory_space<vmem>>) target(%dma_start3A_576 : memref<128x128xf32, #tpu.memory_space<hbm>>) target_semaphore(%arg11 : memref<!tpu.dma_semaphore, #tpu.memory_space<semaphore_mem>>)
      } else {
      }
      %add3A_498 = arith.constant 14 : i32
      %add3A_499 = arith.addi %mul3A_111, %add3A_498 : i32
      %ge3A_500 = arith.constant 4 : i32
      %ge3A_501 = arith.cmpi sge, %add3A_499, %ge3A_500 : i32
      %convert_element_type3A_502 = arith.extui %ge3A_501 : i1 to i32
      %cond3A_503 = arith.constant 0 : i32
      %cond3A_504 = arith.cmpi ne, %convert_element_type3A_502, %cond3A_503 : i32
      scf.if %cond3A_504 {
        %dma_wait3A_548 = arith.constant 2 : i32
        %dma_wait3A_549 = arith.constant 0 : i32
        %dma_wait3A_550 = arith.constant 0 : i32
        %dma_wait3A_551 = tpu.memref_slice %arg6[%dma_wait3A_548, %dma_wait3A_549, %dma_wait3A_550] : memref<4x128x128xf32, #tpu.memory_space<vmem>> -> memref<1x128x128xf32, #tpu.memory_space<vmem>>
        %dma_wait3A_552 = tpu.memref_squeeze %dma_wait3A_551 : memref<1x128x128xf32, #tpu.memory_space<vmem>> -> memref<128x128xf32, #tpu.memory_space<vmem>>
        %dma_wait3A_553 = arith.constant 0 : i32
        %dma_wait3A_554 = arith.constant 0 : i32
        %dma_wait3A_555 = tpu.memref_slice %arg4[%dma_wait3A_553, %dma_wait3A_554] : memref<3276800x128xf32, #tpu.memory_space<hbm>> -> memref<128x128xf32, #tpu.memory_space<hbm>>
        %dma_wait3A_556 = arith.constant 0 : i32
        %dma_wait3A_557 = arith.constant 0 : i32
        %dma_wait3A_558 = tpu.memref_slice %arg4[%dma_wait3A_556, %dma_wait3A_557] : memref<3276800x128xf32, #tpu.memory_space<hbm>> -> memref<128x128xf32, #tpu.memory_space<hbm>>
        %dma_wait3A_559 = arith.constant 0 : i32
        %dma_wait3A_560 = arith.constant 0 : i32
        %dma_wait3A_561 = tpu.memref_slice %arg6[%dma_wait3A_548, %dma_wait3A_559, %dma_wait3A_560] : memref<4x128x128xf32, #tpu.memory_space<vmem>> -> memref<1x128x128xf32, #tpu.memory_space<vmem>>
        %dma_wait3A_562 = tpu.memref_squeeze %dma_wait3A_561 : memref<1x128x128xf32, #tpu.memory_space<vmem>> -> memref<128x128xf32, #tpu.memory_space<vmem>>
        tpu.wait_dma2 semaphore(%arg13 : memref<!tpu.dma_semaphore, #tpu.memory_space<semaphore_mem>>) src(%dma_wait3A_562 : memref<128x128xf32, #tpu.memory_space<vmem>>) dst(%dma_wait3A_558 : memref<128x128xf32, #tpu.memory_space<hbm>>)
      } else {
      }
      %dma_start3A_505 = arith.constant 1 : i32
      %dma_start3A_506 = arith.constant 6 : i32
      %dma_start3A_507 = arith.constant 2 : i32
      %dma_start3A_508 = arith.constant 0 : i32
      %dma_start3A_509 = arith.constant 0 : i32
      %dma_start3A_510 = tpu.memref_slice %arg6[%dma_start3A_507, %dma_start3A_508, %dma_start3A_509] : memref<4x128x128xf32, #tpu.memory_space<vmem>> -> memref<1x128x128xf32, #tpu.memory_space<vmem>>
      %dma_start3A_511 = tpu.memref_squeeze %dma_start3A_510 : memref<1x128x128xf32, #tpu.memory_space<vmem>> -> memref<128x128xf32, #tpu.memory_space<vmem>>
      %dma_start3A_512 = arith.constant 0 : i32
      %dma_start3A_513 = tpu.memref_slice %arg5[%dma_start3A_505, %dma_start3A_506, %dma_start3A_512] : memref<2x8x128xi32, #tpu.memory_space<vmem>> -> memref<1x1x128xi32, #tpu.memory_space<vmem>>
      %dma_start3A_514 = tpu.memref_squeeze %dma_start3A_513 : memref<1x1x128xi32, #tpu.memory_space<vmem>> -> memref<128xi32, #tpu.memory_space<vmem>>
      %dma_start3A_515 = arith.constant 0 : i32
      %dma_start3A_516 = arith.constant 0 : i32
      %dma_start3A_517 = tpu.memref_slice %arg3[%dma_start3A_515, %dma_start3A_516] : memref<1000000x128xf32, #tpu.memory_space<hbm>> -> memref<1000000x128xf32, #tpu.memory_space<hbm>>
      tpu.enqueue_indirect_dma source(%dma_start3A_517 : memref<1000000x128xf32, #tpu.memory_space<hbm>>) target(%dma_start3A_511 : memref<128x128xf32, #tpu.memory_space<vmem>>) offsets(%dma_start3A_514 : memref<128xi32, #tpu.memory_space<vmem>>) semaphore(%arg9 : memref<!tpu.dma_semaphore, #tpu.memory_space<semaphore_mem>>)
      %gt3A_518 = arith.constant 0 : i32
      %gt3A_519 = arith.cmpi sgt, %add3A_499, %gt3A_518 : i32
      %convert_element_type3A_520 = arith.extui %gt3A_519 : i1 to i32
      %cond3A_521 = arith.constant 0 : i32
      %cond3A_522 = arith.cmpi ne, %convert_element_type3A_520, %cond3A_521 : i32
      scf.if %cond3A_522 {
        %dma_wait3A_548 = arith.constant 1 : i32
        %dma_wait3A_549 = arith.constant 5 : i32
        %dma_wait3A_550 = arith.constant 1 : i32
        %dma_wait3A_551 = arith.constant 0 : i32
        %dma_wait3A_552 = arith.constant 0 : i32
        %dma_wait3A_553 = tpu.memref_slice %arg6[%dma_wait3A_550, %dma_wait3A_551, %dma_wait3A_552] : memref<4x128x128xf32, #tpu.memory_space<vmem>> -> memref<1x128x128xf32, #tpu.memory_space<vmem>>
        %dma_wait3A_554 = tpu.memref_squeeze %dma_wait3A_553 : memref<1x128x128xf32, #tpu.memory_space<vmem>> -> memref<128x128xf32, #tpu.memory_space<vmem>>
        %dma_wait3A_555 = arith.constant 0 : i32
        %dma_wait3A_556 = tpu.memref_slice %arg5[%dma_wait3A_548, %dma_wait3A_549, %dma_wait3A_555] : memref<2x8x128xi32, #tpu.memory_space<vmem>> -> memref<1x1x128xi32, #tpu.memory_space<vmem>>
        %dma_wait3A_557 = tpu.memref_squeeze %dma_wait3A_556 : memref<1x1x128xi32, #tpu.memory_space<vmem>> -> memref<128xi32, #tpu.memory_space<vmem>>
        %dma_wait3A_558 = arith.constant 0 : i32
        %dma_wait3A_559 = arith.constant 0 : i32
        %dma_wait3A_560 = tpu.memref_slice %arg3[%dma_wait3A_558, %dma_wait3A_559] : memref<1000000x128xf32, #tpu.memory_space<hbm>> -> memref<1000000x128xf32, #tpu.memory_space<hbm>>
        tpu.wait_indirect_dma semaphore(%arg8 : memref<!tpu.dma_semaphore, #tpu.memory_space<semaphore_mem>>) src(%dma_wait3A_560 : memref<1000000x128xf32, #tpu.memory_space<hbm>>) dst(%dma_wait3A_554 : memref<128x128xf32, #tpu.memory_space<vmem>>)
        %sub3A_561 = arith.constant 1 : i32
        %sub3A_562 = arith.subi %add3A_499, %sub3A_561 : i32
        %mul3A_563 = arith.constant 102400 : i32
        %mul3A_564 = arith.muli %add3A, %mul3A_563 : i32
        %mul3A_565 = arith.constant 128 : i32
        %mul3A_566 = arith.muli %sub3A_562, %mul3A_565 : i32
        %add3A_567 = arith.addi %mul3A_564, %mul3A_566 : i32
        %dma_start3A_568 = arith.constant 1 : i32
        %dma_start3A_569 = arith.constant 0 : i32
        %dma_start3A_570 = arith.constant 0 : i32
        %dma_start3A_571 = tpu.memref_slice %arg6[%dma_start3A_568, %dma_start3A_569, %dma_start3A_570] : memref<4x128x128xf32, #tpu.memory_space<vmem>> -> memref<1x128x128xf32, #tpu.memory_space<vmem>>
        %dma_start3A_572 = tpu.memref_squeeze %dma_start3A_571 : memref<1x128x128xf32, #tpu.memory_space<vmem>> -> memref<128x128xf32, #tpu.memory_space<vmem>>
        %dma_start3A_573 = arith.constant 0 : i32
        %dma_start3A_574 = tpu.memref_slice %arg4[%add3A_567, %dma_start3A_573] : memref<3276800x128xf32, #tpu.memory_space<hbm>> -> memref<128x128xf32, #tpu.memory_space<hbm>>
        %dma_start3A_575 = arith.constant 0 : i32
        %dma_start3A_576 = tpu.memref_slice %arg4[%add3A_567, %dma_start3A_575] : memref<3276800x128xf32, #tpu.memory_space<hbm>> -> memref<128x128xf32, #tpu.memory_space<hbm>>
        %dma_start3A_577 = arith.constant 0 : i32
        %dma_start3A_578 = arith.constant 0 : i32
        %dma_start3A_579 = tpu.memref_slice %arg6[%dma_start3A_568, %dma_start3A_577, %dma_start3A_578] : memref<4x128x128xf32, #tpu.memory_space<vmem>> -> memref<1x128x128xf32, #tpu.memory_space<vmem>>
        %dma_start3A_580 = tpu.memref_squeeze %dma_start3A_579 : memref<1x128x128xf32, #tpu.memory_space<vmem>> -> memref<128x128xf32, #tpu.memory_space<vmem>>
        tpu.enqueue_dma source(%dma_start3A_580 : memref<128x128xf32, #tpu.memory_space<vmem>>) target(%dma_start3A_576 : memref<128x128xf32, #tpu.memory_space<hbm>>) target_semaphore(%arg12 : memref<!tpu.dma_semaphore, #tpu.memory_space<semaphore_mem>>)
      } else {
      }
      %add3A_523 = arith.constant 15 : i32
      %add3A_524 = arith.addi %mul3A_111, %add3A_523 : i32
      %ge3A_525 = arith.constant 4 : i32
      %ge3A_526 = arith.cmpi sge, %add3A_524, %ge3A_525 : i32
      %convert_element_type3A_527 = arith.extui %ge3A_526 : i1 to i32
      %cond3A_528 = arith.constant 0 : i32
      %cond3A_529 = arith.cmpi ne, %convert_element_type3A_527, %cond3A_528 : i32
      scf.if %cond3A_529 {
        %dma_wait3A_548 = arith.constant 3 : i32
        %dma_wait3A_549 = arith.constant 0 : i32
        %dma_wait3A_550 = arith.constant 0 : i32
        %dma_wait3A_551 = tpu.memref_slice %arg6[%dma_wait3A_548, %dma_wait3A_549, %dma_wait3A_550] : memref<4x128x128xf32, #tpu.memory_space<vmem>> -> memref<1x128x128xf32, #tpu.memory_space<vmem>>
        %dma_wait3A_552 = tpu.memref_squeeze %dma_wait3A_551 : memref<1x128x128xf32, #tpu.memory_space<vmem>> -> memref<128x128xf32, #tpu.memory_space<vmem>>
        %dma_wait3A_553 = arith.constant 0 : i32
        %dma_wait3A_554 = arith.constant 0 : i32
        %dma_wait3A_555 = tpu.memref_slice %arg4[%dma_wait3A_553, %dma_wait3A_554] : memref<3276800x128xf32, #tpu.memory_space<hbm>> -> memref<128x128xf32, #tpu.memory_space<hbm>>
        %dma_wait3A_556 = arith.constant 0 : i32
        %dma_wait3A_557 = arith.constant 0 : i32
        %dma_wait3A_558 = tpu.memref_slice %arg4[%dma_wait3A_556, %dma_wait3A_557] : memref<3276800x128xf32, #tpu.memory_space<hbm>> -> memref<128x128xf32, #tpu.memory_space<hbm>>
        %dma_wait3A_559 = arith.constant 0 : i32
        %dma_wait3A_560 = arith.constant 0 : i32
        %dma_wait3A_561 = tpu.memref_slice %arg6[%dma_wait3A_548, %dma_wait3A_559, %dma_wait3A_560] : memref<4x128x128xf32, #tpu.memory_space<vmem>> -> memref<1x128x128xf32, #tpu.memory_space<vmem>>
        %dma_wait3A_562 = tpu.memref_squeeze %dma_wait3A_561 : memref<1x128x128xf32, #tpu.memory_space<vmem>> -> memref<128x128xf32, #tpu.memory_space<vmem>>
        tpu.wait_dma2 semaphore(%arg14 : memref<!tpu.dma_semaphore, #tpu.memory_space<semaphore_mem>>) src(%dma_wait3A_562 : memref<128x128xf32, #tpu.memory_space<vmem>>) dst(%dma_wait3A_558 : memref<128x128xf32, #tpu.memory_space<hbm>>)
      } else {
      }
      %dma_start3A_530 = arith.constant 1 : i32
      %dma_start3A_531 = arith.constant 7 : i32
      %dma_start3A_532 = arith.constant 3 : i32
      %dma_start3A_533 = arith.constant 0 : i32
      %dma_start3A_534 = arith.constant 0 : i32
      %dma_start3A_535 = tpu.memref_slice %arg6[%dma_start3A_532, %dma_start3A_533, %dma_start3A_534] : memref<4x128x128xf32, #tpu.memory_space<vmem>> -> memref<1x128x128xf32, #tpu.memory_space<vmem>>
      %dma_start3A_536 = tpu.memref_squeeze %dma_start3A_535 : memref<1x128x128xf32, #tpu.memory_space<vmem>> -> memref<128x128xf32, #tpu.memory_space<vmem>>
      %dma_start3A_537 = arith.constant 0 : i32
      %dma_start3A_538 = tpu.memref_slice %arg5[%dma_start3A_530, %dma_start3A_531, %dma_start3A_537] : memref<2x8x128xi32, #tpu.memory_space<vmem>> -> memref<1x1x128xi32, #tpu.memory_space<vmem>>
      %dma_start3A_539 = tpu.memref_squeeze %dma_start3A_538 : memref<1x1x128xi32, #tpu.memory_space<vmem>> -> memref<128xi32, #tpu.memory_space<vmem>>
      %dma_start3A_540 = arith.constant 0 : i32
      %dma_start3A_541 = arith.constant 0 : i32
      %dma_start3A_542 = tpu.memref_slice %arg3[%dma_start3A_540, %dma_start3A_541] : memref<1000000x128xf32, #tpu.memory_space<hbm>> -> memref<1000000x128xf32, #tpu.memory_space<hbm>>
      tpu.enqueue_indirect_dma source(%dma_start3A_542 : memref<1000000x128xf32, #tpu.memory_space<hbm>>) target(%dma_start3A_536 : memref<128x128xf32, #tpu.memory_space<vmem>>) offsets(%dma_start3A_539 : memref<128xi32, #tpu.memory_space<vmem>>) semaphore(%arg10 : memref<!tpu.dma_semaphore, #tpu.memory_space<semaphore_mem>>)
      %gt3A_543 = arith.constant 0 : i32
      %gt3A_544 = arith.cmpi sgt, %add3A_524, %gt3A_543 : i32
      %convert_element_type3A_545 = arith.extui %gt3A_544 : i1 to i32
      %cond3A_546 = arith.constant 0 : i32
      %cond3A_547 = arith.cmpi ne, %convert_element_type3A_545, %cond3A_546 : i32
      scf.if %cond3A_547 {
        %dma_wait3A_548 = arith.constant 1 : i32
        %dma_wait3A_549 = arith.constant 6 : i32
        %dma_wait3A_550 = arith.constant 2 : i32
        %dma_wait3A_551 = arith.constant 0 : i32
        %dma_wait3A_552 = arith.constant 0 : i32
        %dma_wait3A_553 = tpu.memref_slice %arg6[%dma_wait3A_550, %dma_wait3A_551, %dma_wait3A_552] : memref<4x128x128xf32, #tpu.memory_space<vmem>> -> memref<1x128x128xf32, #tpu.memory_space<vmem>>
        %dma_wait3A_554 = tpu.memref_squeeze %dma_wait3A_553 : memref<1x128x128xf32, #tpu.memory_space<vmem>> -> memref<128x128xf32, #tpu.memory_space<vmem>>
        %dma_wait3A_555 = arith.constant 0 : i32
        %dma_wait3A_556 = tpu.memref_slice %arg5[%dma_wait3A_548, %dma_wait3A_549, %dma_wait3A_555] : memref<2x8x128xi32, #tpu.memory_space<vmem>> -> memref<1x1x128xi32, #tpu.memory_space<vmem>>
        %dma_wait3A_557 = tpu.memref_squeeze %dma_wait3A_556 : memref<1x1x128xi32, #tpu.memory_space<vmem>> -> memref<128xi32, #tpu.memory_space<vmem>>
        %dma_wait3A_558 = arith.constant 0 : i32
        %dma_wait3A_559 = arith.constant 0 : i32
        %dma_wait3A_560 = tpu.memref_slice %arg3[%dma_wait3A_558, %dma_wait3A_559] : memref<1000000x128xf32, #tpu.memory_space<hbm>> -> memref<1000000x128xf32, #tpu.memory_space<hbm>>
        tpu.wait_indirect_dma semaphore(%arg9 : memref<!tpu.dma_semaphore, #tpu.memory_space<semaphore_mem>>) src(%dma_wait3A_560 : memref<1000000x128xf32, #tpu.memory_space<hbm>>) dst(%dma_wait3A_554 : memref<128x128xf32, #tpu.memory_space<vmem>>)
        %sub3A_561 = arith.constant 1 : i32
        %sub3A_562 = arith.subi %add3A_524, %sub3A_561 : i32
        %mul3A_563 = arith.constant 102400 : i32
        %mul3A_564 = arith.muli %add3A, %mul3A_563 : i32
        %mul3A_565 = arith.constant 128 : i32
        %mul3A_566 = arith.muli %sub3A_562, %mul3A_565 : i32
        %add3A_567 = arith.addi %mul3A_564, %mul3A_566 : i32
        %dma_start3A_568 = arith.constant 2 : i32
        %dma_start3A_569 = arith.constant 0 : i32
        %dma_start3A_570 = arith.constant 0 : i32
        %dma_start3A_571 = tpu.memref_slice %arg6[%dma_start3A_568, %dma_start3A_569, %dma_start3A_570] : memref<4x128x128xf32, #tpu.memory_space<vmem>> -> memref<1x128x128xf32, #tpu.memory_space<vmem>>
        %dma_start3A_572 = tpu.memref_squeeze %dma_start3A_571 : memref<1x128x128xf32, #tpu.memory_space<vmem>> -> memref<128x128xf32, #tpu.memory_space<vmem>>
        %dma_start3A_573 = arith.constant 0 : i32
        %dma_start3A_574 = tpu.memref_slice %arg4[%add3A_567, %dma_start3A_573] : memref<3276800x128xf32, #tpu.memory_space<hbm>> -> memref<128x128xf32, #tpu.memory_space<hbm>>
        %dma_start3A_575 = arith.constant 0 : i32
        %dma_start3A_576 = tpu.memref_slice %arg4[%add3A_567, %dma_start3A_575] : memref<3276800x128xf32, #tpu.memory_space<hbm>> -> memref<128x128xf32, #tpu.memory_space<hbm>>
        %dma_start3A_577 = arith.constant 0 : i32
        %dma_start3A_578 = arith.constant 0 : i32
        %dma_start3A_579 = tpu.memref_slice %arg6[%dma_start3A_568, %dma_start3A_577, %dma_start3A_578] : memref<4x128x128xf32, #tpu.memory_space<vmem>> -> memref<1x128x128xf32, #tpu.memory_space<vmem>>
        %dma_start3A_580 = tpu.memref_squeeze %dma_start3A_579 : memref<1x128x128xf32, #tpu.memory_space<vmem>> -> memref<128x128xf32, #tpu.memory_space<vmem>>
        tpu.enqueue_dma source(%dma_start3A_580 : memref<128x128xf32, #tpu.memory_space<vmem>>) target(%dma_start3A_576 : memref<128x128xf32, #tpu.memory_space<hbm>>) target_semaphore(%arg13 : memref<!tpu.dma_semaphore, #tpu.memory_space<semaphore_mem>>)
      } else {
      }
    }
    %scan3A_19 = arith.constant 50 : i32
    %dma_wait3A = arith.constant 1 : i32
    %dma_wait3A_20 = arith.constant 7 : i32
    %dma_wait3A_21 = arith.constant 3 : i32
    %dma_wait3A_22 = arith.constant 0 : i32
    %dma_wait3A_23 = arith.constant 0 : i32
    %dma_wait3A_24 = tpu.memref_slice %arg6[%dma_wait3A_21, %dma_wait3A_22, %dma_wait3A_23] : memref<4x128x128xf32, #tpu.memory_space<vmem>> -> memref<1x128x128xf32, #tpu.memory_space<vmem>>
    %dma_wait3A_25 = tpu.memref_squeeze %dma_wait3A_24 : memref<1x128x128xf32, #tpu.memory_space<vmem>> -> memref<128x128xf32, #tpu.memory_space<vmem>>
    %dma_wait3A_26 = arith.constant 0 : i32
    %dma_wait3A_27 = tpu.memref_slice %arg5[%dma_wait3A, %dma_wait3A_20, %dma_wait3A_26] : memref<2x8x128xi32, #tpu.memory_space<vmem>> -> memref<1x1x128xi32, #tpu.memory_space<vmem>>
    %dma_wait3A_28 = tpu.memref_squeeze %dma_wait3A_27 : memref<1x1x128xi32, #tpu.memory_space<vmem>> -> memref<128xi32, #tpu.memory_space<vmem>>
    %dma_wait3A_29 = arith.constant 0 : i32
    %dma_wait3A_30 = arith.constant 0 : i32
    %dma_wait3A_31 = tpu.memref_slice %arg3[%dma_wait3A_29, %dma_wait3A_30] : memref<1000000x128xf32, #tpu.memory_space<hbm>> -> memref<1000000x128xf32, #tpu.memory_space<hbm>>
    tpu.wait_indirect_dma semaphore(%arg10 : memref<!tpu.dma_semaphore, #tpu.memory_space<semaphore_mem>>) src(%dma_wait3A_31 : memref<1000000x128xf32, #tpu.memory_space<hbm>>) dst(%dma_wait3A_25 : memref<128x128xf32, #tpu.memory_space<vmem>>)
    %mul3A_32 = arith.constant 102400 : i32
    %mul3A_33 = arith.muli %add3A, %mul3A_32 : i32
    %add3A_34 = arith.constant 102272 : i32
    %add3A_35 = arith.addi %mul3A_33, %add3A_34 : i32
    %dma_start3A_36 = arith.constant 3 : i32
    %dma_start3A_37 = arith.constant 0 : i32
    %dma_start3A_38 = arith.constant 0 : i32
    %dma_start3A_39 = tpu.memref_slice %arg6[%dma_start3A_36, %dma_start3A_37, %dma_start3A_38] : memref<4x128x128xf32, #tpu.memory_space<vmem>> -> memref<1x128x128xf32, #tpu.memory_space<vmem>>
    %dma_start3A_40 = tpu.memref_squeeze %dma_start3A_39 : memref<1x128x128xf32, #tpu.memory_space<vmem>> -> memref<128x128xf32, #tpu.memory_space<vmem>>
    %dma_start3A_41 = arith.constant 0 : i32
    %dma_start3A_42 = tpu.memref_slice %arg4[%add3A_35, %dma_start3A_41] : memref<3276800x128xf32, #tpu.memory_space<hbm>> -> memref<128x128xf32, #tpu.memory_space<hbm>>
    %dma_start3A_43 = arith.constant 0 : i32
    %dma_start3A_44 = tpu.memref_slice %arg4[%add3A_35, %dma_start3A_43] : memref<3276800x128xf32, #tpu.memory_space<hbm>> -> memref<128x128xf32, #tpu.memory_space<hbm>>
    %dma_start3A_45 = arith.constant 0 : i32
    %dma_start3A_46 = arith.constant 0 : i32
    %dma_start3A_47 = tpu.memref_slice %arg6[%dma_start3A_36, %dma_start3A_45, %dma_start3A_46] : memref<4x128x128xf32, #tpu.memory_space<vmem>> -> memref<1x128x128xf32, #tpu.memory_space<vmem>>
    %dma_start3A_48 = tpu.memref_squeeze %dma_start3A_47 : memref<1x128x128xf32, #tpu.memory_space<vmem>> -> memref<128x128xf32, #tpu.memory_space<vmem>>
    tpu.enqueue_dma source(%dma_start3A_48 : memref<128x128xf32, #tpu.memory_space<vmem>>) target(%dma_start3A_44 : memref<128x128xf32, #tpu.memory_space<hbm>>) target_semaphore(%arg14 : memref<!tpu.dma_semaphore, #tpu.memory_space<semaphore_mem>>)
    %dma_wait3A_49 = arith.constant 0 : i32
    %dma_wait3A_50 = arith.constant 0 : i32
    %dma_wait3A_51 = arith.constant 0 : i32
    %dma_wait3A_52 = tpu.memref_slice %arg6[%dma_wait3A_49, %dma_wait3A_50, %dma_wait3A_51] : memref<4x128x128xf32, #tpu.memory_space<vmem>> -> memref<1x128x128xf32, #tpu.memory_space<vmem>>
    %dma_wait3A_53 = tpu.memref_squeeze %dma_wait3A_52 : memref<1x128x128xf32, #tpu.memory_space<vmem>> -> memref<128x128xf32, #tpu.memory_space<vmem>>
    %dma_wait3A_54 = arith.constant 0 : i32
    %dma_wait3A_55 = arith.constant 0 : i32
    %dma_wait3A_56 = tpu.memref_slice %arg4[%dma_wait3A_54, %dma_wait3A_55] : memref<3276800x128xf32, #tpu.memory_space<hbm>> -> memref<128x128xf32, #tpu.memory_space<hbm>>
    %dma_wait3A_57 = arith.constant 0 : i32
    %dma_wait3A_58 = arith.constant 0 : i32
    %dma_wait3A_59 = tpu.memref_slice %arg4[%dma_wait3A_57, %dma_wait3A_58] : memref<3276800x128xf32, #tpu.memory_space<hbm>> -> memref<128x128xf32, #tpu.memory_space<hbm>>
    %dma_wait3A_60 = arith.constant 0 : i32
    %dma_wait3A_61 = arith.constant 0 : i32
    %dma_wait3A_62 = tpu.memref_slice %arg6[%dma_wait3A_49, %dma_wait3A_60, %dma_wait3A_61] : memref<4x128x128xf32, #tpu.memory_space<vmem>> -> memref<1x128x128xf32, #tpu.memory_space<vmem>>
    %dma_wait3A_63 = tpu.memref_squeeze %dma_wait3A_62 : memref<1x128x128xf32, #tpu.memory_space<vmem>> -> memref<128x128xf32, #tpu.memory_space<vmem>>
    tpu.wait_dma2 semaphore(%arg11 : memref<!tpu.dma_semaphore, #tpu.memory_space<semaphore_mem>>) src(%dma_wait3A_63 : memref<128x128xf32, #tpu.memory_space<vmem>>) dst(%dma_wait3A_59 : memref<128x128xf32, #tpu.memory_space<hbm>>)
    %dma_wait3A_64 = arith.constant 1 : i32
    %dma_wait3A_65 = arith.constant 0 : i32
    %dma_wait3A_66 = arith.constant 0 : i32
    %dma_wait3A_67 = tpu.memref_slice %arg6[%dma_wait3A_64, %dma_wait3A_65, %dma_wait3A_66] : memref<4x128x128xf32, #tpu.memory_space<vmem>> -> memref<1x128x128xf32, #tpu.memory_space<vmem>>
    %dma_wait3A_68 = tpu.memref_squeeze %dma_wait3A_67 : memref<1x128x128xf32, #tpu.memory_space<vmem>> -> memref<128x128xf32, #tpu.memory_space<vmem>>
    %dma_wait3A_69 = arith.constant 0 : i32
    %dma_wait3A_70 = arith.constant 0 : i32
    %dma_wait3A_71 = tpu.memref_slice %arg4[%dma_wait3A_69, %dma_wait3A_70] : memref<3276800x128xf32, #tpu.memory_space<hbm>> -> memref<128x128xf32, #tpu.memory_space<hbm>>
    %dma_wait3A_72 = arith.constant 0 : i32
    %dma_wait3A_73 = arith.constant 0 : i32
    %dma_wait3A_74 = tpu.memref_slice %arg4[%dma_wait3A_72, %dma_wait3A_73] : memref<3276800x128xf32, #tpu.memory_space<hbm>> -> memref<128x128xf32, #tpu.memory_space<hbm>>
    %dma_wait3A_75 = arith.constant 0 : i32
    %dma_wait3A_76 = arith.constant 0 : i32
    %dma_wait3A_77 = tpu.memref_slice %arg6[%dma_wait3A_64, %dma_wait3A_75, %dma_wait3A_76] : memref<4x128x128xf32, #tpu.memory_space<vmem>> -> memref<1x128x128xf32, #tpu.memory_space<vmem>>
    %dma_wait3A_78 = tpu.memref_squeeze %dma_wait3A_77 : memref<1x128x128xf32, #tpu.memory_space<vmem>> -> memref<128x128xf32, #tpu.memory_space<vmem>>
    tpu.wait_dma2 semaphore(%arg12 : memref<!tpu.dma_semaphore, #tpu.memory_space<semaphore_mem>>) src(%dma_wait3A_78 : memref<128x128xf32, #tpu.memory_space<vmem>>) dst(%dma_wait3A_74 : memref<128x128xf32, #tpu.memory_space<hbm>>)
    %dma_wait3A_79 = arith.constant 2 : i32
    %dma_wait3A_80 = arith.constant 0 : i32
    %dma_wait3A_81 = arith.constant 0 : i32
    %dma_wait3A_82 = tpu.memref_slice %arg6[%dma_wait3A_79, %dma_wait3A_80, %dma_wait3A_81] : memref<4x128x128xf32, #tpu.memory_space<vmem>> -> memref<1x128x128xf32, #tpu.memory_space<vmem>>
    %dma_wait3A_83 = tpu.memref_squeeze %dma_wait3A_82 : memref<1x128x128xf32, #tpu.memory_space<vmem>> -> memref<128x128xf32, #tpu.memory_space<vmem>>
    %dma_wait3A_84 = arith.constant 0 : i32
    %dma_wait3A_85 = arith.constant 0 : i32
    %dma_wait3A_86 = tpu.memref_slice %arg4[%dma_wait3A_84, %dma_wait3A_85] : memref<3276800x128xf32, #tpu.memory_space<hbm>> -> memref<128x128xf32, #tpu.memory_space<hbm>>
    %dma_wait3A_87 = arith.constant 0 : i32
    %dma_wait3A_88 = arith.constant 0 : i32
    %dma_wait3A_89 = tpu.memref_slice %arg4[%dma_wait3A_87, %dma_wait3A_88] : memref<3276800x128xf32, #tpu.memory_space<hbm>> -> memref<128x128xf32, #tpu.memory_space<hbm>>
    %dma_wait3A_90 = arith.constant 0 : i32
    %dma_wait3A_91 = arith.constant 0 : i32
    %dma_wait3A_92 = tpu.memref_slice %arg6[%dma_wait3A_79, %dma_wait3A_90, %dma_wait3A_91] : memref<4x128x128xf32, #tpu.memory_space<vmem>> -> memref<1x128x128xf32, #tpu.memory_space<vmem>>
    %dma_wait3A_93 = tpu.memref_squeeze %dma_wait3A_92 : memref<1x128x128xf32, #tpu.memory_space<vmem>> -> memref<128x128xf32, #tpu.memory_space<vmem>>
    tpu.wait_dma2 semaphore(%arg13 : memref<!tpu.dma_semaphore, #tpu.memory_space<semaphore_mem>>) src(%dma_wait3A_93 : memref<128x128xf32, #tpu.memory_space<vmem>>) dst(%dma_wait3A_89 : memref<128x128xf32, #tpu.memory_space<hbm>>)
    %dma_wait3A_94 = arith.constant 3 : i32
    %dma_wait3A_95 = arith.constant 0 : i32
    %dma_wait3A_96 = arith.constant 0 : i32
    %dma_wait3A_97 = tpu.memref_slice %arg6[%dma_wait3A_94, %dma_wait3A_95, %dma_wait3A_96] : memref<4x128x128xf32, #tpu.memory_space<vmem>> -> memref<1x128x128xf32, #tpu.memory_space<vmem>>
    %dma_wait3A_98 = tpu.memref_squeeze %dma_wait3A_97 : memref<1x128x128xf32, #tpu.memory_space<vmem>> -> memref<128x128xf32, #tpu.memory_space<vmem>>
    %dma_wait3A_99 = arith.constant 0 : i32
    %dma_wait3A_100 = arith.constant 0 : i32
    %dma_wait3A_101 = tpu.memref_slice %arg4[%dma_wait3A_99, %dma_wait3A_100] : memref<3276800x128xf32, #tpu.memory_space<hbm>> -> memref<128x128xf32, #tpu.memory_space<hbm>>
    %dma_wait3A_102 = arith.constant 0 : i32
    %dma_wait3A_103 = arith.constant 0 : i32
    %dma_wait3A_104 = tpu.memref_slice %arg4[%dma_wait3A_102, %dma_wait3A_103] : memref<3276800x128xf32, #tpu.memory_space<hbm>> -> memref<128x128xf32, #tpu.memory_space<hbm>>
    %dma_wait3A_105 = arith.constant 0 : i32
    %dma_wait3A_106 = arith.constant 0 : i32
    %dma_wait3A_107 = tpu.memref_slice %arg6[%dma_wait3A_94, %dma_wait3A_105, %dma_wait3A_106] : memref<4x128x128xf32, #tpu.memory_space<vmem>> -> memref<1x128x128xf32, #tpu.memory_space<vmem>>
    %dma_wait3A_108 = tpu.memref_squeeze %dma_wait3A_107 : memref<1x128x128xf32, #tpu.memory_space<vmem>> -> memref<128x128xf32, #tpu.memory_space<vmem>>
    tpu.wait_dma2 semaphore(%arg14 : memref<!tpu.dma_semaphore, #tpu.memory_space<semaphore_mem>>) src(%dma_wait3A_108 : memref<128x128xf32, #tpu.memory_space<vmem>>) dst(%dma_wait3A_104 : memref<128x128xf32, #tpu.memory_space<hbm>>)
    return
  }
}

module attributes {stable_mosaic.version = 14 : i64} {
  func.func @_add_body(%arg0: i32, %arg1: memref<100x8192xf32, #tpu.memory_space<vmem>>, %arg2: memref<100x8192xf32, #tpu.memory_space<vmem>>, %arg3: memref<8192x128xf32, #tpu.memory_space<vmem>>) attributes {dimension_semantics = [#tpu.dimension_semantics<arbitrary>], iteration_bounds = array<i64: 123>, scalar_prefetch = 0 : i64, scratch_operands = 0 : i64, tpu.core_type = #tpu.core_type<tc>, window_params = [{transform_indices = @transform_0, window_bounds = array<i64: 100, 8192>}, {transform_indices = @transform_1, window_bounds = array<i64: 100, 8192>}, {transform_indices = @transform_2, window_bounds = array<i64: 8192, 128>}]} {
    %get3A = arith.constant 0 : index
    %get3A_0 = arith.constant 0 : index
    %get3A_1 = vector.load %arg1[%get3A, %get3A_0] : memref<100x8192xf32, #tpu.memory_space<vmem>>, vector<100x8192xf32>
    %get3A_2 = arith.constant 0 : index
    %get3A_3 = arith.constant 0 : index
    %get3A_4 = vector.load %arg2[%get3A_2, %get3A_3] : memref<100x8192xf32, #tpu.memory_space<vmem>>, vector<100x8192xf32>
    %add3A = arith.addf %get3A_1, %get3A_4 : vector<100x8192xf32>
    %transpose3A = tpu.transpose %add3A, [1, 0] : vector<100x8192xf32> -> vector<8192x100xf32>
    %swap3A = arith.constant 0 : index
    %swap3A_5 = arith.constant 0 : index
    %swap3A_6 = vector.load %arg3[%swap3A, %swap3A_5] : memref<8192x128xf32, #tpu.memory_space<vmem>>, vector<8192x100xf32>
    tpu.vector_store %arg3[%swap3A, %swap3A_5], %transpose3A {strides = array<i32>} : memref<8192x128xf32, #tpu.memory_space<vmem>>, vector<8192x100xf32>,
    return
  }
  func.func @transform_0(%arg0: i32) -> (i32, i32) {
    %c0_i32 = arith.constant 0 : i32
    %c0_i32_0 = arith.constant 0 : i32
    return %c0_i32, %arg0 : i32, i32
  }
  func.func @transform_1(%arg0: i32) -> (i32, i32) {
    %c0_i32 = arith.constant 0 : i32
    %c0_i32_0 = arith.constant 0 : i32
    return %c0_i32, %arg0 : i32, i32
  }
  func.func @transform_2(%arg0: i32) -> (i32, i32) {
    %c0_i32 = arith.constant 0 : i32
    %c0_i32_0 = arith.constant 0 : i32
    return %arg0, %c0_i32 : i32, i32
  }
}

</mosaic_0001>

<sc_bundles>
// kernel: kernel.4.cloned.1.call-start
scs
__scs_entry_jumppad:
0x0: {  	(pc) =	sbr.rel $0x88, $3  }
0x1: {  	(tag) =	ssettag $0x0;
	lr =	simm.s32 $0x1  }
0x2: {  	[smem:$0x3F9E] =	sst lr;
	_ =	strace $0xD0000000  }
0x3: {  	_ = 	snop  }
0x4: {  	_ = 	snop  }
0x5: {  	_ = 	snop  }
0x6: {  	_ = 	snop  }
0x7: {  	_ = 	snop  }
__scs_overlays_trampoline_lowered:
0x8: {  	[smem:$0x3FAD] =	sst s0  }
0x9: {  	[smem:$0x3FAE] =	sst s1  }
0xa: {  	[smem:$0x3FAF] =	sst s2  }
0xb: {  	[smem:$0x3FB0] =	sst s3  }
0xc: {  	[smem:$0x3FB1] =	sst s4  }
0xd: {  	[smem:$0x3FB2] =	sst s5  }
0xe: {  	[smem:$0x3FB3] =	sst s6  }
0xf: {  	[smem:$0x3FB4] =	sst s7  }
0x10: {  	[smem:$0x3FB5] =	sst s8  }
0x11: {  	[smem:$0x3FB6] =	sst s9;
	s0 =	simm.s32 @!p0 $0x0  }
0x12: {  	s1 =	sld [smem:$0x3F9C];
	s0 =	simm.s32 @p0 $0x1  }
0x13: {  	[smem:$0x3FB7] =	sst s0;
	s0 =	simm.s32 @!p1 $0x0  }
0x14: {  	s2 =	sld [smem:$0x3F9B];
	s0 =	simm.s32 @p1 $0x1  }
0x15: {  	[smem:$0x3FB8] =	sst s0;
	s0 =	simm.s32 @!p2 $0x0  }
0x16: {  	s3 =	sld [smem:$0x3FDB];
	s0 =	simm.s32 @p2 $0x1  }
0x17: {  	s4 =	simm.s32 $0x1BF5;
	[smem:$0x3FBA] =	sst s0  }
0x18: {  	s0 =	sld [smem:$0x3F9D];
	_ =	swait.ge [sflag:s4], $0x0  }
0x19: {  	s7 =	sld [smem:$0x3F9E]  }
0x1a: {  	s8 =	sadd.s32 $0xFFFFE003, lr  }
0x1b: {  	s9 =	sadd.s32 $0xFFFFFEF7, lr;
	s5 =	simm.s32 $0xFFFFFFFF;
	p2 =	slt.u32 s8, $0xFFFFF086  }
0x1c: {  	p1 =	slt.u32 s9, $0xF7A;
	s5 =	simm.s32 @!p2 $0x0  }
0x1d: {  	s5 =	simm.s32 @p1 $0x1;
	p0 =	seq.s32 s7, s2  }
0x1e: {  	s7 =	smul.u32 @!p0 $0xF7A, s2;
	p2 =	seq.s32 @!p0 s5, $0x0  }
0x1f: {  	s9 =	smul.u32 $0xF7A, s1;
	s8 =	simm.s32 @!p0 $0x1BF5;
	p2 =	por !p2, p0  }
0x20: {  	[sflag:s8] =	ssyncset.s32 @!p0 $0xFFFFF086;
	s6 =	sadd.s32 @!p0 s3, s7;
	s7 =	simm.s32 @!p0 $0x108  }
0x21: {  	s3 =	sadd.s32 s3, s9;
	s6 =	sadd.s32 @!p0 $0x88, s6;
	s7 =	simm.s32 @p2 $0x1082  }
0x22: {  	[simem:s7], [sflag:s8] =	dma.local @!p0 [hbm:s6], $0xF7A  }
0x23: {  	s9 =	sor.u32 $0xD0000000, s2;
	s6 =	simm.s32 $0x108;
	_ =	swait.ge @!p0 [sflag:s8], $0x0  }
0x24: {  	s3 =	sadd.s32 $0x88, s3;
	s6 =	simm.s32 @!p1 $0x1082;
	[sflag:s4] =	ssyncset.s32 $0xFFFFF086  }
0x25: {  	[simem:s6], [sflag:s4] =	dma.local [hbm:s3], $0xF7A  }
0x26: {  	[smem:$0x3F9E] =	sst s1;
	(tag) =	ssettag s2;
	_ =	strace s9  }
0x27: {  	s1 =	sld [smem:$0x3FAE]  }
0x28: {  	s2 =	sld [smem:$0x3FAF]  }
0x29: {  	s4 =	sld [smem:$0x3FB1]  }
0x2a: {  	p0 =	seq.s32 s5, $0x0;
	s5 =	sld [smem:$0x3FB2]  }
0x2b: {  	s6 =	sld [smem:$0x3FB3]  }
0x2c: {  	s7 =	sld [smem:$0x3FB4]  }
0x2d: {  	s3 =	simm.s32 $0x108;
	s8 =	sld [smem:$0x3FB5]  }
0x2e: {  	s3 =	simm.s32 @!p0 $0x1082;
	s9 =	sld [smem:$0x3FB6]  }
0x2f: {  	lr =	sadd.s32 s0, s3;
	s0 =	sld [smem:$0x3FAD]  }
0x30: {  	s3 =	sld [smem:$0x3FB0]  }
0x31: {  	[smem:$0x3FB9] =	sst s10  }
0x32: {  	s10 =	sld [smem:$0x3FB7];
	_ =	sdelay $0x3  }
0x33: {  	p0 =	seq.s32 s10, $0x1;
	s10 =	sld [smem:$0x3FB9];
	_ =	sdelay $0x3  }
0x34: {  	[smem:$0x3FB9] =	sst s10  }
0x35: {  	s10 =	sld [smem:$0x3FB8];
	_ =	sdelay $0x3  }
0x36: {  	p1 =	seq.s32 s10, $0x1;
	s10 =	sld [smem:$0x3FB9];
	_ =	sdelay $0x3  }
0x37: {  	[smem:$0x3FB9] =	sst s10  }
0x38: {  	s10 =	sld [smem:$0x3FBA]  }
0x39: {  	_ = 	snop;
	(pc) =	sbr.ind lr, $3  }
0x3a: {  	_ = 	snop  }
0x3b: {  	_ = 	snop  }
0x3c: {  	p2 =	seq.s32 s10, $0x1;
	s10 =	sld [smem:$0x3FB9]  }
0x3d: {  	_ =	shalt  }
0x3e: {  	_ =	shalt  }
0x3f: {  	_ =	shalt  }
0x40: {  	_ =	shalt  }
0x41: {  	_ =	shalt  }
0x42: {  	_ =	shalt  }
0x43: {  	_ =	shalt  }
0x44: {  	_ =	shalt  }
0x45: {  	_ =	shalt  }
0x46: {  	_ =	shalt  }
0x47: {  	_ =	shalt  }
0x48: {  	_ =	shalt  }
0x49: {  	_ =	shalt  }
0x4a: {  	_ =	shalt  }
0x4b: {  	_ =	shalt  }
0x4c: {  	_ =	shalt  }
0x4d: {  	_ =	shalt  }
0x4e: {  	_ =	shalt  }
0x4f: {  	_ =	shalt  }
0x50: {  	_ =	shalt  }
0x51: {  	_ =	shalt  }
0x52: {  	_ =	shalt  }
0x53: {  	_ =	shalt  }
0x54: {  	_ =	shalt  }
0x55: {  	_ =	shalt  }
0x56: {  	_ =	shalt  }
0x57: {  	_ =	shalt  }
0x58: {  	_ =	shalt  }
0x59: {  	_ =	shalt  }
0x5a: {  	_ =	shalt  }
0x5b: {  	_ =	shalt  }
0x5c: {  	_ =	shalt  }
0x5d: {  	_ =	shalt  }
0x5e: {  	_ =	shalt  }
0x5f: {  	_ =	shalt  }
0x60: {  	_ =	shalt  }
0x61: {  	_ =	shalt  }
0x62: {  	_ =	shalt  }
0x63: {  	_ =	shalt  }
0x64: {  	_ =	shalt  }
0x65: {  	_ =	shalt  }
0x66: {  	_ =	shalt  }
0x67: {  	_ =	shalt  }
0x68: {  	_ =	shalt  }
0x69: {  	_ =	shalt  }
0x6a: {  	_ =	shalt  }
0x6b: {  	_ =	shalt  }
0x6c: {  	_ =	shalt  }
0x6d: {  	_ =	shalt  }
0x6e: {  	_ =	shalt  }
0x6f: {  	_ =	shalt  }
0x70: {  	_ =	shalt  }
0x71: {  	_ =	shalt  }
0x72: {  	_ =	shalt  }
0x73: {  	_ =	shalt  }
0x74: {  	_ =	shalt  }
0x75: {  	_ =	shalt  }
0x76: {  	_ =	shalt  }
0x77: {  	_ =	shalt  }
0x78: {  	_ =	shalt  }
0x79: {  	_ =	shalt  }
0x7a: {  	_ =	shalt  }
0x7b: {  	_ =	shalt  }
0x7c: {  	_ =	shalt  }
0x7d: {  	_ =	shalt  }
0x7e: {  	_ =	shalt  }
0x7f: {  	_ =	shalt  }
0x80: {  	_ =	shalt  }
0x81: {  	_ =	shalt  }
0x82: {  	_ =	shalt  }
0x83: {  	_ =	shalt  }
0x84: {  	_ =	shalt  }
0x85: {  	_ =	shalt  }
0x86: {  	_ =	shalt  }
0x87: {  	_ =	shalt  }
.Lfunc_end0:
.L_simem_size_0:
called_computation.1_lowered:
.L_overlay_start_0:
0x88: {  	s2 =	sld [smem:$0x3FD9]  }
0x89: {  	s3 =	sld [smem:$0x3FFE];
	_ =	sdelay $0x1  }
0x8a: {  	s1 =	srdreg.scid  }
0x8b: {  	s0 =	sand.u32 $0x1, s1  }
0x8c: {  	s17 =	sshll.u32 s0, $0xA;
	s2 =	sadd.s32 s3, s2  }
0x8d: {  	s2 =	sadd.s32 s2, s17  }
0x8e: {  	[smem:$0x3FC5] =	sst s2  }
0x8f: {  	_ = 	snop  }
0x90: {  	s2 =	sld [smem:$0x3FD0];
	(tm) =	ssettm $0x1  }
0x91: {  	s18 =	sld [smem:$0x3FFB];
	_ =	sdelay $0x3  }
0x92: {  	_ =	strace s18  }
0x93: {  	s3 =	sld [smem:$0x3FFC];
	_ =	sdelay $0x3  }
0x94: {  	_ =	strace s3  }
0x95: {  	s3 =	sld [smem:$0x3FFD];
	_ =	sdelay $0x3  }
0x96: {  	_ =	strace s3  }
0x97: {  	_ =	strace $0x8FFFFFFF  }
0x98: {  	s19 =	sld [smem:$0x3FDB];
	_ =	sdelay $0x1  }
0x99: {  	s4 =	simm.s32 $_scs_section_size  }
0x9a: {  	s5 =	simm.s32 $_size__tile_overlayer_lowered;
	s6 =	simm.s32 $_tile_overlayer_lowered  }
0x9b: {  	s22 =	simm.s32 $0x1BFF;
	s21 =	sshll.u32 s6, $0x1;
	s3 =	sadd.s32 s4, s19  }
0x9c: {  	s7 =	simm.s32 $0x0;
	s20 =	sshll.u32 s5, $0x1;
	s5 =	sadd.s32 s21, s3  }
0x9d: {  	[timem:s7], [sflag:s22] =	dma.local [hbm:s5], s20  }
0x9e: {  	_ =	swait.ge [sflag:s22], s20  }
0x9f: {  	s4 =	ssub.s32 $0x0, s20;
	[sflag:s22] =	ssyncset.done $0x0  }
0xa0: {  	[sflag:s22] =	ssyncadd.s32 s4;
	_ =	sdelay $0x1  }
0xa1: {  	s23 =	simm.s32 $0x1B8B  }
0xa2: {  	_ =	swait.ge [sflag:s23], $0x1  }
0xa3: {  	[sflag:s23] =	ssyncset.done $0x0  }
0xa4: {  	s25 =	simm.s32 $0x1B8E;
	s24 =	sld [smem:$0x3FFE];
	[sflag:s23] =	ssyncadd.s32 $0xFFFFFFFF  }
0xa5: {  	s26 =	simm.s32 $execute0_lowered;
	[smem:$0x3FD2] =	sst s25  }
0xa6: {  	s5 =	sshll.u32 s26, $0x1;
	_ =	strace $0x80000046;
	[dreg:$0x1] =	wrdreg $0xFFFFFFFF  }
0xa7: {  	s28 =	simm.s32 $_size_execute0_lowered;
	s3 =	sadd.s32 s3, s5;
	[dreg:$0x0] =	wrdreg $0x0  }
0xa8: {  	s5 =	sshll.u32 s28, $0x1;
	[dreg:$0x2] =	wrdreg s3  }
0xa9: {  	[dreg:$0x3] =	wrdreg s5  }
0xaa: {  	[dreg:$0x4] =	wrdreg $0xC0  }
0xab: {  	_ =	task [dreg:s7], $0x5FFFF  }
0xac: {  	[dreg:$0x1] =	wrdreg $0xFFFFFFFF  }
0xad: {  	[dreg:$0x0] =	wrdreg $0x60  }
0xae: {  	[dreg:$0x2] =	wrdreg s24  }
0xaf: {  	[dreg:$0x3] =	wrdreg s2  }
0xb0: {  	[dreg:$0x4] =	wrdreg $0x9  }
0xb1: {  	_ =	task.clear_ibuf [dreg:s7], $0x5FFFF;
	_ =	strace $0x90000046  }
0xb2: {  	s29 =	simm.s32 $0x9;
	_ =	strace $0x80000048  }
0xb3: {  	_ =	swait.ge [sflag:s29], $0x1  }
0xb4: {  	[sflag:s29] =	ssyncadd.s32 $0xFFFFFFFF  }
0xb5: {  	_ =	strace $0x90000048  }
0xb6: {  	_ =	sfence  }
0xb7: {  	s30 =	sld [smem:$0x0];
	_ =	sdelay $0x2  }
0xb8: {  	s31 =	sshll.u32 s1, $0xD;
	s1 =	sshrl.u32 s1, $0x2  }
0xb9: {  	s3 =	sand.u32 $0x4000, s31;
	s1 =	sadd.s32 s1, s30  }
0xba: {  	s0 =	sor.u32 s3, s0;
	s1 =	sshll.u32 s1, $0x11  }
0xbb: {  	s0 =	sor.u32 s1, s0  }
0xbc: {  	s0 =	sadd.s32 $0x8F2B, s0  }
0xbd: {  	[sflag:s0] =	ssyncadd.remote.s32 $0x1  }
0xbe: {  	_ =	sfence.sel $0xFFFF  }
0xbf: {  	[dreg:$0x0] =	wrdreg $0xFFFFFFFF;
	(pc) =	sbr.abs _section_cstart, $3  }
0xc0: {  	[dreg:$0x1] =	wrdreg $0xFFFFFFFF  }
0xc1: {  	_ =	task.clear_ibuf [dreg:s7], $0x2FFFF;
	_ =	strace $0x9FFFFFFF  }
0xc2: {  	(tm) =	ssettm $0x7FFFFFFF  }
0xc3: {  	_ =	shalt  }
tec
execute0_lowered:
.L_overlay_start_1:
0x0: {  	(tag) =	ssettag $0x1  }
0x1: {  	s4 =	rddreg [dreg:$0x0]  }
0x2: {  	s2 =	rddreg [dreg:$0x1]  }
0x3: {  	s5 =	srdreg.scid;
	s0 =	stileid.u32  }
0x4: {  	s3 =	simm.s32 $0x0;
	s28 =	simm.s32 $0x100;
	s29 =	simm.s32 $0x180  }
0x5: {  	s30 =	simm.s32 $0x200;
	s31 =	simm.s32 $0x280;
	s17 =	simm.s32 $0x300  }
0x6: {  	s18 =	simm.s32 $0x380;
	s8 =	sand.u32 $0x1, s5;
	s11 =	smul.u32 $0x1900000, s0  }
0x7: {  	s19 =	sshll.u32 s0, $0x1;
	[smem:$0x7FF] =	sst s3;
	s13 =	smul.u32 $0x320000, s0  }
0x8: {  	s22 =	smul.u32 $0x6400, s0;
	_ =	strace $0x80000047;
	[dreg:$0x6] =	wrdreg s28  }
0x9: {  	s9 =	sadd.s32 $0x800, s4;
	s16 =	smul.u32 $0xC8, s0;
	[dreg:$0x7] =	wrdreg s29  }
0xa: {  	s10 =	sadd.s32 $0x64800, s4;
	s12 =	smul.u32 $0xC80000, s8;
	[dreg:$0x8] =	wrdreg s30  }
0xb: {  	s5 =	sor.u32 s8, s19;
	s14 =	smul.u32 $0x190000, s8;
	[dreg:$0x9] =	wrdreg s31  }
0xc: {  	s7 =	ssub.s32 $0x2, s8;
	s25 =	smul.u32 $0x64, s8;
	[dreg:$0xa] =	wrdreg s17  }
0xd: {  	s8 =	smul.u32 $0x3200, s8;
	s17 =	simm.s32 $0xC800;
	[dreg:$0xb] =	wrdreg s18  }
0xe: {  	s19 =	simm.s32 $0x480;
	s18 =	simm.s32 $0x3;
	s6 =	smul.u32 $0x3200, s5  }
0xf: {  	s5 =	smul.u32 $0xC80000, s5;
	s20 =	sshrl.u32 s7, $0x1;
	s13 =	sadd.s32 s13, s10  }
0x10: {  	[dreg:$0xc] =	wrdreg s19;
	s19 =	simm.s32 $0x5;
	s7 =	ssub.s32 s7, s20  }
0x11: {  	s11 =	sadd.s32 s12, s11;
	s12 =	sadd.s32 s22, s9;
	s20 =	simm.s32 $0x500  }
0x12: {  	s22 =	simm.s32 $0x600;
	s5 =	sshrl.u32 s5, $0x3;
	s1 =	sadd.s32 s9, s6  }
0x13: {  	s6 =	smax.u32 s7, $0x1;
	s23 =	sor.u32 $0x8000, s11;
	s7 =	sadd.s32 s14, s13  }
0x14: {  	s26 =	sshrl.u32 s11, $0x3;
	s11 =	sor.u32 $0x20000, s11;
	s14 =	sadd.s32 s25, s16  }
0x15: {  	s8 =	sadd.s32 s8, s12;
	s12 =	simm.s32 $0x800;
	[dreg:$0xd] =	wrdreg s20  }
0x16: {  	s16 =	simm.s32 $0x2;
	s20 =	simm.s32 $0x4;
	[dreg:$0xf] =	wrdreg s22  }
0x17: {  	s22 =	simm.s32 $0x7;
	s25 =	simm.s32 $0x780;
	[dreg:$0x13] =	wrdreg s1  }
0x18: {  	s5 =	sadd.s32 s10, s5;
	s15 =	sshrl.u32 s23, $0x3;
	s13 =	sadd.s32 s26, s10  }
0x19: {  	s11 =	sshrl.u32 s11, $0x3;
	s14 =	sshll.u32 s14, $0x7;
	s23 =	simm.s32 $0x680  }
0x1a: {  	[dreg:$0x12] =	wrdreg s25;
	s25 =	simm.s32 $0x0;
	s21 =	sadd.s32 $0x18F800, s5  }
0x1b: {  	s24 =	sadd.s32 s15, s10;
	[dreg:$0x4] =	wrdreg s13;
	s10 =	sadd.s32 s11, s10  }
0x1c: {  	s9 =	sadd.s32 s14, s9;
	s11 =	simm.s32 $0x80;
	[dreg:$0x10] =	wrdreg s23  }
0x1d: {  	s13 =	simm.s32 $0x4800;
	s14 =	simm.s32 $0x1;
	[dreg:$0x14] =	wrdreg s21  }
0x1e: {  	s15 =	simm.s32 $0x8800;
	s23 =	simm.s32 $0x8;
	[dreg:$0x3] =	wrdreg s24  }
0x1f: {  	[dreg:$0x5] =	wrdreg s10;
	s9 =	sadd.s32 $0x80, s9;
	s21 =	simm.s32 $0x580  }
0x20: {  	s10 =	simm.s32 $0x9;
	s24 =	simm.s32 $0x700;
	[dreg:$0xe] =	wrdreg s21  }
0x21: {  	s21 =	simm.s32 $0x6;
	[dreg:$0x11] =	wrdreg s24;
	s24 =	simm.s32 $0x400  }
.LBB2_1:
0x22: {  	s0 =	rddreg [dreg:$0x13]  }
0x23: {  	[tilespmem:s3], [sflag:$0x9] =	stream.linear.gather [hbm4b:s0+s3], $0x400, $0x38;
	[tilespmem:$0x10800] =	vst v63  }
0x24: {  	_ =	swait.ge [sflag:s10], $0x400  }
0x25: {  	[sflag:s10] =	ssyncset.done $0x0  }
0x26: {  	[sflag:s10] =	ssyncadd.s32 $0xFFFFFC00  }
0x27: {  	[tilespmem:s12], [sflag:$0x1] =	stream.indirect.gather [hbm4b:s2+s11], $0x80, s3, s11, $0xb8;
	[tilespmem:$0x10800] =	vst v63  }
0x28: {  	_ = 	snop  }
0x29: {  	[tilespmem:s3], [sflag:$0x9] =	stream.linear.gather [hbm4b:s8+s3], $0x400, $0x38;
	[tilespmem:$0x10800] =	vst v63  }
0x2a: {  	_ =	swait.ge [sflag:s10], $0x400  }
0x2b: {  	p0 =	por $0x1, $0x1;
	[sflag:s10] =	ssyncset.done $0x0  }
0x2c: {  	s26 =	simm.s32 @!p0 $0x5;
	[sflag:s10] =	ssyncadd.s32 $0xFFFFFC00  }
0x2d: {  	_ =	swait.ge @!p0 [sflag:s26], $0x4000  }
0x2e: {  	s28 =	simm.s32 @!p0 $0x800;
	s29 =	simm.s32 @!p0 $0x4;
	[sflag:s26] =	ssyncset.done @!p0 $0x0  }
0x2f: {  	s30 =	simm.s32 @!p0 $0x0;
	[sflag:s26] =	ssyncadd.s32 @!p0 $0xFFFFC000;
	s26 =	simm.s32 @!p0 $0x80  }
0x30: {  	[tilespmem:s28], [sflag:$0x1] =	stream.indirect.gather @!p0 [hbm4b:s2+s26], $0x80, s30, s26, $0xb8;
	[tilespmem:$0x10800] =	vst v63  }
0x31: {  	_ =	swait.ge @!p0 [sflag:s29], $0x4000  }
0x32: {  	s26 =	sadd.s32 @!p0 $0x0, s7;
	s28 =	simm.s32 @!p0 $0xC800;
	[sflag:s29] =	ssyncset.done @!p0 $0x0  }
0x33: {  	s26 =	sadd.s32 @!p0 $0xFFFFF800, s26;
	[sflag:s29] =	ssyncadd.s32 @!p0 $0xFFFFC000;
	s29 =	simm.s32 @!p0 $0x6  }
0x34: {  	[hbm4b:s26+s30] =	stream.linear.scatter @!p0 [tilespmem:s28], [sflag:$0x8], $0x4000, $0x38;
	[tilespmem:$0x10800] =	vst v63  }
0x35: {  	_ =	swait.ge @!p0 [sflag:s29], $0x4000  }
0x36: {  	[sflag:s29] =	ssyncset.done @!p0 $0x0  }
0x37: {  	[sflag:s29] =	ssyncadd.s32 @!p0 $0xFFFFC000  }
0x38: {  	[tilespmem:s13], [sflag:$0x2] =	stream.indirect.gather [hbm4b:s2+s11], $0x80, s11, s11, $0xb8;
	[tilespmem:$0x10800] =	vst v63  }
0x39: {  	_ =	swait.ge [sflag:s14], $0x4000  }
0x3a: {  	s5 =	rddreg [dreg:$0x4];
	[sflag:s14] =	ssyncset.done $0x0  }
0x3b: {  	s28 =	simm.s32 @!p0 $0x7;
	[sflag:s14] =	ssyncadd.s32 $0xFFFFC000;
	s26 =	sadd.s32 $0x0, s5  }
0x3c: {  	[hbm4b:s26+s3] =	stream.linear.scatter [tilespmem:s12], [sflag:$0x5], $0x4000, $0x38;
	[tilespmem:$0x10800] =	vst v63  }
0x3d: {  	_ =	swait.ge @!p0 [sflag:s28], $0x4000  }
0x3e: {  	[sflag:s28] =	ssyncset.done @!p0 $0x0  }
0x3f: {  	s31 =	rddreg [dreg:$0x6];
	[sflag:s28] =	ssyncadd.s32 @!p0 $0xFFFFC000  }
0x40: {  	[tilespmem:s15], [sflag:$0x3] =	stream.indirect.gather [hbm4b:s2+s11], $0x80, s31, s11, $0xb8;
	[tilespmem:$0x10800] =	vst v63  }
0x41: {  	_ =	swait.ge [sflag:s16], $0x4000  }
0x42: {  	s29 =	sadd.s32 $0x0, s7;
	[sflag:s16] =	ssyncset.done $0x0  }
0x43: {  	s0 =	sadd.s32 $0x800, s29;
	s28 =	simm.s32 @!p0 $0x8;
	[sflag:s16] =	ssyncadd.s32 $0xFFFFC000  }
0x44: {  	[hbm4b:s0+s3] =	stream.linear.scatter [tilespmem:s13], [sflag:$0x6], $0x4000, $0x38;
	[tilespmem:$0x10800] =	vst v63  }
0x45: {  	_ =	swait.ge @!p0 [sflag:s28], $0x4000  }
0x46: {  	[sflag:s28] =	ssyncset.done @!p0 $0x0  }
0x47: {  	s1 =	rddreg [dreg:$0x7];
	[sflag:s28] =	ssyncadd.s32 @!p0 $0xFFFFC000  }
0x48: {  	[tilespmem:s17], [sflag:$0x4] =	stream.indirect.gather [hbm4b:s2+s11], $0x80, s1, s11, $0xb8;
	[tilespmem:$0x10800] =	vst v63  }
0x49: {  	_ =	swait.ge [sflag:s18], $0x4000  }
0x4a: {  	s4 =	rddreg [dreg:$0x3];
	[sflag:s18] =	ssyncset.done $0x0  }
0x4b: {  	[sflag:s18] =	ssyncadd.s32 $0xFFFFC000;
	s26 =	sadd.s32 $0x0, s4  }
0x4c: {  	[hbm4b:s26+s3] =	stream.linear.scatter [tilespmem:s15], [sflag:$0x7], $0x4000, $0x38;
	[tilespmem:$0x10800] =	vst v63  }
0x4d: {  	_ =	swait.ge [sflag:s19], $0x4000  }
0x4e: {  	[sflag:s19] =	ssyncset.done $0x0  }
0x4f: {  	s5 =	rddreg [dreg:$0x8];
	[sflag:s19] =	ssyncadd.s32 $0xFFFFC000  }
0x50: {  	[tilespmem:s12], [sflag:$0x1] =	stream.indirect.gather [hbm4b:s2+s11], $0x80, s5, s11, $0xb8;
	[tilespmem:$0x10800] =	vst v63  }
0x51: {  	_ =	swait.ge [sflag:s20], $0x4000  }
0x52: {  	[sflag:s20] =	ssyncset.done $0x0  }
0x53: {  	s31 =	sadd.s32 $0x1800, s29;
	[sflag:s20] =	ssyncadd.s32 $0xFFFFC000  }
0x54: {  	[hbm4b:s31+s3] =	stream.linear.scatter [tilespmem:s17], [sflag:$0x8], $0x4000, $0x38;
	[tilespmem:$0x10800] =	vst v63  }
0x55: {  	_ =	swait.ge [sflag:s21], $0x4000  }
0x56: {  	[sflag:s21] =	ssyncset.done $0x0  }
0x57: {  	s0 =	rddreg [dreg:$0x9];
	[sflag:s21] =	ssyncadd.s32 $0xFFFFC000  }
0x58: {  	[tilespmem:s13], [sflag:$0x2] =	stream.indirect.gather [hbm4b:s2+s11], $0x80, s0, s11, $0xb8;
	[tilespmem:$0x10800] =	vst v63  }
0x59: {  	_ =	swait.ge [sflag:s14], $0x4000  }
0x5a: {  	[sflag:s14] =	ssyncset.done $0x0  }
0x5b: {  	s1 =	sadd.s32 $0x2000, s29;
	[sflag:s14] =	ssyncadd.s32 $0xFFFFC000  }
0x5c: {  	[hbm4b:s1+s3] =	stream.linear.scatter [tilespmem:s12], [sflag:$0x5], $0x4000, $0x38;
	[tilespmem:$0x10800] =	vst v63  }
0x5d: {  	_ =	swait.ge [sflag:s22], $0x4000  }
0x5e: {  	[sflag:s22] =	ssyncset.done $0x0  }
0x5f: {  	s4 =	rddreg [dreg:$0xa];
	[sflag:s22] =	ssyncadd.s32 $0xFFFFC000  }
0x60: {  	[tilespmem:s15], [sflag:$0x3] =	stream.indirect.gather [hbm4b:s2+s11], $0x80, s4, s11, $0xb8;
	[tilespmem:$0x10800] =	vst v63  }
0x61: {  	_ =	swait.ge [sflag:s16], $0x4000  }
0x62: {  	[sflag:s16] =	ssyncset.done $0x0  }
0x63: {  	s5 =	sadd.s32 $0x2800, s29;
	[sflag:s16] =	ssyncadd.s32 $0xFFFFC000  }
0x64: {  	[hbm4b:s5+s3] =	stream.linear.scatter [tilespmem:s13], [sflag:$0x6], $0x4000, $0x38;
	[tilespmem:$0x10800] =	vst v63  }
0x65: {  	_ =	swait.ge [sflag:s23], $0x4000  }
0x66: {  	[sflag:s23] =	ssyncset.done $0x0  }
0x67: {  	s31 =	rddreg [dreg:$0xb];
	[sflag:s23] =	ssyncadd.s32 $0xFFFFC000  }
0x68: {  	[tilespmem:s17], [sflag:$0x4] =	stream.indirect.gather [hbm4b:s2+s11], $0x80, s31, s11, $0xb8;
	[tilespmem:$0x10800] =	vst v63  }
0x69: {  	_ =	swait.ge [sflag:s18], $0x4000  }
0x6a: {  	[sflag:s18] =	ssyncset.done $0x0  }
0x6b: {  	s0 =	sadd.s32 $0x3000, s29;
	[sflag:s18] =	ssyncadd.s32 $0xFFFFC000  }
0x6c: {  	[hbm4b:s0+s3] =	stream.linear.scatter [tilespmem:s15], [sflag:$0x7], $0x4000, $0x38;
	[tilespmem:$0x10800] =	vst v63  }
0x6d: {  	_ = 	snop  }
0x6e: {  	[tilespmem:s24], [sflag:$0x9] =	stream.linear.gather [hbm4b:s9+s3], $0x400, $0x38;
	[tilespmem:$0x10800] =	vst v63  }
0x6f: {  	_ =	swait.ge [sflag:s10], $0x400  }
0x70: {  	[sflag:s10] =	ssyncset.done $0x0  }
0x71: {  	[sflag:s10] =	ssyncadd.s32 $0xFFFFFC00  }
0x72: {  	_ =	swait.ge [sflag:s19], $0x4000  }
0x73: {  	[sflag:s19] =	ssyncset.done $0x0  }
0x74: {  	[sflag:s19] =	ssyncadd.s32 $0xFFFFC000  }
0x75: {  	[tilespmem:s12], [sflag:$0x1] =	stream.indirect.gather [hbm4b:s2+s11], $0x80, s24, s11, $0xb8;
	[tilespmem:$0x10800] =	vst v63  }
0x76: {  	_ =	swait.ge [sflag:s20], $0x4000  }
0x77: {  	[sflag:s20] =	ssyncset.done $0x0  }
0x78: {  	s1 =	sadd.s32 $0x3800, s29;
	[sflag:s20] =	ssyncadd.s32 $0xFFFFC000  }
0x79: {  	[hbm4b:s1+s3] =	stream.linear.scatter [tilespmem:s17], [sflag:$0x8], $0x4000, $0x38;
	[tilespmem:$0x10800] =	vst v63  }
0x7a: {  	_ =	swait.ge [sflag:s21], $0x4000  }
0x7b: {  	[sflag:s21] =	ssyncset.done $0x0  }
0x7c: {  	s4 =	rddreg [dreg:$0xc];
	[sflag:s21] =	ssyncadd.s32 $0xFFFFC000  }
0x7d: {  	[tilespmem:s13], [sflag:$0x2] =	stream.indirect.gather [hbm4b:s2+s11], $0x80, s4, s11, $0xb8;
	[tilespmem:$0x10800] =	vst v63  }
0x7e: {  	_ =	swait.ge [sflag:s14], $0x4000  }
0x7f: {  	s5 =	rddreg [dreg:$0x5];
	[sflag:s14] =	ssyncset.done $0x0  }
0x80: {  	[sflag:s14] =	ssyncadd.s32 $0xFFFFC000;
	s26 =	sadd.s32 $0x0, s5  }
0x81: {  	[hbm4b:s26+s3] =	stream.linear.scatter [tilespmem:s12], [sflag:$0x5], $0x4000, $0x38;
	[tilespmem:$0x10800] =	vst v63  }
0x82: {  	_ =	swait.ge [sflag:s22], $0x4000  }
0x83: {  	[sflag:s22] =	ssyncset.done $0x0  }
0x84: {  	s31 =	rddreg [dreg:$0xd];
	[sflag:s22] =	ssyncadd.s32 $0xFFFFC000  }
0x85: {  	[tilespmem:s15], [sflag:$0x3] =	stream.indirect.gather [hbm4b:s2+s11], $0x80, s31, s11, $0xb8;
	[tilespmem:$0x10800] =	vst v63  }
0x86: {  	_ =	swait.ge [sflag:s16], $0x4000  }
0x87: {  	[sflag:s16] =	ssyncset.done $0x0  }
0x88: {  	s0 =	sadd.s32 $0x4800, s29;
	[sflag:s16] =	ssyncadd.s32 $0xFFFFC000  }
0x89: {  	[hbm4b:s0+s3] =	stream.linear.scatter [tilespmem:s13], [sflag:$0x6], $0x4000, $0x38;
	[tilespmem:$0x10800] =	vst v63  }
0x8a: {  	_ =	swait.ge [sflag:s23], $0x4000  }
0x8b: {  	[sflag:s23] =	ssyncset.done $0x0  }
0x8c: {  	s1 =	rddreg [dreg:$0xe];
	[sflag:s23] =	ssyncadd.s32 $0xFFFFC000  }
0x8d: {  	[tilespmem:s17], [sflag:$0x4] =	stream.indirect.gather [hbm4b:s2+s11], $0x80, s1, s11, $0xb8;
	[tilespmem:$0x10800] =	vst v63  }
0x8e: {  	_ =	swait.ge [sflag:s18], $0x4000  }
0x8f: {  	[sflag:s18] =	ssyncset.done $0x0  }
0x90: {  	s4 =	sadd.s32 $0x5000, s29;
	[sflag:s18] =	ssyncadd.s32 $0xFFFFC000  }
0x91: {  	[hbm4b:s4+s3] =	stream.linear.scatter [tilespmem:s15], [sflag:$0x7], $0x4000, $0x38;
	[tilespmem:$0x10800] =	vst v63  }
0x92: {  	_ =	swait.ge [sflag:s19], $0x4000  }
0x93: {  	[sflag:s19] =	ssyncset.done $0x0  }
0x94: {  	s5 =	rddreg [dreg:$0xf];
	[sflag:s19] =	ssyncadd.s32 $0xFFFFC000  }
0x95: {  	[tilespmem:s12], [sflag:$0x1] =	stream.indirect.gather [hbm4b:s2+s11], $0x80, s5, s11, $0xb8;
	[tilespmem:$0x10800] =	vst v63  }
0x96: {  	_ =	swait.ge [sflag:s20], $0x4000  }
0x97: {  	[sflag:s20] =	ssyncset.done $0x0  }
0x98: {  	s31 =	sadd.s32 $0x5800, s29;
	[sflag:s20] =	ssyncadd.s32 $0xFFFFC000  }
0x99: {  	[hbm4b:s31+s3] =	stream.linear.scatter [tilespmem:s17], [sflag:$0x8], $0x4000, $0x38;
	[tilespmem:$0x10800] =	vst v63  }
0x9a: {  	_ =	swait.ge [sflag:s21], $0x4000  }
0x9b: {  	[sflag:s21] =	ssyncset.done $0x0  }
0x9c: {  	s0 =	rddreg [dreg:$0x10];
	[sflag:s21] =	ssyncadd.s32 $0xFFFFC000  }
0x9d: {  	[tilespmem:s13], [sflag:$0x2] =	stream.indirect.gather [hbm4b:s2+s11], $0x80, s0, s11, $0xb8;
	[tilespmem:$0x10800] =	vst v63  }
0x9e: {  	_ =	swait.ge [sflag:s14], $0x4000  }
0x9f: {  	[sflag:s14] =	ssyncset.done $0x0  }
0xa0: {  	s1 =	sadd.s32 $0x6000, s29;
	[sflag:s14] =	ssyncadd.s32 $0xFFFFC000  }
0xa1: {  	[hbm4b:s1+s3] =	stream.linear.scatter [tilespmem:s12], [sflag:$0x5], $0x4000, $0x38;
	[tilespmem:$0x10800] =	vst v63  }
0xa2: {  	_ =	swait.ge [sflag:s22], $0x4000  }
0xa3: {  	[sflag:s22] =	ssyncset.done $0x0  }
0xa4: {  	s4 =	rddreg [dreg:$0x11];
	[sflag:s22] =	ssyncadd.s32 $0xFFFFC000  }
0xa5: {  	[tilespmem:s15], [sflag:$0x3] =	stream.indirect.gather [hbm4b:s2+s11], $0x80, s4, s11, $0xb8;
	[tilespmem:$0x10800] =	vst v63  }
0xa6: {  	_ =	swait.ge [sflag:s16], $0x4000  }
0xa7: {  	[sflag:s16] =	ssyncset.done $0x0  }
0xa8: {  	s5 =	sadd.s32 $0x6800, s29;
	[sflag:s16] =	ssyncadd.s32 $0xFFFFC000  }
0xa9: {  	[hbm4b:s5+s3] =	stream.linear.scatter [tilespmem:s13], [sflag:$0x6], $0x4000, $0x38;
	[tilespmem:$0x10800] =	vst v63  }
0xaa: {  	_ =	swait.ge [sflag:s23], $0x4000  }
0xab: {  	[sflag:s23] =	ssyncset.done $0x0  }
0xac: {  	s31 =	rddreg [dreg:$0x12];
	[sflag:s23] =	ssyncadd.s32 $0xFFFFC000  }
0xad: {  	[tilespmem:s17], [sflag:$0x4] =	stream.indirect.gather [hbm4b:s2+s11], $0x80, s31, s11, $0xb8;
	[tilespmem:$0x10800] =	vst v63  }
0xae: {  	_ =	swait.ge [sflag:s18], $0x4000  }
0xaf: {  	s30 =	sadd.s32 $0x7000, s29;
	s28 =	sadd.s32 $0x100, s9;
	[sflag:s18] =	ssyncset.done $0x0  }
0xb0: {  	s26 =	simm.s32 $0x8000;
	s29 =	sadd.s32 $0x100, s8;
	[sflag:s18] =	ssyncadd.s32 $0xFFFFC000  }
.LBB2_2:
0xb1: {  	[hbm4b:s30+s3] =	stream.linear.scatter [tilespmem:s15], [sflag:$0x7], $0x4000, $0x38;
	[tilespmem:$0x10800] =	vst v63  }
0xb2: {  	_ = 	snop  }
0xb3: {  	[tilespmem:s3], [sflag:$0x9] =	stream.linear.gather [hbm4b:s29+s3], $0x400, $0x38;
	[tilespmem:$0x10800] =	vst v63  }
0xb4: {  	s31 =	smov.u32 s26;
	_ =	swait.ge [sflag:s10], $0x400  }
0xb5: {  	p1 =	seq.s32 s31, $0x0;
	[sflag:s10] =	ssyncset.done $0x0  }
0xb6: {  	s30 =	simm.s32 @!p1 $0x5;
	[sflag:s10] =	ssyncadd.s32 $0xFFFFFC00  }
0xb7: {  	_ =	swait.ge @!p1 [sflag:s30], $0x4000  }
0xb8: {  	s1 =	simm.s32 @!p1 $0x800;
	s4 =	simm.s32 @!p1 $0x4;
	[sflag:s30] =	ssyncset.done @!p1 $0x0  }
0xb9: {  	s5 =	simm.s32 @!p1 $0x0;
	[sflag:s30] =	ssyncadd.s32 @!p1 $0xFFFFC000;
	s30 =	simm.s32 @!p1 $0x80  }
0xba: {  	[tilespmem:s1], [sflag:$0x1] =	stream.indirect.gather @!p1 [hbm4b:s2+s30], $0x80, s5, s30, $0xb8;
	[tilespmem:$0x10800] =	vst v63  }
0xbb: {  	s0 =	sadd.s32 @!p1 s31, s7;
	_ =	swait.ge @!p1 [sflag:s4], $0x4000  }
0xbc: {  	s0 =	sadd.s32 @!p1 $0xFFFFF800, s0;
	[sflag:s4] =	ssyncset.done @!p1 $0x0  }
0xbd: {  	s1 =	simm.s32 @!p1 $0xC800;
	[sflag:s4] =	ssyncadd.s32 @!p1 $0xFFFFC000;
	s4 =	simm.s32 @!p1 $0x6  }
0xbe: {  	[hbm4b:s0+s5] =	stream.linear.scatter @!p1 [tilespmem:s1], [sflag:$0x8], $0x4000, $0x38;
	[tilespmem:$0x10800] =	vst v63  }
0xbf: {  	_ =	swait.ge @!p1 [sflag:s4], $0x4000  }
0xc0: {  	[sflag:s4] =	ssyncset.done @!p1 $0x0  }
0xc1: {  	[sflag:s4] =	ssyncadd.s32 @!p1 $0xFFFFC000  }
0xc2: {  	[tilespmem:s13], [sflag:$0x2] =	stream.indirect.gather [hbm4b:s2+s11], $0x80, s11, s11, $0xb8;
	[tilespmem:$0x10800] =	vst v63  }
0xc3: {  	_ =	swait.ge [sflag:s14], $0x4000  }
0xc4: {  	s4 =	rddreg [dreg:$0x4];
	[sflag:s14] =	ssyncset.done $0x0  }
0xc5: {  	s1 =	simm.s32 @!p1 $0x7;
	[sflag:s14] =	ssyncadd.s32 $0xFFFFC000;
	s0 =	sadd.s32 s31, s4  }
0xc6: {  	[hbm4b:s0+s3] =	stream.linear.scatter [tilespmem:s12], [sflag:$0x5], $0x4000, $0x38;
	[tilespmem:$0x10800] =	vst v63  }
0xc7: {  	_ =	swait.ge @!p1 [sflag:s1], $0x4000  }
0xc8: {  	[sflag:s1] =	ssyncset.done @!p1 $0x0  }
0xc9: {  	s5 =	rddreg [dreg:$0x6];
	[sflag:s1] =	ssyncadd.s32 @!p1 $0xFFFFC000  }
0xca: {  	[tilespmem:s15], [sflag:$0x3] =	stream.indirect.gather [hbm4b:s2+s11], $0x80, s5, s11, $0xb8;
	[tilespmem:$0x10800] =	vst v63  }
0xcb: {  	_ =	swait.ge [sflag:s16], $0x4000  }
0xcc: {  	s30 =	sadd.s32 s31, s7;
	[sflag:s16] =	ssyncset.done $0x0  }
0xcd: {  	s4 =	sadd.s32 $0x800, s30;
	s1 =	simm.s32 @!p1 $0x8;
	[sflag:s16] =	ssyncadd.s32 $0xFFFFC000  }
0xce: {  	[hbm4b:s4+s3] =	stream.linear.scatter [tilespmem:s13], [sflag:$0x6], $0x4000, $0x38;
	[tilespmem:$0x10800] =	vst v63  }
0xcf: {  	_ =	swait.ge @!p1 [sflag:s1], $0x4000  }
0xd0: {  	[sflag:s1] =	ssyncset.done @!p1 $0x0  }
0xd1: {  	s5 =	rddreg [dreg:$0x7];
	[sflag:s1] =	ssyncadd.s32 @!p1 $0xFFFFC000  }
0xd2: {  	[tilespmem:s17], [sflag:$0x4] =	stream.indirect.gather [hbm4b:s2+s11], $0x80, s5, s11, $0xb8;
	[tilespmem:$0x10800] =	vst v63  }
0xd3: {  	_ =	swait.ge [sflag:s18], $0x4000  }
0xd4: {  	s4 =	rddreg [dreg:$0x3];
	[sflag:s18] =	ssyncset.done $0x0  }
0xd5: {  	[sflag:s18] =	ssyncadd.s32 $0xFFFFC000;
	s0 =	sadd.s32 s31, s4  }
0xd6: {  	[hbm4b:s0+s3] =	stream.linear.scatter [tilespmem:s15], [sflag:$0x7], $0x4000, $0x38;
	[tilespmem:$0x10800] =	vst v63  }
0xd7: {  	_ =	swait.ge [sflag:s19], $0x4000  }
0xd8: {  	[sflag:s19] =	ssyncset.done $0x0  }
0xd9: {  	s5 =	rddreg [dreg:$0x8];
	[sflag:s19] =	ssyncadd.s32 $0xFFFFC000  }
0xda: {  	[tilespmem:s12], [sflag:$0x1] =	stream.indirect.gather [hbm4b:s2+s11], $0x80, s5, s11, $0xb8;
	[tilespmem:$0x10800] =	vst v63  }
0xdb: {  	_ =	swait.ge [sflag:s20], $0x4000  }
0xdc: {  	[sflag:s20] =	ssyncset.done $0x0  }
0xdd: {  	s1 =	sadd.s32 $0x1800, s30;
	[sflag:s20] =	ssyncadd.s32 $0xFFFFC000  }
0xde: {  	[hbm4b:s1+s3] =	stream.linear.scatter [tilespmem:s17], [sflag:$0x8], $0x4000, $0x38;
	[tilespmem:$0x10800] =	vst v63  }
0xdf: {  	_ =	swait.ge [sflag:s21], $0x4000  }
0xe0: {  	[sflag:s21] =	ssyncset.done $0x0  }
0xe1: {  	s4 =	rddreg [dreg:$0x9];
	[sflag:s21] =	ssyncadd.s32 $0xFFFFC000  }
0xe2: {  	[tilespmem:s13], [sflag:$0x2] =	stream.indirect.gather [hbm4b:s2+s11], $0x80, s4, s11, $0xb8;
	[tilespmem:$0x10800] =	vst v63  }
0xe3: {  	_ =	swait.ge [sflag:s14], $0x4000  }
0xe4: {  	[sflag:s14] =	ssyncset.done $0x0  }
0xe5: {  	s5 =	sadd.s32 $0x2000, s30;
	[sflag:s14] =	ssyncadd.s32 $0xFFFFC000  }
0xe6: {  	[hbm4b:s5+s3] =	stream.linear.scatter [tilespmem:s12], [sflag:$0x5], $0x4000, $0x38;
	[tilespmem:$0x10800] =	vst v63  }
0xe7: {  	_ =	swait.ge [sflag:s22], $0x4000  }
0xe8: {  	[sflag:s22] =	ssyncset.done $0x0  }
0xe9: {  	s1 =	rddreg [dreg:$0xa];
	[sflag:s22] =	ssyncadd.s32 $0xFFFFC000  }
0xea: {  	[tilespmem:s15], [sflag:$0x3] =	stream.indirect.gather [hbm4b:s2+s11], $0x80, s1, s11, $0xb8;
	[tilespmem:$0x10800] =	vst v63  }
0xeb: {  	_ =	swait.ge [sflag:s16], $0x4000  }
0xec: {  	[sflag:s16] =	ssyncset.done $0x0  }
0xed: {  	s4 =	sadd.s32 $0x2800, s30;
	[sflag:s16] =	ssyncadd.s32 $0xFFFFC000  }
0xee: {  	[hbm4b:s4+s3] =	stream.linear.scatter [tilespmem:s13], [sflag:$0x6], $0x4000, $0x38;
	[tilespmem:$0x10800] =	vst v63  }
0xef: {  	_ =	swait.ge [sflag:s23], $0x4000  }
0xf0: {  	[sflag:s23] =	ssyncset.done $0x0  }
0xf1: {  	s5 =	rddreg [dreg:$0xb];
	[sflag:s23] =	ssyncadd.s32 $0xFFFFC000  }
0xf2: {  	[tilespmem:s17], [sflag:$0x4] =	stream.indirect.gather [hbm4b:s2+s11], $0x80, s5, s11, $0xb8;
	[tilespmem:$0x10800] =	vst v63  }
0xf3: {  	_ =	swait.ge [sflag:s18], $0x4000  }
0xf4: {  	[sflag:s18] =	ssyncset.done $0x0  }
0xf5: {  	s1 =	sadd.s32 $0x3000, s30;
	[sflag:s18] =	ssyncadd.s32 $0xFFFFC000  }
0xf6: {  	[hbm4b:s1+s3] =	stream.linear.scatter [tilespmem:s15], [sflag:$0x7], $0x4000, $0x38;
	[tilespmem:$0x10800] =	vst v63  }
0xf7: {  	_ = 	snop  }
0xf8: {  	[tilespmem:s24], [sflag:$0x9] =	stream.linear.gather [hbm4b:s28+s3], $0x400, $0x38;
	[tilespmem:$0x10800] =	vst v63  }
0xf9: {  	_ =	swait.ge [sflag:s10], $0x400  }
0xfa: {  	[sflag:s10] =	ssyncset.done $0x0  }
0xfb: {  	[sflag:s10] =	ssyncadd.s32 $0xFFFFFC00  }
0xfc: {  	_ =	swait.ge [sflag:s19], $0x4000  }
0xfd: {  	[sflag:s19] =	ssyncset.done $0x0  }
0xfe: {  	[sflag:s19] =	ssyncadd.s32 $0xFFFFC000  }
0xff: {  	[tilespmem:s12], [sflag:$0x1] =	stream.indirect.gather [hbm4b:s2+s11], $0x80, s24, s11, $0xb8;
	[tilespmem:$0x10800] =	vst v63  }
0x100: {  	_ =	swait.ge [sflag:s20], $0x4000  }
0x101: {  	[sflag:s20] =	ssyncset.done $0x0  }
0x102: {  	s4 =	sadd.s32 $0x3800, s30;
	[sflag:s20] =	ssyncadd.s32 $0xFFFFC000  }
0x103: {  	[hbm4b:s4+s3] =	stream.linear.scatter [tilespmem:s17], [sflag:$0x8], $0x4000, $0x38;
	[tilespmem:$0x10800] =	vst v63  }
0x104: {  	_ =	swait.ge [sflag:s21], $0x4000  }
0x105: {  	[sflag:s21] =	ssyncset.done $0x0  }
0x106: {  	s5 =	rddreg [dreg:$0xc];
	[sflag:s21] =	ssyncadd.s32 $0xFFFFC000  }
0x107: {  	[tilespmem:s13], [sflag:$0x2] =	stream.indirect.gather [hbm4b:s2+s11], $0x80, s5, s11, $0xb8;
	[tilespmem:$0x10800] =	vst v63  }
0x108: {  	_ =	swait.ge [sflag:s14], $0x4000  }
0x109: {  	s1 =	rddreg [dreg:$0x5];
	[sflag:s14] =	ssyncset.done $0x0  }
0x10a: {  	[sflag:s14] =	ssyncadd.s32 $0xFFFFC000;
	s0 =	sadd.s32 s31, s1  }
0x10b: {  	[hbm4b:s0+s3] =	stream.linear.scatter [tilespmem:s12], [sflag:$0x5], $0x4000, $0x38;
	[tilespmem:$0x10800] =	vst v63  }
0x10c: {  	_ =	swait.ge [sflag:s22], $0x4000  }
0x10d: {  	[sflag:s22] =	ssyncset.done $0x0  }
0x10e: {  	s4 =	rddreg [dreg:$0xd];
	[sflag:s22] =	ssyncadd.s32 $0xFFFFC000  }
0x10f: {  	[tilespmem:s15], [sflag:$0x3] =	stream.indirect.gather [hbm4b:s2+s11], $0x80, s4, s11, $0xb8;
	[tilespmem:$0x10800] =	vst v63  }
0x110: {  	_ =	swait.ge [sflag:s16], $0x4000  }
0x111: {  	[sflag:s16] =	ssyncset.done $0x0  }
0x112: {  	s5 =	sadd.s32 $0x4800, s30;
	[sflag:s16] =	ssyncadd.s32 $0xFFFFC000  }
0x113: {  	[hbm4b:s5+s3] =	stream.linear.scatter [tilespmem:s13], [sflag:$0x6], $0x4000, $0x38;
	[tilespmem:$0x10800] =	vst v63  }
0x114: {  	_ =	swait.ge [sflag:s23], $0x4000  }
0x115: {  	[sflag:s23] =	ssyncset.done $0x0  }
0x116: {  	s31 =	rddreg [dreg:$0xe];
	[sflag:s23] =	ssyncadd.s32 $0xFFFFC000  }
0x117: {  	[tilespmem:s17], [sflag:$0x4] =	stream.indirect.gather [hbm4b:s2+s11], $0x80, s31, s11, $0xb8;
	[tilespmem:$0x10800] =	vst v63  }
0x118: {  	_ =	swait.ge [sflag:s18], $0x4000  }
0x119: {  	[sflag:s18] =	ssyncset.done $0x0  }
0x11a: {  	s1 =	sadd.s32 $0x5000, s30;
	[sflag:s18] =	ssyncadd.s32 $0xFFFFC000  }
0x11b: {  	[hbm4b:s1+s3] =	stream.linear.scatter [tilespmem:s15], [sflag:$0x7], $0x4000, $0x38;
	[tilespmem:$0x10800] =	vst v63  }
0x11c: {  	_ =	swait.ge [sflag:s19], $0x4000  }
0x11d: {  	[sflag:s19] =	ssyncset.done $0x0  }
0x11e: {  	s4 =	rddreg [dreg:$0xf];
	[sflag:s19] =	ssyncadd.s32 $0xFFFFC000  }
0x11f: {  	[tilespmem:s12], [sflag:$0x1] =	stream.indirect.gather [hbm4b:s2+s11], $0x80, s4, s11, $0xb8;
	[tilespmem:$0x10800] =	vst v63  }
0x120: {  	_ =	swait.ge [sflag:s20], $0x4000  }
0x121: {  	[sflag:s20] =	ssyncset.done $0x0  }
0x122: {  	s5 =	sadd.s32 $0x5800, s30;
	[sflag:s20] =	ssyncadd.s32 $0xFFFFC000  }
0x123: {  	[hbm4b:s5+s3] =	stream.linear.scatter [tilespmem:s17], [sflag:$0x8], $0x4000, $0x38;
	[tilespmem:$0x10800] =	vst v63  }
0x124: {  	_ =	swait.ge [sflag:s21], $0x4000  }
0x125: {  	[sflag:s21] =	ssyncset.done $0x0  }
0x126: {  	s31 =	rddreg [dreg:$0x10];
	[sflag:s21] =	ssyncadd.s32 $0xFFFFC000  }
0x127: {  	[tilespmem:s13], [sflag:$0x2] =	stream.indirect.gather [hbm4b:s2+s11], $0x80, s31, s11, $0xb8;
	[tilespmem:$0x10800] =	vst v63  }
0x128: {  	_ =	swait.ge [sflag:s14], $0x4000  }
0x129: {  	[sflag:s14] =	ssyncset.done $0x0  }
0x12a: {  	s1 =	sadd.s32 $0x6000, s30;
	[sflag:s14] =	ssyncadd.s32 $0xFFFFC000  }
0x12b: {  	[hbm4b:s1+s3] =	stream.linear.scatter [tilespmem:s12], [sflag:$0x5], $0x4000, $0x38;
	[tilespmem:$0x10800] =	vst v63  }
0x12c: {  	_ =	swait.ge [sflag:s22], $0x4000  }
0x12d: {  	[sflag:s22] =	ssyncset.done $0x0  }
0x12e: {  	s4 =	rddreg [dreg:$0x11];
	[sflag:s22] =	ssyncadd.s32 $0xFFFFC000  }
0x12f: {  	[tilespmem:s15], [sflag:$0x3] =	stream.indirect.gather [hbm4b:s2+s11], $0x80, s4, s11, $0xb8;
	[tilespmem:$0x10800] =	vst v63  }
0x130: {  	_ =	swait.ge [sflag:s16], $0x4000  }
0x131: {  	[sflag:s16] =	ssyncset.done $0x0  }
0x132: {  	s5 =	sadd.s32 $0x6800, s30;
	[sflag:s16] =	ssyncadd.s32 $0xFFFFC000  }
0x133: {  	[hbm4b:s5+s3] =	stream.linear.scatter [tilespmem:s13], [sflag:$0x6], $0x4000, $0x38;
	[tilespmem:$0x10800] =	vst v63  }
0x134: {  	s26 =	sadd.s32 $0x8000, s26;
	_ =	swait.ge [sflag:s23], $0x4000  }
0x135: {  	p0 =	sne.s32 s26, $0x190000;
	[sflag:s23] =	ssyncset.done $0x0  }
.Ltmp0:
0x136: {  	s31 =	rddreg [dreg:$0x12];
	[sflag:s23] =	ssyncadd.s32 $0xFFFFC000;
	(pc) =	sbr.rel @p0 .LBB2_2-.Ltmp0, $4  }
0x137: {  	[tilespmem:s17], [sflag:$0x4] =	stream.indirect.gather [hbm4b:s2+s11], $0x80, s31, s11, $0xb8;
	[tilespmem:$0x10800] =	vst v63  }
0x138: {  	_ =	swait.ge [sflag:s18], $0x4000  }
0x139: {  	s29 =	sadd.s32 $0x100, s29;
	[sflag:s18] =	ssyncset.done $0x0  }
0x13a: {  	s28 =	sadd.s32 $0x100, s28;
	s30 =	sadd.s32 $0x7000, s30;
	[sflag:s18] =	ssyncadd.s32 $0xFFFFC000  }
0x13b: {  	[hbm4b:s30+s3] =	stream.linear.scatter [tilespmem:s15], [sflag:$0x7], $0x4000, $0x38;
	[tilespmem:$0x10800] =	vst v63  }
0x13c: {  	_ =	swait.ge [sflag:s20], $0x4000  }
0x13d: {  	[sflag:s20] =	ssyncset.done $0x0  }
0x13e: {  	s0 =	rddreg [dreg:$0x14];
	[sflag:s20] =	ssyncadd.s32 $0xFFFFC000  }
0x13f: {  	[hbm4b:s0+s3] =	stream.linear.scatter [tilespmem:s17], [sflag:$0x8], $0x4000, $0x38;
	[tilespmem:$0x10800] =	vst v63  }
0x140: {  	_ =	swait.ge [sflag:s19], $0x4000  }
0x141: {  	[sflag:s19] =	ssyncset.done $0x0  }
0x142: {  	[sflag:s19] =	ssyncadd.s32 $0xFFFFC000  }
0x143: {  	_ =	swait.ge [sflag:s21], $0x4000  }
0x144: {  	[sflag:s21] =	ssyncset.done $0x0  }
0x145: {  	s25 =	sadd.s32 $0x1, s25;
	[sflag:s21] =	ssyncadd.s32 $0xFFFFC000  }
0x146: {  	p0 =	sne.s32 s25, s6;
	_ =	swait.ge [sflag:s22], $0x4000  }
.Ltmp1:
0x147: {  	[sflag:s22] =	ssyncset.done $0x0;
	(pc) =	sbr.rel @p0 .LBB2_1-.Ltmp1, $4  }
0x148: {  	[sflag:s22] =	ssyncadd.s32 $0xFFFFC000  }
0x149: {  	_ =	swait.ge [sflag:s23], $0x4000  }
0x14a: {  	[sflag:s23] =	ssyncset.done $0x0  }
0x14b: {  	[sflag:s23] =	ssyncadd.s32 $0xFFFFC000  }
0x14c: {  	_ =	sfence.sel $0x180000  }
0x14d: {  	[bflag:$0x0] =	sbarrier.arrive $0xFFFF  }
0x14e: {  	_ =	strace $0x90000047  }
0x14f: {  	s0 =	stileid.u32;
	[bflag:$0x2] =	sbarrier.arrive $0xFFFF  }
0x150: {  	p0 =	sne.s32 s0, $0x0;
	s0 =	rddreg [dreg:$0x2]  }
0x151: {  	s0 =	sadd.s32 @!p0 $0x100000, s0  }
0x152: {  	[sflag:s0] =	ssyncadd.tile.s32 @!p0 $0x1;
	_ =	shalt  }
.Lfunc_end2:
_tile_overlayer_lowered:
.L_overlay_start_2:
0x153: {  	(tag) =	ssettag $0x2  }
0x154: {  	s0 =	rddreg [dreg:$0x0];
	s2 =	stileid.u32  }
0x155: {  	s1 =	rddreg [dreg:$0x1];
	p0 =	sne.s32 s2, $0x0  }
0x156: {  	s3 =	rddreg [dreg:$0x2];
	[bflag:$0x3] =	sbarrier.arrive $0xFFFF;
	s2 =	simm.s32 @!p0 $0x1C09  }
0x157: {  	[timem:s3], [sflag:s2] =	dma.local @!p0 [hbm:s0], s1  }
0x158: {  	s0 =	simm.s32 @!p0 $0x9  }
0x159: {  	_ =	swait.ge @!p0 [sflag:s0], s1  }
0x15a: {  	s1 =	ssub.s32 @!p0 $0x0, s1;
	[sflag:s0] =	ssyncset.done @!p0 $0x0  }
0x15b: {  	[sflag:s0] =	ssyncadd.s32 @!p0 s1  }
0x15c: {  	[bflag:$0x3] =	sbarrier.arrive $0xFFFF  }
0x15d: {  	_ =	shalt  }

// kernel: sparse-core-data-format-call.cloned.1.call-start
scs
called_computation_lowered:
.L_overlay_start_0:
0x0: {  	s2 =	sld [smem:$0x3FD9]  }
0x1: {  	s3 =	sld [smem:$0x3FFE];
	_ =	sdelay $0x1  }
0x2: {  	s1 =	srdreg.scid  }
0x3: {  	s0 =	sand.u32 $0x1, s1  }
0x4: {  	s18 =	sshll.u32 s0, $0xA;
	s2 =	sadd.s32 s3, s2  }
0x5: {  	s2 =	sadd.s32 s2, s18  }
0x6: {  	[smem:$0x3FC5] =	sst s2  }
0x7: {  	_ = 	snop  }
0x8: {  	s2 =	sld [smem:$0x3FD0];
	(tm) =	ssettm $0x1  }
0x9: {  	s19 =	sld [smem:$0x3FFB];
	_ =	sdelay $0x3  }
0xa: {  	_ =	strace s19  }
0xb: {  	s3 =	sld [smem:$0x3FFC];
	_ =	sdelay $0x3  }
0xc: {  	_ =	strace s3  }
0xd: {  	s3 =	sld [smem:$0x3FFD];
	_ =	sdelay $0x3  }
0xe: {  	_ =	strace s3  }
0xf: {  	_ =	strace $0x8FFFFFFF  }
0x10: {  	s20 =	sld [smem:$0x3FDB];
	_ =	sdelay $0x1  }
0x11: {  	s4 =	simm.s32 $_scs_section_size  }
0x12: {  	s5 =	simm.s32 $_size__tile_overlayer_lowered;
	s6 =	simm.s32 $_tile_overlayer_lowered  }
0x13: {  	s23 =	simm.s32 $0x1BFF;
	s22 =	sshll.u32 s6, $0x1;
	s3 =	sadd.s32 s4, s20  }
0x14: {  	s7 =	simm.s32 $0x0;
	s21 =	sshll.u32 s5, $0x1;
	s5 =	sadd.s32 s22, s3  }
0x15: {  	[timem:s7], [sflag:s23] =	dma.local [hbm:s5], s21  }
0x16: {  	_ =	swait.ge [sflag:s23], s21  }
0x17: {  	s4 =	ssub.s32 $0x0, s21;
	[sflag:s23] =	ssyncset.done $0x0  }
0x18: {  	[sflag:s23] =	ssyncadd.s32 s4;
	_ =	sdelay $0x1  }
0x19: {  	s24 =	simm.s32 $0x1B8B  }
0x1a: {  	_ =	swait.ge [sflag:s24], $0x1  }
0x1b: {  	[sflag:s24] =	ssyncset.done $0x0  }
0x1c: {  	s26 =	simm.s32 $0x1B8E;
	s25 =	sld [smem:$0x3FFE];
	[sflag:s24] =	ssyncadd.s32 $0xFFFFFFFF  }
0x1d: {  	s27 =	simm.s32 $execute0_lowered;
	[smem:$0x3FD2] =	sst s26  }
0x1e: {  	s5 =	sshll.u32 s27, $0x1;
	_ =	strace $0x80000049;
	[dreg:$0x1] =	wrdreg $0xFFFFFFFF  }
0x1f: {  	s28 =	simm.s32 $_size_execute0_lowered;
	s3 =	sadd.s32 s3, s5;
	[dreg:$0x0] =	wrdreg $0x0  }
0x20: {  	s5 =	sshll.u32 s28, $0x1;
	[dreg:$0x2] =	wrdreg s3  }
0x21: {  	[dreg:$0x3] =	wrdreg s5  }
0x22: {  	[dreg:$0x4] =	wrdreg $0xC0  }
0x23: {  	_ =	task [dreg:s7], $0x5FFFF  }
0x24: {  	[dreg:$0x1] =	wrdreg $0xFFFFFFFF  }
0x25: {  	[dreg:$0x0] =	wrdreg $0x60  }
0x26: {  	[dreg:$0x2] =	wrdreg s25  }
0x27: {  	[dreg:$0x3] =	wrdreg s2  }
0x28: {  	[dreg:$0x4] =	wrdreg $0x9  }
0x29: {  	_ =	task.clear_ibuf [dreg:s7], $0x5FFFF;
	_ =	strace $0x90000049  }
0x2a: {  	s29 =	simm.s32 $0x9;
	_ =	strace $0x8000004B  }
0x2b: {  	_ =	swait.ge [sflag:s29], $0x1  }
0x2c: {  	[sflag:s29] =	ssyncadd.s32 $0xFFFFFFFF  }
0x2d: {  	_ =	strace $0x9000004B  }
0x2e: {  	_ =	sfence  }
0x2f: {  	s30 =	sld [smem:$0x0];
	_ =	sdelay $0x2  }
0x30: {  	s31 =	sshll.u32 s1, $0xD;
	s1 =	sshrl.u32 s1, $0x2  }
0x31: {  	s3 =	sand.u32 $0x4000, s31;
	s1 =	sadd.s32 s1, s30  }
0x32: {  	s0 =	sor.u32 s3, s0;
	s1 =	sshll.u32 s1, $0x11  }
0x33: {  	s0 =	sor.u32 s1, s0  }
0x34: {  	s0 =	sadd.s32 $0x8F2B, s0  }
0x35: {  	[sflag:s0] =	ssyncadd.remote.s32 $0x1  }
0x36: {  	_ =	sfence.sel $0xFFFF  }
0x37: {  	[dreg:$0x0] =	wrdreg $0xFFFFFFFF;
	(pc) =	sbr.abs _section_cstart, $3  }
0x38: {  	[dreg:$0x1] =	wrdreg $0xFFFFFFFF  }
0x39: {  	_ =	task.clear_ibuf [dreg:s7], $0x2FFFF;
	_ =	strace $0x9FFFFFFF  }
0x3a: {  	(tm) =	ssettm $0x7FFFFFFF  }
0x3b: {  	_ =	shalt  }
tec
execute0_lowered:
.L_overlay_start_1:
0x0: {  	(tag) =	ssettag $0x1  }
0x1: {  	s0 =	srdreg.scid  }
0x2: {  	s1 =	sshll.u32 s0, $0x4  }
0x3: {  	s6 =	rddreg [dreg:$0x0];
	s0 =	stileid.u32;
	s1 =	sand.u32 $0x10, s1  }
0x4: {  	s3 =	rddreg [dreg:$0x1];
	s1 =	sor.u32 s0, s1  }
0x5: {  	s5 =	simm.s32 $0x1;
	s31 =	simm.s32 $0x2;
	s2 =	sshll.u32 s1, $0x7  }
0x6: {  	s15 =	simm.s32 $0x0;
	s8 =	simm.s32 $0x320000;
	s4 =	ssub.s32 $0x4000, s2  }
0x7: {  	s14 =	simm.s32 $0x0;
	s9 =	simm.s32 $0x0;
	s30 =	sand.u32 $0xF80, s4  }
0x8: {  	s10 =	simm.s32 $0x0;
	s11 =	simm.s32 $0x0;
	p0 =	sne.s32 s30, $0x0  }
.Ltmp0:
0x9: {  	s7 =	sshrl.u32 s4, $0xC;
	s5 =	simm.s32 @!p0 $0x0;
	(pc) =	sbr.rel .LBB1_1-.Ltmp0, $4  }
0xa: {  	s13 =	simm.s32 $0x0;
	s1 =	rddreg [dreg:$0x2];
	s5 =	sadd.s32 s5, s7  }
0xb: {  	_ =	strace $0x8000004A;
	s4 =	simm.s32 $0x1;
	s5 =	smul.u32 $0xC8, s5  }
0xc: {  	s6 =	sadd.s32 $0x64800, s6;
	s12 =	smov.u32 s2;
	[sflag:s4] =	ssyncpa.u1 $0x0  }
0xd: {  	[sflag:s31] =	ssyncpa.u1 $0x0;
	p0 =	por $0x0, $0x0;
	s7 =	sor.u32 $0x1, s5  }
.LBB1_4:
0xe: {  	s20 =	sshra.s32 s20, $0x2;
	s27 =	sshll.u32 s9, $0xE  }
0xf: {  	s21 =	sand.u32 $0x78, s10;
	s22 =	sshll.u32 s10, $0x3;
	s24 =	sshll.u32 s9, $0x7  }
0x10: {  	p1 =	sgt.s32 s9, $0xC7;
	s30 =	sshra.s32 s9, $0x1F;
	s25 =	sshra.s32 s10, $0x1F  }
0x11: {  	s19 =	sadd.s32 s20, s19;
	s20 =	sand.u32 $0xFFFE0000, s27;
	s23 =	sand.u32 $0xFFFFFC00, s22  }
0x12: {  	v5 =	vld [tilespmem:s17+$0xFFFFFFD0];
	[tilespmem:s18+$0x2040 ss:$0x81] =	vst.msk $0xffff, v4;
	s22 =	sand.u32 $0x3C00, s22;
	s28 =	sand.u32 $0x380, s24;
	s31 =	sand.u32 s30, s9  }
0x13: {  	v58 =	vld [tilespmem:s17+$0xFFFFFFE0];
	[tilespmem:s18+$0x2850 ss:$0x81] =	vst.msk $0xffff, v3;
	s24 =	smov.u32 s10;
	s25 =	sand.u32 s25, s10;
	s20 =	sadd.s32 s23, s20  }
0x14: {  	v59 =	vld [tilespmem:s17+$0xFFFFFFF0];
	[tilespmem:s18+$0x3060 ss:$0x81] =	vst.msk $0xffff, v2;
	s21 =	sor.u32 s21, s22;
	s22 =	smov.u32 s9;
	s20 =	sshrl.u32 s20, $0xE  }
0x15: {  	v60 =	vld [tilespmem:s17+$0x0];
	[tilespmem:s18+$0x0 ss:$0x81] =	vst.msk $0xffff, v1;
	s22 =	simm.s32 @!p1 $0xC7;
	p1 =	sgt.s32 s10, $0x3F80;
	s29 =	smulhi.u32 $0x147AE15, s20  }
0x16: {  	v61 =	vld [tilespmem:s17+$0x10];
	[tilespmem:s19+$0x3870 ss:$0x81] =	vst.msk $0xffff, v0;
	s21 =	sor.u32 s28, s21;
	s18 =	ssub.s32 s22, s31;
	s24 =	simm.s32 @!p1 $0x3F80  }
0x17: {  	v62 =	vld [tilespmem:s17+$0x20];
	[tilespmem:s19+$0x810 ss:$0x81] =	vst.msk $0xffff, v5;
	s22 =	ssub.s32 s24, s25;
	s26 =	ssub.s32 $0xC8, s18;
	s23 =	smul.u32 $0xC8, s29  }
0x18: {  	v63 =	vld [tilespmem:s17+$0xFFFFFFC0];
	[tilespmem:s19+$0x1020 ss:$0x81] =	vst.msk $0xffff, v58;
	s27 =	sadd.s32 $0xFFFFFF39, s18;
	s18 =	smul.u32 $0x64, s26;
	s28 =	sadd.s32 $0xFFFFC080, s22  }
0x19: {  	[tilespmem:s19+$0x1830 ss:$0x81] =	vst.msk $0xffff, v59;
	p1 =	sgt.s32 s27, $0x0;
	s17 =	ssub.s32 $0x4000, s22;
	p2 =	sgt.s32 s28, $0x7F  }
0x1a: {  	s30 =	sand.u32 $0x7, s10;
	[tilespmem:s19+$0x2040 ss:$0x81] =	vst.msk $0xffff, v60;
	s18 =	simm.s32 @p1 $0x0;
	s17 =	simm.s32 @p2 $0x0  }
0x1b: {  	[tilespmem:s19+$0x2850 ss:$0x81] =	vst.msk $0xffff, v61;
	s29 =	sshrl.u32 s21, $0x3;
	s20 =	ssub.s32 s20, s23;
	s17 =	smul.u32 s17, s18  }
0x1c: {  	[tilespmem:s19+$0x3060 ss:$0x81] =	vst.msk $0xffff, v62;
	s21 =	sshll.u32 s30, $0x12;
	s20 =	sshll.u32 s20, $0xB;
	s18 =	sadd.s32 s3, s29  }
0x1d: {  	[tilespmem:s19+$0x0 ss:$0x81] =	vst.msk $0xffff, v63;
	s31 =	sor.u32 $0x80, s21;
	s18 =	sadd.s32 s20, s18;
	s17 =	sand.u32 $0x3FFFFFFC, s17  }
0x1e: {  	[hbm4b:s18+s31] =	stream.strided.scatter [tilespmem:s16], [sflag:$0x2], s17, s8, s31, $0x20;
	[tilespmem:$0x10100] =	vst v63  }
.LBB1_5:
0x1f: {  	p1 =	slt.u32 s13, $0x2  }
0x20: {  	s17 =	smov.u32 s15;
	p2 =	sgt.s32 @!p1 s15, $0xC7;
	s16 =	sshra.s32 @!p1 s15, $0x1F  }
0x21: {  	p3 =	sgt.s32 @!p1 s14, $0x3F80;
	s18 =	sshra.s32 @!p1 s14, $0x1F;
	p2 =	por !p2, p1  }
0x22: {  	s15 =	sand.u32 @!p1 s16, s15;
	p3 =	por !p3, p1;
	s16 =	smov.u32 s14  }
0x23: {  	s14 =	sand.u32 @!p1 s18, s14;
	s17 =	simm.s32 @p2 $0xC7;
	s16 =	simm.s32 @p3 $0x3F80  }
0x24: {  	s18 =	smov.u32 s12;
	s15 =	ssub.s32 @!p1 s17, s15;
	s14 =	ssub.s32 @!p1 s16, s14  }
0x25: {  	s16 =	sadd.s32 @!p1 $0xFFFFFF39, s15;
	s15 =	ssub.s32 @!p1 $0xC8, s15;
	s17 =	sadd.s32 @!p1 $0xFFFFC080, s14  }
0x26: {  	p2 =	sgt.s32 @!p1 s16, $0x0;
	s15 =	smul.u32 @!p1 $0x64, s15;
	p3 =	sgt.s32 @!p1 s17, $0x7F  }
0x27: {  	s14 =	ssub.s32 @!p1 $0x4000, s14;
	p2 =	por !p2, p1;
	p3 =	por !p3, p1  }
0x28: {  	s16 =	sadd.s32 $0x1, s11;
	s15 =	simm.s32 @!p2 $0x0;
	s14 =	simm.s32 @!p3 $0x0  }
0x29: {  	p2 =	sgt.s32 s16, $0xC7;
	s14 =	smul.u32 @!p1 s14, s15;
	s15 =	sadd.s32 $0x1000, s12  }
0x2a: {  	s18 =	smov.u32 @p2 s15  }
0x2b: {  	s16 =	simm.s32 @p2 $0x0;
	p2 =	sgt.s32 s18, $0x3FFF  }
0x2c: {  	s18 =	smov.u32 @p2 s2;
	p2 =	sne.s32 s13, s7  }
.Ltmp1:
0x2d: {  	p0 =	por !p0, !p0;
	s17 =	simm.s32 @!p1 $0x2;
	(pc) =	sbr.rel @!p2 .LBB1_6-.Ltmp1, $4  }
0x2e: {  	s15 =	smov.u32 s9;
	s9 =	smov.u32 s11;
	s14 =	sand.u32 @!p1 $0x3FFFFFFC, s14  }
0x2f: {  	s11 =	smov.u32 s16;
	_ =	swait.ge @!p1 [sflag:s17], s14;
	s19 =	ssub.s32 @!p1 $0x0, s14  }
0x30: {  	s14 =	smov.u32 s10;
	s13 =	sadd.s32 $0x1, s13;
	[sflag:s17] =	ssyncset.done @!p1 $0x0  }
0x31: {  	s10 =	smov.u32 s12;
	s12 =	smov.u32 s18;
	[sflag:s17] =	ssyncadd.s32 @!p1 s19  }
.LBB1_1:
0x32: {  	p1 =	sge.u32 s13, s5  }
0x33: {  	s16 =	sand.u32 @!p1 $0x1FFFFFF, s11  }
0x34: {  	s17 =	smulhi.u32 @!p1 $0x147AE15, s16;
	_ =	sdelay $0x1  }
0x35: {  	s17 =	smul.u32 @!p1 $0xC8, s17  }
0x36: {  	s18 =	sxor.u32 @!p1 $0xFFFFFFFF, s13;
	s19 =	smul.u32 @!p1 $0xC80, s12  }
0x37: {  	s31 =	sadd.s32 $0xFFFFFFFF, s13;
	s18 =	sshll.u32 @!p1 s18, $0xE;
	s16 =	ssub.s32 @!p1 s16, s17  }
0x38: {  	s17 =	sand.u32 @!p1 $0x4000, s18;
	s18 =	sadd.s32 @!p1 s6, s19;
	s16 =	sshll.u32 @!p1 s16, $0x4  }
0x39: {  	s19 =	simm.s32 @!p1 $0x6400;
	s16 =	sadd.s32 @!p1 s16, s18;
	s18 =	simm.s32 @!p1 $0x80  }
0x3a: {  	[tilespmem:s17], [sflag:$0x1] =	stream.strided.gather @!p1 [hbm4b:s16+s18], $0x4000, s19, s18, $0x38;
	[tilespmem:$0x10100] =	vst v63  }
0x3b: {  	p1 =	sge.u32 s31, s5  }
.Ltmp2:
0x3c: {  	_ = 	snop;
	(pc) =	sbr.rel @p1 .LBB1_5-.Ltmp2, $1  }
0x3d: {  	_ =	sdelay $0x3  }
0x3e: {  	s16 =	simm.s32 $0x1  }
0x3f: {  	_ =	swait.ge [sflag:s4], $0x4000;
	s16 =	simm.s32 @!p0 $0x0  }
0x40: {  	[sflag:s4] =	ssyncset.done $0x0;
	s17 =	sshll.u32 s16, $0xE  }
0x41: {  	[sflag:s4] =	ssyncadd.s32 $0xFFFFC000;
	s17 =	sor.u32 $0x40, s17  }
0x42: {  	s16 =	smul.u32 $0x10200, s16;
	v0 =	vld [tilespmem:s17+$0x30]  }
0x43: {  	v1 =	vld [tilespmem:s17+$0xFFFFFFD0]  }
0x44: {  	s16 =	sshrl.u32 s16, $0x2;
	v5 =	vld [tilespmem:s17+$0xFFFFFFE0]  }
0x45: {  	v6 =	vld [tilespmem:s17+$0xFFFFFFF0];
	s19 =	sor.u32 $0x8000, s16  }
0x46: {  	s31 =	sand.u32 $0x1, s13;
	v4 =	vld [tilespmem:s17+$0x0];
	s18 =	sadd.s32 $0x0, s19  }
0x47: {  	v3 =	vld [tilespmem:s17+$0x10];
	s16 =	smul.u32 $0x10200, s31;
	[tilespmem:s18+$0x3870 ss:$0x81] =	vst.msk $0xffff, v0  }
0x48: {  	v2 =	vld [tilespmem:s17+$0x20];
	[tilespmem:s18+$0x810 ss:$0x81] =	vst.msk $0xffff, v1  }
0x49: {  	s16 =	sshrl.u32 s16, $0x2;
	v1 =	vld [tilespmem:s17+$0xFFFFFFC0];
	[tilespmem:s18+$0x1020 ss:$0x81] =	vst.msk $0xffff, v5;
	s17 =	sadd.s32 $0x80, s17  }
0x4a: {  	s20 =	simm.s32 $0x4;
	s21 =	simm.s32 $0x8;
	s16 =	sor.u32 $0x8000, s16;
	[tilespmem:s18+$0x1830 ss:$0x81] =	vst.msk $0xffff, v6;
	v0 =	vld [tilespmem:s17+$0x30]  }
.LBB1_3:
0x4b: {  	p1 =	sne.s32 s21, $0x1FC;
	v5 =	vld [tilespmem:s17+$0xFFFFFFD0];
	[tilespmem:s18+$0x2040 ss:$0x81] =	vst.msk $0xffff, v4  }
0x4c: {  	v6 =	vld [tilespmem:s17+$0xFFFFFFE0];
	[tilespmem:s18+$0x2850 ss:$0x81] =	vst.msk $0xffff, v3  }
0x4d: {  	s22 =	sshra.s32 s20, $0x2;
	s20 =	smov.u32 s21;
	v7 =	vld [tilespmem:s17+$0xFFFFFFF0];
	[tilespmem:s18+$0x3060 ss:$0x81] =	vst.msk $0xffff, v2  }
.Ltmp3:
0x4e: {  	v4 =	vld [tilespmem:s17+$0x0];
	[tilespmem:s18+$0x0 ss:$0x81] =	vst.msk $0xffff, v1;
	s18 =	sadd.s32 s22, s19;
	(pc) =	sbr.rel @p1 .LBB1_3-.Ltmp3, $4  }
0x4f: {  	v3 =	vld [tilespmem:s17+$0x10];
	[tilespmem:s18+$0x3870 ss:$0x81] =	vst.msk $0xffff, v0  }
0x50: {  	[tilespmem:s18+$0x810 ss:$0x81] =	vst.msk $0xffff, v5;
	v2 =	vld [tilespmem:s17+$0x20]  }
0x51: {  	v1 =	vld [tilespmem:s17+$0xFFFFFFC0];
	[tilespmem:s18+$0x1020 ss:$0x81] =	vst.msk $0xffff, v6;
	s17 =	sadd.s32 $0x80, s17  }
0x52: {  	s21 =	sadd.s32 $0x4, s21;
	v0 =	vld [tilespmem:s17+$0x30];
	[tilespmem:s18+$0x1830 ss:$0x81] =	vst.msk $0xffff, v7  }
.Ltmp4:
0x53: {  	_ = 	snop;
	(pc) =	sbr.rel .LBB1_4-.Ltmp4, $1  }
0x54: {  	_ =	sdelay $0x3  }
.LBB1_6:
0x55: {  	_ =	sfence.sel $0x180000  }
0x56: {  	s2 =	simm.s32 $0x1;
	[bflag:$0x0] =	sbarrier.arrive $0xFFFF  }
0x57: {  	s31 =	simm.s32 $0x2;
	[sflag:s2] =	ssyncpa.u1 $0x1  }
0x58: {  	[sflag:s31] =	ssyncpa.u1 $0x1  }
0x59: {  	p0 =	sne.s32 s0, $0x0;
	_ =	strace $0x9000004A  }
0x5a: {  	s0 =	sadd.s32 @!p0 $0x100000, s1;
	[bflag:$0x2] =	sbarrier.arrive $0xFFFF  }
0x5b: {  	[sflag:s0] =	ssyncadd.tile.s32 @!p0 $0x1;
	_ =	shalt  }
.Lfunc_end1:
_tile_overlayer_lowered:
.L_overlay_start_2:
0x5c: {  	(tag) =	ssettag $0x2  }
0x5d: {  	s0 =	rddreg [dreg:$0x0];
	s2 =	stileid.u32  }
0x5e: {  	s1 =	rddreg [dreg:$0x1];
	p0 =	sne.s32 s2, $0x0  }
0x5f: {  	s3 =	rddreg [dreg:$0x2];
	[bflag:$0x3] =	sbarrier.arrive $0xFFFF;
	s2 =	simm.s32 @!p0 $0x1C01  }
0x60: {  	[timem:s3], [sflag:s2] =	dma.local @!p0 [hbm:s0], s1  }
0x61: {  	s0 =	simm.s32 @!p0 $0x1  }
0x62: {  	_ =	swait.ge @!p0 [sflag:s0], s1  }
0x63: {  	s1 =	ssub.s32 @!p0 $0x0, s1;
	[sflag:s0] =	ssyncset.done @!p0 $0x0  }
0x64: {  	[sflag:s0] =	ssyncadd.s32 @!p0 s1  }
0x65: {  	[bflag:$0x3] =	sbarrier.arrive $0xFFFF  }
0x66: {  	_ =	shalt  }

</sc_bundles>
